<compile_context>
chip_gen: v7x
topology: tpu7x:2x2x1
jax: 0.10.2.dev20260603
libtpu: 0.0.44.dev20260713+nightly
codegen_flags: <defaults>
</compile_context>

<pallas_src>
import functools

import jax
import jax.numpy as jnp
from jax import lax
from jax.experimental import pallas as pl
from jax.experimental.pallas import tpu as pltpu
from jax.experimental.pallas import tpu_sc as plsc

DIM = 64
SCALE = 0.125
NC, NS = 2, 16
NW = NC * NS
LB = 128
CHUNK = 256
TWORDS = 2 * 8 * LB * 8


@functools.lru_cache(maxsize=None)
def _build(bsz: int, seq: int):
  assert bsz % (NW * LB) == 0 or bsz == NW * LB
  assert seq % 8 == 0
  s_tiles = seq // 8
  n_chunks = seq // 2
  B = bsz * seq
  mesh = plsc.VectorSubcoreMesh(core_axis_name="c", subcore_axis_name="s")

  @functools.partial(
      pl.kernel,
      out_type=jax.ShapeDtypeStruct((B * DIM,), jnp.float32),
      mesh=mesh,
      compiler_params=pltpu.CompilerParams(
          use_tc_tiling_on_sc=False, needs_layout_passes=False),
      scratch_types=[
          pltpu.VMEM((CHUNK,), jnp.int32),
          pltpu.VMEM((CHUNK,), jnp.int32),
          pltpu.VMEM((CHUNK, DIM), jnp.float32),
          pltpu.VMEM((CHUNK, DIM), jnp.float32),
          pltpu.VMEM((TWORDS,), jnp.float32),
          pltpu.VMEM((TWORDS,), jnp.float32),
          pltpu.SemaphoreType.DMA,
          pltpu.SemaphoreType.DMA,
          pltpu.SemaphoreType.DMA,
          pltpu.SemaphoreType.DMA,
          pltpu.SemaphoreType.DMA,
          pltpu.SemaphoreType.DMA,
      ],
  )
  def embed(ids_hbm, w_hbm, out_hbm, idx0, idx1, r0, r1, t0, t1,
            sem_i0, sem_i1, sem_g0, sem_g1, sem_o0, sem_o1):
    c = lax.axis_index("s") * NC + lax.axis_index("c")

    iota = lax.iota(jnp.int32, 16)
    rot = [(iota + g) & 15 for g in range(16)]
    stid = [iota * LB + r for r in rot]

    slots = (
        (idx0, r0, t0, sem_i0, sem_g0, sem_o0),
        (idx1, r1, t1, sem_i1, sem_g1, sem_o1),
    )

    def idx_off(k):
      return ((k >> 2) * NW + c) * 1024 + (k & 3) * CHUNK

    for b, (idxb, rb, tb, sem_ib, sem_gb, sem_ob) in enumerate(slots):
      pltpu.sync_copy(ids_hbm.at[pl.ds(idx_off(b), CHUNK)], idxb)
      pltpu.async_copy(w_hbm.at[idxb], rb, sem_gb)

    @pl.loop(0, n_chunks // 2)
    def _(i):
      for b, (idxb, rb, tb, sem_ib, sem_gb, sem_ob) in enumerate(slots):
        k = i * 2 + b
        pltpu.make_async_copy(w_hbm.at[idxb], rb, sem_gb).wait()

        @pl.when(k < n_chunks - 2)
        def _():
          pltpu.async_copy(ids_hbm.at[pl.ds(idx_off(k + 2), CHUNK)],
                           idxb, sem_ib)

        @pl.when(k >= 2)
        def _():
          pltpu.make_async_copy(tb, out_hbm.at[pl.ds(0, TWORDS)],
                                sem_ob).wait()

        @plsc.parallel_loop(0, 64)
        def _(tl):
          t = tl >> 5
          lt = (tl >> 2) & 7
          dt = tl & 3
          lrow0 = t * LB + lt * 16
          stbase = t * 8192 + dt * 2048 + lt * 16
          colv = iota + dt * 16
          for g in range(16):
            v = plsc.load_gather(rb, [rot[g] + lrow0, colv]) * SCALE
            plsc.store_scatter(tb, [stid[g] + stbase], v)

        s0 = (k >> 2) * 8 + (k & 3) * 2
        for t in range(2):
          for d1 in range(8):
            off = (((s0 + t) * 8 + d1) * NW + c) * 1024
            pltpu.async_copy(tb.at[pl.ds(t * 8192 + d1 * 1024, 1024)],
                             out_hbm.at[pl.ds(off, 1024)], sem_ob)

        @pl.when(k < n_chunks - 2)
        def _():
          pltpu.make_async_copy(ids_hbm.at[pl.ds(0, CHUNK)],
                                idxb, sem_ib).wait()
          pltpu.async_copy(w_hbm.at[idxb], rb, sem_gb)

    for b, (idxb, rb, tb, sem_ib, sem_gb, sem_ob) in enumerate(slots):
      pltpu.make_async_copy(tb, out_hbm.at[pl.ds(0, TWORDS)], sem_ob).wait()

  return embed


def kernel(ids, weight):
  bsz, seq = ids.shape
  ids_n = (ids.T.astype(jnp.int32)
           .reshape(seq // 8, 8, bsz // LB, LB)
           .transpose(0, 2, 1, 3)
           .reshape(bsz * seq))
  out1 = _build(bsz, seq)(ids_n, weight)
  return (out1.reshape(seq, 8, bsz // LB, 8, LB)
          .transpose(2, 4, 0, 1, 3)
          .reshape(bsz, seq, DIM))

# --- scband reference (transcript-rebuilt; emitter-appended) ---
"""Pipeline reference for scband-cpmant-embeddings-3066606649488 (READ-ONLY COPY).

The authoritative reference and input builder live on the scoring server;
editing this copy changes nothing except your own understanding.
"""

import math
import jax, jax.numpy as jnp
import numpy as np

VOCAB = 100000
DIM = 64
BATCH = 4096
SEQ = 200

def setup_inputs(seed: int = 0) -> dict:
    key = jax.random.key(seed)
    k_ids, k_w = jax.random.split(key)
    ids = jax.random.randint(k_ids, (BATCH, SEQ), 0, VOCAB, dtype=jnp.int64 if jax.config.jax_enable_x64 else jnp.int32)
    weight = jax.random.normal(k_w, (VOCAB, DIM), dtype=jnp.float32) * 0.02
    return {"ids": ids, "weight": weight}

def reference(ids, weight):
    # F.embedding(ids, weight) / sqrt(dim_model)
    embeds = jnp.take(weight, ids, axis=0) / math.sqrt(DIM)
    return embeds

if __name__ == "__main__":
    import jax
    _d = setup_inputs()
    print(jax.jit(kernel)(*tuple(_d.values())))

</pallas_src>

<mosaic_0001>
#map = affine_map<(d0, d1) -> (0)>
#map1 = affine_map<(d0, d1) -> (0, 0)>
module attributes {stable_mosaic.version = 14 : i64} {
  func.func @embed(%arg0: i32, %arg1: i32, %arg2: memref<819200xi32, #tpu.memory_space<hbm>>, %arg3: memref<100000x64xf32, #tpu.memory_space<hbm>>, %arg4: memref<52428800xf32, #tpu.memory_space<hbm>>, %arg5: memref<256xi32, #tpu.memory_space<vmem>>, %arg6: memref<256xi32, #tpu.memory_space<vmem>>, %arg7: memref<256x64xf32, #tpu.memory_space<vmem>>, %arg8: memref<256x64xf32, #tpu.memory_space<vmem>>, %arg9: memref<16384xf32, #tpu.memory_space<vmem>>, %arg10: memref<16384xf32, #tpu.memory_space<vmem>>, %arg11: memref<!tpu.dma_semaphore, #tpu.memory_space<semaphore_mem>>, %arg12: memref<!tpu.dma_semaphore, #tpu.memory_space<semaphore_mem>>, %arg13: memref<!tpu.dma_semaphore, #tpu.memory_space<semaphore_mem>>, %arg14: memref<!tpu.dma_semaphore, #tpu.memory_space<semaphore_mem>>, %arg15: memref<!tpu.dma_semaphore, #tpu.memory_space<semaphore_mem>>, %arg16: memref<!tpu.dma_semaphore, #tpu.memory_space<semaphore_mem>>) attributes {dimension_semantics = [#tpu.dimension_semantics<core_parallel>, #tpu.dimension_semantics<subcore_parallel>], iteration_bounds = array<i64: 2, 16>, scalar_prefetch = 0 : i64, scratch_operands = 12 : i64, tpu.core_type = #tpu.core_type<sc_vector_subcore>, window_params = [{transform_indices = #map}, {transform_indices = #map1}, {transform_indices = #map}]} {
    %mul3A = arith.constant 2 : i32
    %mul3A_0 = arith.muli %arg1, %mul3A : i32
    %add3A = arith.addi %mul3A_0, %arg0 : i32
    %iota3A = tpu.iota {dimensions = array<i32: 0>} : vector<16xi32>
    %add3A_1 = arith.constant 0 : i32
    %add3A_2 = vector.broadcast %add3A_1 : i32 to vector<16xi32>
    %add3A_3 = arith.addi %iota3A, %add3A_2 : vector<16xi32>
    %and3A = arith.constant 15 : i32
    %and3A_4 = vector.broadcast %and3A : i32 to vector<16xi32>
    %and3A_5 = arith.andi %add3A_3, %and3A_4 : vector<16xi32>
    %add3A_6 = arith.constant 1 : i32
    %add3A_7 = vector.broadcast %add3A_6 : i32 to vector<16xi32>
    %add3A_8 = arith.addi %iota3A, %add3A_7 : vector<16xi32>
    %and3A_9 = arith.constant 15 : i32
    %and3A_10 = vector.broadcast %and3A_9 : i32 to vector<16xi32>
    %and3A_11 = arith.andi %add3A_8, %and3A_10 : vector<16xi32>
    %add3A_12 = arith.constant 2 : i32
    %add3A_13 = vector.broadcast %add3A_12 : i32 to vector<16xi32>
    %add3A_14 = arith.addi %iota3A, %add3A_13 : vector<16xi32>
    %and3A_15 = arith.constant 15 : i32
    %and3A_16 = vector.broadcast %and3A_15 : i32 to vector<16xi32>
    %and3A_17 = arith.andi %add3A_14, %and3A_16 : vector<16xi32>
    %add3A_18 = arith.constant 3 : i32
    %add3A_19 = vector.broadcast %add3A_18 : i32 to vector<16xi32>
    %add3A_20 = arith.addi %iota3A, %add3A_19 : vector<16xi32>
    %and3A_21 = arith.constant 15 : i32
    %and3A_22 = vector.broadcast %and3A_21 : i32 to vector<16xi32>
    %and3A_23 = arith.andi %add3A_20, %and3A_22 : vector<16xi32>
    %add3A_24 = arith.constant 4 : i32
    %add3A_25 = vector.broadcast %add3A_24 : i32 to vector<16xi32>
    %add3A_26 = arith.addi %iota3A, %add3A_25 : vector<16xi32>
    %and3A_27 = arith.constant 15 : i32
    %and3A_28 = vector.broadcast %and3A_27 : i32 to vector<16xi32>
    %and3A_29 = arith.andi %add3A_26, %and3A_28 : vector<16xi32>
    %add3A_30 = arith.constant 5 : i32
    %add3A_31 = vector.broadcast %add3A_30 : i32 to vector<16xi32>
    %add3A_32 = arith.addi %iota3A, %add3A_31 : vector<16xi32>
    %and3A_33 = arith.constant 15 : i32
    %and3A_34 = vector.broadcast %and3A_33 : i32 to vector<16xi32>
    %and3A_35 = arith.andi %add3A_32, %and3A_34 : vector<16xi32>
    %add3A_36 = arith.constant 6 : i32
    %add3A_37 = vector.broadcast %add3A_36 : i32 to vector<16xi32>
    %add3A_38 = arith.addi %iota3A, %add3A_37 : vector<16xi32>
    %and3A_39 = arith.constant 15 : i32
    %and3A_40 = vector.broadcast %and3A_39 : i32 to vector<16xi32>
    %and3A_41 = arith.andi %add3A_38, %and3A_40 : vector<16xi32>
    %add3A_42 = arith.constant 7 : i32
    %add3A_43 = vector.broadcast %add3A_42 : i32 to vector<16xi32>
    %add3A_44 = arith.addi %iota3A, %add3A_43 : vector<16xi32>
    %and3A_45 = arith.constant 15 : i32
    %and3A_46 = vector.broadcast %and3A_45 : i32 to vector<16xi32>
    %and3A_47 = arith.andi %add3A_44, %and3A_46 : vector<16xi32>
    %add3A_48 = arith.constant 8 : i32
    %add3A_49 = vector.broadcast %add3A_48 : i32 to vector<16xi32>
    %add3A_50 = arith.addi %iota3A, %add3A_49 : vector<16xi32>
    %and3A_51 = arith.constant 15 : i32
    %and3A_52 = vector.broadcast %and3A_51 : i32 to vector<16xi32>
    %and3A_53 = arith.andi %add3A_50, %and3A_52 : vector<16xi32>
    %add3A_54 = arith.constant 9 : i32
    %add3A_55 = vector.broadcast %add3A_54 : i32 to vector<16xi32>
    %add3A_56 = arith.addi %iota3A, %add3A_55 : vector<16xi32>
    %and3A_57 = arith.constant 15 : i32
    %and3A_58 = vector.broadcast %and3A_57 : i32 to vector<16xi32>
    %and3A_59 = arith.andi %add3A_56, %and3A_58 : vector<16xi32>
    %add3A_60 = arith.constant 10 : i32
    %add3A_61 = vector.broadcast %add3A_60 : i32 to vector<16xi32>
    %add3A_62 = arith.addi %iota3A, %add3A_61 : vector<16xi32>
    %and3A_63 = arith.constant 15 : i32
    %and3A_64 = vector.broadcast %and3A_63 : i32 to vector<16xi32>
    %and3A_65 = arith.andi %add3A_62, %and3A_64 : vector<16xi32>
    %add3A_66 = arith.constant 11 : i32
    %add3A_67 = vector.broadcast %add3A_66 : i32 to vector<16xi32>
    %add3A_68 = arith.addi %iota3A, %add3A_67 : vector<16xi32>
    %and3A_69 = arith.constant 15 : i32
    %and3A_70 = vector.broadcast %and3A_69 : i32 to vector<16xi32>
    %and3A_71 = arith.andi %add3A_68, %and3A_70 : vector<16xi32>
    %add3A_72 = arith.constant 12 : i32
    %add3A_73 = vector.broadcast %add3A_72 : i32 to vector<16xi32>
    %add3A_74 = arith.addi %iota3A, %add3A_73 : vector<16xi32>
    %and3A_75 = arith.constant 15 : i32
    %and3A_76 = vector.broadcast %and3A_75 : i32 to vector<16xi32>
    %and3A_77 = arith.andi %add3A_74, %and3A_76 : vector<16xi32>
    %add3A_78 = arith.constant 13 : i32
    %add3A_79 = vector.broadcast %add3A_78 : i32 to vector<16xi32>
    %add3A_80 = arith.addi %iota3A, %add3A_79 : vector<16xi32>
    %and3A_81 = arith.constant 15 : i32
    %and3A_82 = vector.broadcast %and3A_81 : i32 to vector<16xi32>
    %and3A_83 = arith.andi %add3A_80, %and3A_82 : vector<16xi32>
    %add3A_84 = arith.constant 14 : i32
    %add3A_85 = vector.broadcast %add3A_84 : i32 to vector<16xi32>
    %add3A_86 = arith.addi %iota3A, %add3A_85 : vector<16xi32>
    %and3A_87 = arith.constant 15 : i32
    %and3A_88 = vector.broadcast %and3A_87 : i32 to vector<16xi32>
    %and3A_89 = arith.andi %add3A_86, %and3A_88 : vector<16xi32>
    %add3A_90 = arith.constant 15 : i32
    %add3A_91 = vector.broadcast %add3A_90 : i32 to vector<16xi32>
    %add3A_92 = arith.addi %iota3A, %add3A_91 : vector<16xi32>
    %and3A_93 = arith.constant 15 : i32
    %and3A_94 = vector.broadcast %and3A_93 : i32 to vector<16xi32>
    %and3A_95 = arith.andi %add3A_92, %and3A_94 : vector<16xi32>
    %mul3A_96 = arith.constant 128 : i32
    %mul3A_97 = vector.broadcast %mul3A_96 : i32 to vector<16xi32>
    %mul3A_98 = arith.muli %iota3A, %mul3A_97 : vector<16xi32>
    %add3A_99 = arith.addi %mul3A_98, %and3A_5 : vector<16xi32>
    %mul3A_100 = arith.constant 128 : i32
    %mul3A_101 = vector.broadcast %mul3A_100 : i32 to vector<16xi32>
    %mul3A_102 = arith.muli %iota3A, %mul3A_101 : vector<16xi32>
    %add3A_103 = arith.addi %mul3A_102, %and3A_11 : vector<16xi32>
    %mul3A_104 = arith.constant 128 : i32
    %mul3A_105 = vector.broadcast %mul3A_104 : i32 to vector<16xi32>
    %mul3A_106 = arith.muli %iota3A, %mul3A_105 : vector<16xi32>
    %add3A_107 = arith.addi %mul3A_106, %and3A_17 : vector<16xi32>
    %mul3A_108 = arith.constant 128 : i32
    %mul3A_109 = vector.broadcast %mul3A_108 : i32 to vector<16xi32>
    %mul3A_110 = arith.muli %iota3A, %mul3A_109 : vector<16xi32>
    %add3A_111 = arith.addi %mul3A_110, %and3A_23 : vector<16xi32>
    %mul3A_112 = arith.constant 128 : i32
    %mul3A_113 = vector.broadcast %mul3A_112 : i32 to vector<16xi32>
    %mul3A_114 = arith.muli %iota3A, %mul3A_113 : vector<16xi32>
    %add3A_115 = arith.addi %mul3A_114, %and3A_29 : vector<16xi32>
    %mul3A_116 = arith.constant 128 : i32
    %mul3A_117 = vector.broadcast %mul3A_116 : i32 to vector<16xi32>
    %mul3A_118 = arith.muli %iota3A, %mul3A_117 : vector<16xi32>
    %add3A_119 = arith.addi %mul3A_118, %and3A_35 : vector<16xi32>
    %mul3A_120 = arith.constant 128 : i32
    %mul3A_121 = vector.broadcast %mul3A_120 : i32 to vector<16xi32>
    %mul3A_122 = arith.muli %iota3A, %mul3A_121 : vector<16xi32>
    %add3A_123 = arith.addi %mul3A_122, %and3A_41 : vector<16xi32>
    %mul3A_124 = arith.constant 128 : i32
    %mul3A_125 = vector.broadcast %mul3A_124 : i32 to vector<16xi32>
    %mul3A_126 = arith.muli %iota3A, %mul3A_125 : vector<16xi32>
    %add3A_127 = arith.addi %mul3A_126, %and3A_47 : vector<16xi32>
    %mul3A_128 = arith.constant 128 : i32
    %mul3A_129 = vector.broadcast %mul3A_128 : i32 to vector<16xi32>
    %mul3A_130 = arith.muli %iota3A, %mul3A_129 : vector<16xi32>
    %add3A_131 = arith.addi %mul3A_130, %and3A_53 : vector<16xi32>
    %mul3A_132 = arith.constant 128 : i32
    %mul3A_133 = vector.broadcast %mul3A_132 : i32 to vector<16xi32>
    %mul3A_134 = arith.muli %iota3A, %mul3A_133 : vector<16xi32>
    %add3A_135 = arith.addi %mul3A_134, %and3A_59 : vector<16xi32>
    %mul3A_136 = arith.constant 128 : i32
    %mul3A_137 = vector.broadcast %mul3A_136 : i32 to vector<16xi32>
    %mul3A_138 = arith.muli %iota3A, %mul3A_137 : vector<16xi32>
    %add3A_139 = arith.addi %mul3A_138, %and3A_65 : vector<16xi32>
    %mul3A_140 = arith.constant 128 : i32
    %mul3A_141 = vector.broadcast %mul3A_140 : i32 to vector<16xi32>
    %mul3A_142 = arith.muli %iota3A, %mul3A_141 : vector<16xi32>
    %add3A_143 = arith.addi %mul3A_142, %and3A_71 : vector<16xi32>
    %mul3A_144 = arith.constant 128 : i32
    %mul3A_145 = vector.broadcast %mul3A_144 : i32 to vector<16xi32>
    %mul3A_146 = arith.muli %iota3A, %mul3A_145 : vector<16xi32>
    %add3A_147 = arith.addi %mul3A_146, %and3A_77 : vector<16xi32>
    %mul3A_148 = arith.constant 128 : i32
    %mul3A_149 = vector.broadcast %mul3A_148 : i32 to vector<16xi32>
    %mul3A_150 = arith.muli %iota3A, %mul3A_149 : vector<16xi32>
    %add3A_151 = arith.addi %mul3A_150, %and3A_83 : vector<16xi32>
    %mul3A_152 = arith.constant 128 : i32
    %mul3A_153 = vector.broadcast %mul3A_152 : i32 to vector<16xi32>
    %mul3A_154 = arith.muli %iota3A, %mul3A_153 : vector<16xi32>
    %add3A_155 = arith.addi %mul3A_154, %and3A_89 : vector<16xi32>
    %mul3A_156 = arith.constant 128 : i32
    %mul3A_157 = vector.broadcast %mul3A_156 : i32 to vector<16xi32>
    %mul3A_158 = arith.muli %iota3A, %mul3A_157 : vector<16xi32>
    %add3A_159 = arith.addi %mul3A_158, %and3A_95 : vector<16xi32>
    %add3A_160 = arith.constant 0 : i32
    %add3A_161 = arith.addi %add3A_160, %add3A : i32
    %mul3A_162 = arith.constant 1024 : i32
    %mul3A_163 = arith.muli %add3A_161, %mul3A_162 : i32
    %add3A_164 = arith.constant 0 : i32
    %add3A_165 = arith.addi %mul3A_163, %add3A_164 : i32
    "tpu.region"() ({
      %run_scoped3A = tpu.sem_alloc : memref<!tpu.dma_semaphore, #tpu.memory_space<semaphore_mem>>
      %dma_start3A_188 = tpu.memref_slice %arg2[%add3A_165] : memref<819200xi32, #tpu.memory_space<hbm>> -> memref<256xi32, #tpu.memory_space<hbm>>
      %dma_start3A_189 = tpu.memref_slice %arg2[%add3A_165] : memref<819200xi32, #tpu.memory_space<hbm>> -> memref<256xi32, #tpu.memory_space<hbm>>
      tpu.enqueue_dma source(%dma_start3A_189 : memref<256xi32, #tpu.memory_space<hbm>>) target(%arg5 : memref<256xi32, #tpu.memory_space<vmem>>) target_semaphore(%run_scoped3A : memref<!tpu.dma_semaphore, #tpu.memory_space<semaphore_mem>>)
      %dma_wait3A_190 = tpu.memref_slice %arg2[%add3A_165] : memref<819200xi32, #tpu.memory_space<hbm>> -> memref<256xi32, #tpu.memory_space<hbm>>
      %dma_wait3A_191 = tpu.memref_slice %arg2[%add3A_165] : memref<819200xi32, #tpu.memory_space<hbm>> -> memref<256xi32, #tpu.memory_space<hbm>>
      tpu.wait_dma2 semaphore(%run_scoped3A : memref<!tpu.dma_semaphore, #tpu.memory_space<semaphore_mem>>) src(%dma_wait3A_191 : memref<256xi32, #tpu.memory_space<hbm>>) dst(%arg5 : memref<256xi32, #tpu.memory_space<vmem>>)
      tpu.yield
    }) : () -> ()
    %dma_start3A = arith.constant 0 : i32
    %dma_start3A_166 = arith.constant 0 : i32
    %dma_start3A_167 = tpu.memref_slice %arg3[%dma_start3A, %dma_start3A_166] : memref<100000x64xf32, #tpu.memory_space<hbm>> -> memref<100000x64xf32, #tpu.memory_space<hbm>>
    tpu.enqueue_indirect_dma source(%dma_start3A_167 : memref<100000x64xf32, #tpu.memory_space<hbm>>) target(%arg7 : memref<256x64xf32, #tpu.memory_space<vmem>>) offsets(%arg5 : memref<256xi32, #tpu.memory_space<vmem>>) semaphore(%arg13 : memref<!tpu.dma_semaphore, #tpu.memory_space<semaphore_mem>>)
    %add3A_168 = arith.constant 0 : i32
    %add3A_169 = arith.addi %add3A_168, %add3A : i32
    %mul3A_170 = arith.constant 1024 : i32
    %mul3A_171 = arith.muli %add3A_169, %mul3A_170 : i32
    %add3A_172 = arith.constant 256 : i32
    %add3A_173 = arith.addi %mul3A_171, %add3A_172 : i32
    "tpu.region"() ({
      %run_scoped3A = tpu.sem_alloc : memref<!tpu.dma_semaphore, #tpu.memory_space<semaphore_mem>>
      %dma_start3A_188 = tpu.memref_slice %arg2[%add3A_173] : memref<819200xi32, #tpu.memory_space<hbm>> -> memref<256xi32, #tpu.memory_space<hbm>>
      %dma_start3A_189 = tpu.memref_slice %arg2[%add3A_173] : memref<819200xi32, #tpu.memory_space<hbm>> -> memref<256xi32, #tpu.memory_space<hbm>>
      tpu.enqueue_dma source(%dma_start3A_189 : memref<256xi32, #tpu.memory_space<hbm>>) target(%arg6 : memref<256xi32, #tpu.memory_space<vmem>>) target_semaphore(%run_scoped3A : memref<!tpu.dma_semaphore, #tpu.memory_space<semaphore_mem>>)
      %dma_wait3A_190 = tpu.memref_slice %arg2[%add3A_173] : memref<819200xi32, #tpu.memory_space<hbm>> -> memref<256xi32, #tpu.memory_space<hbm>>
      %dma_wait3A_191 = tpu.memref_slice %arg2[%add3A_173] : memref<819200xi32, #tpu.memory_space<hbm>> -> memref<256xi32, #tpu.memory_space<hbm>>
      tpu.wait_dma2 semaphore(%run_scoped3A : memref<!tpu.dma_semaphore, #tpu.memory_space<semaphore_mem>>) src(%dma_wait3A_191 : memref<256xi32, #tpu.memory_space<hbm>>) dst(%arg6 : memref<256xi32, #tpu.memory_space<vmem>>)
      tpu.yield
    }) : () -> ()
    %dma_start3A_174 = arith.constant 0 : i32
    %dma_start3A_175 = arith.constant 0 : i32
    %dma_start3A_176 = tpu.memref_slice %arg3[%dma_start3A_174, %dma_start3A_175] : memref<100000x64xf32, #tpu.memory_space<hbm>> -> memref<100000x64xf32, #tpu.memory_space<hbm>>
    tpu.enqueue_indirect_dma source(%dma_start3A_176 : memref<100000x64xf32, #tpu.memory_space<hbm>>) target(%arg8 : memref<256x64xf32, #tpu.memory_space<vmem>>) offsets(%arg6 : memref<256xi32, #tpu.memory_space<vmem>>) semaphore(%arg14 : memref<!tpu.dma_semaphore, #tpu.memory_space<semaphore_mem>>)
    %scan3A = arith.constant 0 : i32
    %scan3A_177 = arith.constant 50 : i32
    %scan3A_178 = arith.addi %scan3A, %scan3A_177 : i32
    %scan3A_179 = arith.constant 1 : i32
    scf.for %scan3A_188 = %scan3A to %scan3A_178 step %scan3A_179  : i32 {
      %mul3A_189 = arith.constant 1 : i32
      %mul3A_190 = arith.muli %scan3A_188, %mul3A_189 : i32
      %add3A_191 = arith.constant 0 : i32
      %add3A_192 = arith.addi %add3A_191, %mul3A_190 : i32
      %mul3A_193 = arith.constant 2 : i32
      %mul3A_194 = arith.muli %add3A_192, %mul3A_193 : i32
      %add3A_195 = arith.constant 0 : i32
      %add3A_196 = arith.addi %mul3A_194, %add3A_195 : i32
      %dma_wait3A_197 = arith.constant 0 : i32
      %dma_wait3A_198 = arith.constant 0 : i32
      %dma_wait3A_199 = tpu.memref_slice %arg3[%dma_wait3A_197, %dma_wait3A_198] : memref<100000x64xf32, #tpu.memory_space<hbm>> -> memref<100000x64xf32, #tpu.memory_space<hbm>>
      tpu.wait_indirect_dma semaphore(%arg13 : memref<!tpu.dma_semaphore, #tpu.memory_space<semaphore_mem>>) src(%dma_wait3A_199 : memref<100000x64xf32, #tpu.memory_space<hbm>>) dst(%arg7 : memref<256x64xf32, #tpu.memory_space<vmem>>)
      %lt3A = arith.constant 98 : i32
      %lt3A_200 = arith.cmpi slt, %add3A_196, %lt3A : i32
      %convert_element_type3A = arith.extui %lt3A_200 : i1 to i32
      %cond3A = arith.constant 0 : i32
      %cond3A_201 = arith.cmpi ne, %convert_element_type3A, %cond3A : i32
      scf.if %cond3A_201 {
        %add3A_799 = arith.constant 2 : i32
        %add3A_800 = arith.addi %add3A_196, %add3A_799 : i32
        %shift_right_arithmetic3A_801 = arith.constant 2 : i32
        %shift_right_arithmetic3A_802 = arith.shrsi %add3A_800, %shift_right_arithmetic3A_801 : i32
        %mul3A_803 = arith.constant 32 : i32
        %mul3A_804 = arith.muli %shift_right_arithmetic3A_802, %mul3A_803 : i32
        %add3A_805 = arith.addi %mul3A_804, %add3A : i32
        %mul3A_806 = arith.constant 1024 : i32
        %mul3A_807 = arith.muli %add3A_805, %mul3A_806 : i32
        %and3A_808 = arith.constant 3 : i32
        %and3A_809 = arith.andi %add3A_800, %and3A_808 : i32
        %mul3A_810 = arith.constant 256 : i32
        %mul3A_811 = arith.muli %and3A_809, %mul3A_810 : i32
        %add3A_812 = arith.addi %mul3A_807, %mul3A_811 : i32
        %dma_start3A_813 = tpu.memref_slice %arg2[%add3A_812] : memref<819200xi32, #tpu.memory_space<hbm>> -> memref<256xi32, #tpu.memory_space<hbm>>
        %dma_start3A_814 = tpu.memref_slice %arg2[%add3A_812] : memref<819200xi32, #tpu.memory_space<hbm>> -> memref<256xi32, #tpu.memory_space<hbm>>
        tpu.enqueue_dma source(%dma_start3A_814 : memref<256xi32, #tpu.memory_space<hbm>>) target(%arg5 : memref<256xi32, #tpu.memory_space<vmem>>) target_semaphore(%arg11 : memref<!tpu.dma_semaphore, #tpu.memory_space<semaphore_mem>>)
      } else {
      }
      %ge3A = arith.constant 2 : i32
      %ge3A_202 = arith.cmpi sge, %add3A_196, %ge3A : i32
      %convert_element_type3A_203 = arith.extui %ge3A_202 : i1 to i32
      %cond3A_204 = arith.constant 0 : i32
      %cond3A_205 = arith.cmpi ne, %convert_element_type3A_203, %cond3A_204 : i32
      scf.if %cond3A_205 {
        %dma_wait3A_799 = arith.constant 0 : i32
        %dma_wait3A_800 = tpu.memref_slice %arg4[%dma_wait3A_799] : memref<52428800xf32, #tpu.memory_space<hbm>> -> memref<16384xf32, #tpu.memory_space<hbm>>
        %dma_wait3A_801 = arith.constant 0 : i32
        %dma_wait3A_802 = tpu.memref_slice %arg4[%dma_wait3A_801] : memref<52428800xf32, #tpu.memory_space<hbm>> -> memref<16384xf32, #tpu.memory_space<hbm>>
        tpu.wait_dma2 semaphore(%arg15 : memref<!tpu.dma_semaphore, #tpu.memory_space<semaphore_mem>>) src(%arg9 : memref<16384xf32, #tpu.memory_space<vmem>>) dst(%dma_wait3A_802 : memref<16384xf32, #tpu.memory_space<hbm>>)
      } else {
      }
      %parallel_loop3A = arith.constant 0 : i32
      %parallel_loop3A_206 = arith.constant 64 : i32
      %parallel_loop3A_207 = arith.constant 1 : i32
      scf.for %parallel_loop3A_799 = %parallel_loop3A to %parallel_loop3A_206 step %parallel_loop3A_207  : i32 {
        %parallel_loop3A_800 = arith.constant 5 : i32
        %parallel_loop3A_801 = arith.shrsi %parallel_loop3A_799, %parallel_loop3A_800 : i32
        %parallel_loop3A_802 = arith.constant 2 : i32
        %parallel_loop3A_803 = arith.shrsi %parallel_loop3A_799, %parallel_loop3A_802 : i32
        %parallel_loop3A_804 = arith.constant 7 : i32
        %parallel_loop3A_805 = arith.andi %parallel_loop3A_803, %parallel_loop3A_804 : i32
        %parallel_loop3A_806 = arith.constant 3 : i32
        %parallel_loop3A_807 = arith.andi %parallel_loop3A_799, %parallel_loop3A_806 : i32
        %parallel_loop3A_808 = arith.constant 128 : i32
        %parallel_loop3A_809 = arith.muli %parallel_loop3A_801, %parallel_loop3A_808 : i32
        %parallel_loop3A_810 = arith.constant 16 : i32
        %parallel_loop3A_811 = arith.muli %parallel_loop3A_805, %parallel_loop3A_810 : i32
        %parallel_loop3A_812 = arith.addi %parallel_loop3A_809, %parallel_loop3A_811 : i32
        %parallel_loop3A_813 = arith.constant 8192 : i32
        %parallel_loop3A_814 = arith.muli %parallel_loop3A_801, %parallel_loop3A_813 : i32
        %parallel_loop3A_815 = arith.constant 2048 : i32
        %parallel_loop3A_816 = arith.muli %parallel_loop3A_807, %parallel_loop3A_815 : i32
        %parallel_loop3A_817 = arith.addi %parallel_loop3A_814, %parallel_loop3A_816 : i32
        %parallel_loop3A_818 = arith.constant 16 : i32
        %parallel_loop3A_819 = arith.muli %parallel_loop3A_805, %parallel_loop3A_818 : i32
        %parallel_loop3A_820 = arith.addi %parallel_loop3A_817, %parallel_loop3A_819 : i32
        %parallel_loop3A_821 = arith.constant 16 : i32
        %parallel_loop3A_822 = arith.muli %parallel_loop3A_807, %parallel_loop3A_821 : i32
        %parallel_loop3A_823 = vector.broadcast %parallel_loop3A_822 : i32 to vector<16xi32>
        %parallel_loop3A_824 = arith.addi %iota3A, %parallel_loop3A_823 : vector<16xi32>
        %parallel_loop3A_825 = vector.broadcast %parallel_loop3A_812 : i32 to vector<16xi32>
        %parallel_loop3A_826 = arith.addi %and3A_5, %parallel_loop3A_825 : vector<16xi32>
        %parallel_loop3A_827 = tpu.vector_load_idx %arg7[%parallel_loop3A_826, %parallel_loop3A_824] : memref<256x64xf32, #tpu.memory_space<vmem>>[vector<16xi32>, vector<16xi32>], vector<16xf32>,
        %parallel_loop3A_828 = arith.constant 1.250000e-01 : f32
        %parallel_loop3A_829 = vector.broadcast %parallel_loop3A_828 : f32 to vector<16xf32>
        %parallel_loop3A_830 = arith.mulf %parallel_loop3A_827, %parallel_loop3A_829 : vector<16xf32>
        %parallel_loop3A_831 = vector.broadcast %parallel_loop3A_820 : i32 to vector<16xi32>
        %parallel_loop3A_832 = arith.addi %add3A_99, %parallel_loop3A_831 : vector<16xi32>
        tpu.vector_store_idx %arg9[%parallel_loop3A_832], %parallel_loop3A_830 : memref<16384xf32, #tpu.memory_space<vmem>>[vector<16xi32>], vector<16xf32>,
        %parallel_loop3A_833 = vector.broadcast %parallel_loop3A_812 : i32 to vector<16xi32>
        %parallel_loop3A_834 = arith.addi %and3A_11, %parallel_loop3A_833 : vector<16xi32>
        %parallel_loop3A_835 = tpu.vector_load_idx %arg7[%parallel_loop3A_834, %parallel_loop3A_824] : memref<256x64xf32, #tpu.memory_space<vmem>>[vector<16xi32>, vector<16xi32>], vector<16xf32>,
        %parallel_loop3A_836 = arith.constant 1.250000e-01 : f32
        %parallel_loop3A_837 = vector.broadcast %parallel_loop3A_836 : f32 to vector<16xf32>
        %parallel_loop3A_838 = arith.mulf %parallel_loop3A_835, %parallel_loop3A_837 : vector<16xf32>
        %parallel_loop3A_839 = vector.broadcast %parallel_loop3A_820 : i32 to vector<16xi32>
        %parallel_loop3A_840 = arith.addi %add3A_103, %parallel_loop3A_839 : vector<16xi32>
        tpu.vector_store_idx %arg9[%parallel_loop3A_840], %parallel_loop3A_838 : memref<16384xf32, #tpu.memory_space<vmem>>[vector<16xi32>], vector<16xf32>,
        %parallel_loop3A_841 = vector.broadcast %parallel_loop3A_812 : i32 to vector<16xi32>
        %parallel_loop3A_842 = arith.addi %and3A_17, %parallel_loop3A_841 : vector<16xi32>
        %parallel_loop3A_843 = tpu.vector_load_idx %arg7[%parallel_loop3A_842, %parallel_loop3A_824] : memref<256x64xf32, #tpu.memory_space<vmem>>[vector<16xi32>, vector<16xi32>], vector<16xf32>,
        %parallel_loop3A_844 = arith.constant 1.250000e-01 : f32
        %parallel_loop3A_845 = vector.broadcast %parallel_loop3A_844 : f32 to vector<16xf32>
        %parallel_loop3A_846 = arith.mulf %parallel_loop3A_843, %parallel_loop3A_845 : vector<16xf32>
        %parallel_loop3A_847 = vector.broadcast %parallel_loop3A_820 : i32 to vector<16xi32>
        %parallel_loop3A_848 = arith.addi %add3A_107, %parallel_loop3A_847 : vector<16xi32>
        tpu.vector_store_idx %arg9[%parallel_loop3A_848], %parallel_loop3A_846 : memref<16384xf32, #tpu.memory_space<vmem>>[vector<16xi32>], vector<16xf32>,
        %parallel_loop3A_849 = vector.broadcast %parallel_loop3A_812 : i32 to vector<16xi32>
        %parallel_loop3A_850 = arith.addi %and3A_23, %parallel_loop3A_849 : vector<16xi32>
        %parallel_loop3A_851 = tpu.vector_load_idx %arg7[%parallel_loop3A_850, %parallel_loop3A_824] : memref<256x64xf32, #tpu.memory_space<vmem>>[vector<16xi32>, vector<16xi32>], vector<16xf32>,
        %parallel_loop3A_852 = arith.constant 1.250000e-01 : f32
        %parallel_loop3A_853 = vector.broadcast %parallel_loop3A_852 : f32 to vector<16xf32>
        %parallel_loop3A_854 = arith.mulf %parallel_loop3A_851, %parallel_loop3A_853 : vector<16xf32>
        %parallel_loop3A_855 = vector.broadcast %parallel_loop3A_820 : i32 to vector<16xi32>
        %parallel_loop3A_856 = arith.addi %add3A_111, %parallel_loop3A_855 : vector<16xi32>
        tpu.vector_store_idx %arg9[%parallel_loop3A_856], %parallel_loop3A_854 : memref<16384xf32, #tpu.memory_space<vmem>>[vector<16xi32>], vector<16xf32>,
        %parallel_loop3A_857 = vector.broadcast %parallel_loop3A_812 : i32 to vector<16xi32>
        %parallel_loop3A_858 = arith.addi %and3A_29, %parallel_loop3A_857 : vector<16xi32>
        %parallel_loop3A_859 = tpu.vector_load_idx %arg7[%parallel_loop3A_858, %parallel_loop3A_824] : memref<256x64xf32, #tpu.memory_space<vmem>>[vector<16xi32>, vector<16xi32>], vector<16xf32>,
        %parallel_loop3A_860 = arith.constant 1.250000e-01 : f32
        %parallel_loop3A_861 = vector.broadcast %parallel_loop3A_860 : f32 to vector<16xf32>
        %parallel_loop3A_862 = arith.mulf %parallel_loop3A_859, %parallel_loop3A_861 : vector<16xf32>
        %parallel_loop3A_863 = vector.broadcast %parallel_loop3A_820 : i32 to vector<16xi32>
        %parallel_loop3A_864 = arith.addi %add3A_115, %parallel_loop3A_863 : vector<16xi32>
        tpu.vector_store_idx %arg9[%parallel_loop3A_864], %parallel_loop3A_862 : memref<16384xf32, #tpu.memory_space<vmem>>[vector<16xi32>], vector<16xf32>,
        %parallel_loop3A_865 = vector.broadcast %parallel_loop3A_812 : i32 to vector<16xi32>
        %parallel_loop3A_866 = arith.addi %and3A_35, %parallel_loop3A_865 : vector<16xi32>
        %parallel_loop3A_867 = tpu.vector_load_idx %arg7[%parallel_loop3A_866, %parallel_loop3A_824] : memref<256x64xf32, #tpu.memory_space<vmem>>[vector<16xi32>, vector<16xi32>], vector<16xf32>,
        %parallel_loop3A_868 = arith.constant 1.250000e-01 : f32
        %parallel_loop3A_869 = vector.broadcast %parallel_loop3A_868 : f32 to vector<16xf32>
        %parallel_loop3A_870 = arith.mulf %parallel_loop3A_867, %parallel_loop3A_869 : vector<16xf32>
        %parallel_loop3A_871 = vector.broadcast %parallel_loop3A_820 : i32 to vector<16xi32>
        %parallel_loop3A_872 = arith.addi %add3A_119, %parallel_loop3A_871 : vector<16xi32>
        tpu.vector_store_idx %arg9[%parallel_loop3A_872], %parallel_loop3A_870 : memref<16384xf32, #tpu.memory_space<vmem>>[vector<16xi32>], vector<16xf32>,
        %parallel_loop3A_873 = vector.broadcast %parallel_loop3A_812 : i32 to vector<16xi32>
        %parallel_loop3A_874 = arith.addi %and3A_41, %parallel_loop3A_873 : vector<16xi32>
        %parallel_loop3A_875 = tpu.vector_load_idx %arg7[%parallel_loop3A_874, %parallel_loop3A_824] : memref<256x64xf32, #tpu.memory_space<vmem>>[vector<16xi32>, vector<16xi32>], vector<16xf32>,
        %parallel_loop3A_876 = arith.constant 1.250000e-01 : f32
        %parallel_loop3A_877 = vector.broadcast %parallel_loop3A_876 : f32 to vector<16xf32>
        %parallel_loop3A_878 = arith.mulf %parallel_loop3A_875, %parallel_loop3A_877 : vector<16xf32>
        %parallel_loop3A_879 = vector.broadcast %parallel_loop3A_820 : i32 to vector<16xi32>
        %parallel_loop3A_880 = arith.addi %add3A_123, %parallel_loop3A_879 : vector<16xi32>
        tpu.vector_store_idx %arg9[%parallel_loop3A_880], %parallel_loop3A_878 : memref<16384xf32, #tpu.memory_space<vmem>>[vector<16xi32>], vector<16xf32>,
        %parallel_loop3A_881 = vector.broadcast %parallel_loop3A_812 : i32 to vector<16xi32>
        %parallel_loop3A_882 = arith.addi %and3A_47, %parallel_loop3A_881 : vector<16xi32>
        %parallel_loop3A_883 = tpu.vector_load_idx %arg7[%parallel_loop3A_882, %parallel_loop3A_824] : memref<256x64xf32, #tpu.memory_space<vmem>>[vector<16xi32>, vector<16xi32>], vector<16xf32>,
        %parallel_loop3A_884 = arith.constant 1.250000e-01 : f32
        %parallel_loop3A_885 = vector.broadcast %parallel_loop3A_884 : f32 to vector<16xf32>
        %parallel_loop3A_886 = arith.mulf %parallel_loop3A_883, %parallel_loop3A_885 : vector<16xf32>
        %parallel_loop3A_887 = vector.broadcast %parallel_loop3A_820 : i32 to vector<16xi32>
        %parallel_loop3A_888 = arith.addi %add3A_127, %parallel_loop3A_887 : vector<16xi32>
        tpu.vector_store_idx %arg9[%parallel_loop3A_888], %parallel_loop3A_886 : memref<16384xf32, #tpu.memory_space<vmem>>[vector<16xi32>], vector<16xf32>,
        %parallel_loop3A_889 = vector.broadcast %parallel_loop3A_812 : i32 to vector<16xi32>
        %parallel_loop3A_890 = arith.addi %and3A_53, %parallel_loop3A_889 : vector<16xi32>
        %parallel_loop3A_891 = tpu.vector_load_idx %arg7[%parallel_loop3A_890, %parallel_loop3A_824] : memref<256x64xf32, #tpu.memory_space<vmem>>[vector<16xi32>, vector<16xi32>], vector<16xf32>,
        %parallel_loop3A_892 = arith.constant 1.250000e-01 : f32
        %parallel_loop3A_893 = vector.broadcast %parallel_loop3A_892 : f32 to vector<16xf32>
        %parallel_loop3A_894 = arith.mulf %parallel_loop3A_891, %parallel_loop3A_893 : vector<16xf32>
        %parallel_loop3A_895 = vector.broadcast %parallel_loop3A_820 : i32 to vector<16xi32>
        %parallel_loop3A_896 = arith.addi %add3A_131, %parallel_loop3A_895 : vector<16xi32>
        tpu.vector_store_idx %arg9[%parallel_loop3A_896], %parallel_loop3A_894 : memref<16384xf32, #tpu.memory_space<vmem>>[vector<16xi32>], vector<16xf32>,
        %parallel_loop3A_897 = vector.broadcast %parallel_loop3A_812 : i32 to vector<16xi32>
        %parallel_loop3A_898 = arith.addi %and3A_59, %parallel_loop3A_897 : vector<16xi32>
        %parallel_loop3A_899 = tpu.vector_load_idx %arg7[%parallel_loop3A_898, %parallel_loop3A_824] : memref<256x64xf32, #tpu.memory_space<vmem>>[vector<16xi32>, vector<16xi32>], vector<16xf32>,
        %parallel_loop3A_900 = arith.constant 1.250000e-01 : f32
        %parallel_loop3A_901 = vector.broadcast %parallel_loop3A_900 : f32 to vector<16xf32>
        %parallel_loop3A_902 = arith.mulf %parallel_loop3A_899, %parallel_loop3A_901 : vector<16xf32>
        %parallel_loop3A_903 = vector.broadcast %parallel_loop3A_820 : i32 to vector<16xi32>
        %parallel_loop3A_904 = arith.addi %add3A_135, %parallel_loop3A_903 : vector<16xi32>
        tpu.vector_store_idx %arg9[%parallel_loop3A_904], %parallel_loop3A_902 : memref<16384xf32, #tpu.memory_space<vmem>>[vector<16xi32>], vector<16xf32>,
        %parallel_loop3A_905 = vector.broadcast %parallel_loop3A_812 : i32 to vector<16xi32>
        %parallel_loop3A_906 = arith.addi %and3A_65, %parallel_loop3A_905 : vector<16xi32>
        %parallel_loop3A_907 = tpu.vector_load_idx %arg7[%parallel_loop3A_906, %parallel_loop3A_824] : memref<256x64xf32, #tpu.memory_space<vmem>>[vector<16xi32>, vector<16xi32>], vector<16xf32>,
        %parallel_loop3A_908 = arith.constant 1.250000e-01 : f32
        %parallel_loop3A_909 = vector.broadcast %parallel_loop3A_908 : f32 to vector<16xf32>
        %parallel_loop3A_910 = arith.mulf %parallel_loop3A_907, %parallel_loop3A_909 : vector<16xf32>
        %parallel_loop3A_911 = vector.broadcast %parallel_loop3A_820 : i32 to vector<16xi32>
        %parallel_loop3A_912 = arith.addi %add3A_139, %parallel_loop3A_911 : vector<16xi32>
        tpu.vector_store_idx %arg9[%parallel_loop3A_912], %parallel_loop3A_910 : memref<16384xf32, #tpu.memory_space<vmem>>[vector<16xi32>], vector<16xf32>,
        %parallel_loop3A_913 = vector.broadcast %parallel_loop3A_812 : i32 to vector<16xi32>
        %parallel_loop3A_914 = arith.addi %and3A_71, %parallel_loop3A_913 : vector<16xi32>
        %parallel_loop3A_915 = tpu.vector_load_idx %arg7[%parallel_loop3A_914, %parallel_loop3A_824] : memref<256x64xf32, #tpu.memory_space<vmem>>[vector<16xi32>, vector<16xi32>], vector<16xf32>,
        %parallel_loop3A_916 = arith.constant 1.250000e-01 : f32
        %parallel_loop3A_917 = vector.broadcast %parallel_loop3A_916 : f32 to vector<16xf32>
        %parallel_loop3A_918 = arith.mulf %parallel_loop3A_915, %parallel_loop3A_917 : vector<16xf32>
        %parallel_loop3A_919 = vector.broadcast %parallel_loop3A_820 : i32 to vector<16xi32>
        %parallel_loop3A_920 = arith.addi %add3A_143, %parallel_loop3A_919 : vector<16xi32>
        tpu.vector_store_idx %arg9[%parallel_loop3A_920], %parallel_loop3A_918 : memref<16384xf32, #tpu.memory_space<vmem>>[vector<16xi32>], vector<16xf32>,
        %parallel_loop3A_921 = vector.broadcast %parallel_loop3A_812 : i32 to vector<16xi32>
        %parallel_loop3A_922 = arith.addi %and3A_77, %parallel_loop3A_921 : vector<16xi32>
        %parallel_loop3A_923 = tpu.vector_load_idx %arg7[%parallel_loop3A_922, %parallel_loop3A_824] : memref<256x64xf32, #tpu.memory_space<vmem>>[vector<16xi32>, vector<16xi32>], vector<16xf32>,
        %parallel_loop3A_924 = arith.constant 1.250000e-01 : f32
        %parallel_loop3A_925 = vector.broadcast %parallel_loop3A_924 : f32 to vector<16xf32>
        %parallel_loop3A_926 = arith.mulf %parallel_loop3A_923, %parallel_loop3A_925 : vector<16xf32>
        %parallel_loop3A_927 = vector.broadcast %parallel_loop3A_820 : i32 to vector<16xi32>
        %parallel_loop3A_928 = arith.addi %add3A_147, %parallel_loop3A_927 : vector<16xi32>
        tpu.vector_store_idx %arg9[%parallel_loop3A_928], %parallel_loop3A_926 : memref<16384xf32, #tpu.memory_space<vmem>>[vector<16xi32>], vector<16xf32>,
        %parallel_loop3A_929 = vector.broadcast %parallel_loop3A_812 : i32 to vector<16xi32>
        %parallel_loop3A_930 = arith.addi %and3A_83, %parallel_loop3A_929 : vector<16xi32>
        %parallel_loop3A_931 = tpu.vector_load_idx %arg7[%parallel_loop3A_930, %parallel_loop3A_824] : memref<256x64xf32, #tpu.memory_space<vmem>>[vector<16xi32>, vector<16xi32>], vector<16xf32>,
        %parallel_loop3A_932 = arith.constant 1.250000e-01 : f32
        %parallel_loop3A_933 = vector.broadcast %parallel_loop3A_932 : f32 to vector<16xf32>
        %parallel_loop3A_934 = arith.mulf %parallel_loop3A_931, %parallel_loop3A_933 : vector<16xf32>
        %parallel_loop3A_935 = vector.broadcast %parallel_loop3A_820 : i32 to vector<16xi32>
        %parallel_loop3A_936 = arith.addi %add3A_151, %parallel_loop3A_935 : vector<16xi32>
        tpu.vector_store_idx %arg9[%parallel_loop3A_936], %parallel_loop3A_934 : memref<16384xf32, #tpu.memory_space<vmem>>[vector<16xi32>], vector<16xf32>,
        %parallel_loop3A_937 = vector.broadcast %parallel_loop3A_812 : i32 to vector<16xi32>
        %parallel_loop3A_938 = arith.addi %and3A_89, %parallel_loop3A_937 : vector<16xi32>
        %parallel_loop3A_939 = tpu.vector_load_idx %arg7[%parallel_loop3A_938, %parallel_loop3A_824] : memref<256x64xf32, #tpu.memory_space<vmem>>[vector<16xi32>, vector<16xi32>], vector<16xf32>,
        %parallel_loop3A_940 = arith.constant 1.250000e-01 : f32
        %parallel_loop3A_941 = vector.broadcast %parallel_loop3A_940 : f32 to vector<16xf32>
        %parallel_loop3A_942 = arith.mulf %parallel_loop3A_939, %parallel_loop3A_941 : vector<16xf32>
        %parallel_loop3A_943 = vector.broadcast %parallel_loop3A_820 : i32 to vector<16xi32>
        %parallel_loop3A_944 = arith.addi %add3A_155, %parallel_loop3A_943 : vector<16xi32>
        tpu.vector_store_idx %arg9[%parallel_loop3A_944], %parallel_loop3A_942 : memref<16384xf32, #tpu.memory_space<vmem>>[vector<16xi32>], vector<16xf32>,
        %parallel_loop3A_945 = vector.broadcast %parallel_loop3A_812 : i32 to vector<16xi32>
        %parallel_loop3A_946 = arith.addi %and3A_95, %parallel_loop3A_945 : vector<16xi32>
        %parallel_loop3A_947 = tpu.vector_load_idx %arg7[%parallel_loop3A_946, %parallel_loop3A_824] : memref<256x64xf32, #tpu.memory_space<vmem>>[vector<16xi32>, vector<16xi32>], vector<16xf32>,
        %parallel_loop3A_948 = arith.constant 1.250000e-01 : f32
        %parallel_loop3A_949 = vector.broadcast %parallel_loop3A_948 : f32 to vector<16xf32>
        %parallel_loop3A_950 = arith.mulf %parallel_loop3A_947, %parallel_loop3A_949 : vector<16xf32>
        %parallel_loop3A_951 = vector.broadcast %parallel_loop3A_820 : i32 to vector<16xi32>
        %parallel_loop3A_952 = arith.addi %add3A_159, %parallel_loop3A_951 : vector<16xi32>
        tpu.vector_store_idx %arg9[%parallel_loop3A_952], %parallel_loop3A_950 : memref<16384xf32, #tpu.memory_space<vmem>>[vector<16xi32>], vector<16xf32>,
      } {sc.loop_unroll_factor = 1 : i64, sc.parallel_access}
      %shift_right_arithmetic3A = arith.constant 2 : i32
      %shift_right_arithmetic3A_208 = arith.shrsi %add3A_196, %shift_right_arithmetic3A : i32
      %mul3A_209 = arith.constant 8 : i32
      %mul3A_210 = arith.muli %shift_right_arithmetic3A_208, %mul3A_209 : i32
      %and3A_211 = arith.constant 3 : i32
      %and3A_212 = arith.andi %add3A_196, %and3A_211 : i32
      %mul3A_213 = arith.constant 2 : i32
      %mul3A_214 = arith.muli %and3A_212, %mul3A_213 : i32
      %add3A_215 = arith.addi %mul3A_210, %mul3A_214 : i32
      %add3A_216 = arith.constant 0 : i32
      %add3A_217 = arith.addi %add3A_215, %add3A_216 : i32
      %mul3A_218 = arith.constant 8 : i32
      %mul3A_219 = arith.muli %add3A_217, %mul3A_218 : i32
      %add3A_220 = arith.constant 0 : i32
      %add3A_221 = arith.addi %mul3A_219, %add3A_220 : i32
      %mul3A_222 = arith.constant 32 : i32
      %mul3A_223 = arith.muli %add3A_221, %mul3A_222 : i32
      %add3A_224 = arith.addi %mul3A_223, %add3A : i32
      %mul3A_225 = arith.constant 1024 : i32
      %mul3A_226 = arith.muli %add3A_224, %mul3A_225 : i32
      %dma_start3A_227 = arith.constant 0 : i32
      %dma_start3A_228 = tpu.memref_slice %arg9[%dma_start3A_227] : memref<16384xf32, #tpu.memory_space<vmem>> -> memref<1024xf32, #tpu.memory_space<vmem>>
      %dma_start3A_229 = tpu.memref_slice %arg4[%mul3A_226] : memref<52428800xf32, #tpu.memory_space<hbm>> -> memref<1024xf32, #tpu.memory_space<hbm>>
      %dma_start3A_230 = tpu.memref_slice %arg4[%mul3A_226] : memref<52428800xf32, #tpu.memory_space<hbm>> -> memref<1024xf32, #tpu.memory_space<hbm>>
      %dma_start3A_231 = arith.constant 0 : i32
      %dma_start3A_232 = tpu.memref_slice %arg9[%dma_start3A_231] : memref<16384xf32, #tpu.memory_space<vmem>> -> memref<1024xf32, #tpu.memory_space<vmem>>
      tpu.enqueue_dma source(%dma_start3A_232 : memref<1024xf32, #tpu.memory_space<vmem>>) target(%dma_start3A_230 : memref<1024xf32, #tpu.memory_space<hbm>>) target_semaphore(%arg15 : memref<!tpu.dma_semaphore, #tpu.memory_space<semaphore_mem>>)
      %add3A_233 = arith.constant 0 : i32
      %add3A_234 = arith.addi %add3A_215, %add3A_233 : i32
      %mul3A_235 = arith.constant 8 : i32
      %mul3A_236 = arith.muli %add3A_234, %mul3A_235 : i32
      %add3A_237 = arith.constant 1 : i32
      %add3A_238 = arith.addi %mul3A_236, %add3A_237 : i32
      %mul3A_239 = arith.constant 32 : i32
      %mul3A_240 = arith.muli %add3A_238, %mul3A_239 : i32
      %add3A_241 = arith.addi %mul3A_240, %add3A : i32
      %mul3A_242 = arith.constant 1024 : i32
      %mul3A_243 = arith.muli %add3A_241, %mul3A_242 : i32
      %dma_start3A_244 = arith.constant 1024 : i32
      %dma_start3A_245 = tpu.memref_slice %arg9[%dma_start3A_244] : memref<16384xf32, #tpu.memory_space<vmem>> -> memref<1024xf32, #tpu.memory_space<vmem>>
      %dma_start3A_246 = tpu.memref_slice %arg4[%mul3A_243] : memref<52428800xf32, #tpu.memory_space<hbm>> -> memref<1024xf32, #tpu.memory_space<hbm>>
      %dma_start3A_247 = tpu.memref_slice %arg4[%mul3A_243] : memref<52428800xf32, #tpu.memory_space<hbm>> -> memref<1024xf32, #tpu.memory_space<hbm>>
      %dma_start3A_248 = arith.constant 1024 : i32
      %dma_start3A_249 = tpu.memref_slice %arg9[%dma_start3A_248] : memref<16384xf32, #tpu.memory_space<vmem>> -> memref<1024xf32, #tpu.memory_space<vmem>>
      tpu.enqueue_dma source(%dma_start3A_249 : memref<1024xf32, #tpu.memory_space<vmem>>) target(%dma_start3A_247 : memref<1024xf32, #tpu.memory_space<hbm>>) target_semaphore(%arg15 : memref<!tpu.dma_semaphore, #tpu.memory_space<semaphore_mem>>)
      %add3A_250 = arith.constant 0 : i32
      %add3A_251 = arith.addi %add3A_215, %add3A_250 : i32
      %mul3A_252 = arith.constant 8 : i32
      %mul3A_253 = arith.muli %add3A_251, %mul3A_252 : i32
      %add3A_254 = arith.constant 2 : i32
      %add3A_255 = arith.addi %mul3A_253, %add3A_254 : i32
      %mul3A_256 = arith.constant 32 : i32
      %mul3A_257 = arith.muli %add3A_255, %mul3A_256 : i32
      %add3A_258 = arith.addi %mul3A_257, %add3A : i32
      %mul3A_259 = arith.constant 1024 : i32
      %mul3A_260 = arith.muli %add3A_258, %mul3A_259 : i32
      %dma_start3A_261 = arith.constant 2048 : i32
      %dma_start3A_262 = tpu.memref_slice %arg9[%dma_start3A_261] : memref<16384xf32, #tpu.memory_space<vmem>> -> memref<1024xf32, #tpu.memory_space<vmem>>
      %dma_start3A_263 = tpu.memref_slice %arg4[%mul3A_260] : memref<52428800xf32, #tpu.memory_space<hbm>> -> memref<1024xf32, #tpu.memory_space<hbm>>
      %dma_start3A_264 = tpu.memref_slice %arg4[%mul3A_260] : memref<52428800xf32, #tpu.memory_space<hbm>> -> memref<1024xf32, #tpu.memory_space<hbm>>
      %dma_start3A_265 = arith.constant 2048 : i32
      %dma_start3A_266 = tpu.memref_slice %arg9[%dma_start3A_265] : memref<16384xf32, #tpu.memory_space<vmem>> -> memref<1024xf32, #tpu.memory_space<vmem>>
      tpu.enqueue_dma source(%dma_start3A_266 : memref<1024xf32, #tpu.memory_space<vmem>>) target(%dma_start3A_264 : memref<1024xf32, #tpu.memory_space<hbm>>) target_semaphore(%arg15 : memref<!tpu.dma_semaphore, #tpu.memory_space<semaphore_mem>>)
      %add3A_267 = arith.constant 0 : i32
      %add3A_268 = arith.addi %add3A_215, %add3A_267 : i32
      %mul3A_269 = arith.constant 8 : i32
      %mul3A_270 = arith.muli %add3A_268, %mul3A_269 : i32
      %add3A_271 = arith.constant 3 : i32
      %add3A_272 = arith.addi %mul3A_270, %add3A_271 : i32
      %mul3A_273 = arith.constant 32 : i32
      %mul3A_274 = arith.muli %add3A_272, %mul3A_273 : i32
      %add3A_275 = arith.addi %mul3A_274, %add3A : i32
      %mul3A_276 = arith.constant 1024 : i32
      %mul3A_277 = arith.muli %add3A_275, %mul3A_276 : i32
      %dma_start3A_278 = arith.constant 3072 : i32
      %dma_start3A_279 = tpu.memref_slice %arg9[%dma_start3A_278] : memref<16384xf32, #tpu.memory_space<vmem>> -> memref<1024xf32, #tpu.memory_space<vmem>>
      %dma_start3A_280 = tpu.memref_slice %arg4[%mul3A_277] : memref<52428800xf32, #tpu.memory_space<hbm>> -> memref<1024xf32, #tpu.memory_space<hbm>>
      %dma_start3A_281 = tpu.memref_slice %arg4[%mul3A_277] : memref<52428800xf32, #tpu.memory_space<hbm>> -> memref<1024xf32, #tpu.memory_space<hbm>>
      %dma_start3A_282 = arith.constant 3072 : i32
      %dma_start3A_283 = tpu.memref_slice %arg9[%dma_start3A_282] : memref<16384xf32, #tpu.memory_space<vmem>> -> memref<1024xf32, #tpu.memory_space<vmem>>
      tpu.enqueue_dma source(%dma_start3A_283 : memref<1024xf32, #tpu.memory_space<vmem>>) target(%dma_start3A_281 : memref<1024xf32, #tpu.memory_space<hbm>>) target_semaphore(%arg15 : memref<!tpu.dma_semaphore, #tpu.memory_space<semaphore_mem>>)
      %add3A_284 = arith.constant 0 : i32
      %add3A_285 = arith.addi %add3A_215, %add3A_284 : i32
      %mul3A_286 = arith.constant 8 : i32
      %mul3A_287 = arith.muli %add3A_285, %mul3A_286 : i32
      %add3A_288 = arith.constant 4 : i32
      %add3A_289 = arith.addi %mul3A_287, %add3A_288 : i32
      %mul3A_290 = arith.constant 32 : i32
      %mul3A_291 = arith.muli %add3A_289, %mul3A_290 : i32
      %add3A_292 = arith.addi %mul3A_291, %add3A : i32
      %mul3A_293 = arith.constant 1024 : i32
      %mul3A_294 = arith.muli %add3A_292, %mul3A_293 : i32
      %dma_start3A_295 = arith.constant 4096 : i32
      %dma_start3A_296 = tpu.memref_slice %arg9[%dma_start3A_295] : memref<16384xf32, #tpu.memory_space<vmem>> -> memref<1024xf32, #tpu.memory_space<vmem>>
      %dma_start3A_297 = tpu.memref_slice %arg4[%mul3A_294] : memref<52428800xf32, #tpu.memory_space<hbm>> -> memref<1024xf32, #tpu.memory_space<hbm>>
      %dma_start3A_298 = tpu.memref_slice %arg4[%mul3A_294] : memref<52428800xf32, #tpu.memory_space<hbm>> -> memref<1024xf32, #tpu.memory_space<hbm>>
      %dma_start3A_299 = arith.constant 4096 : i32
      %dma_start3A_300 = tpu.memref_slice %arg9[%dma_start3A_299] : memref<16384xf32, #tpu.memory_space<vmem>> -> memref<1024xf32, #tpu.memory_space<vmem>>
      tpu.enqueue_dma source(%dma_start3A_300 : memref<1024xf32, #tpu.memory_space<vmem>>) target(%dma_start3A_298 : memref<1024xf32, #tpu.memory_space<hbm>>) target_semaphore(%arg15 : memref<!tpu.dma_semaphore, #tpu.memory_space<semaphore_mem>>)
      %add3A_301 = arith.constant 0 : i32
      %add3A_302 = arith.addi %add3A_215, %add3A_301 : i32
      %mul3A_303 = arith.constant 8 : i32
      %mul3A_304 = arith.muli %add3A_302, %mul3A_303 : i32
      %add3A_305 = arith.constant 5 : i32
      %add3A_306 = arith.addi %mul3A_304, %add3A_305 : i32
      %mul3A_307 = arith.constant 32 : i32
      %mul3A_308 = arith.muli %add3A_306, %mul3A_307 : i32
      %add3A_309 = arith.addi %mul3A_308, %add3A : i32
      %mul3A_310 = arith.constant 1024 : i32
      %mul3A_311 = arith.muli %add3A_309, %mul3A_310 : i32
      %dma_start3A_312 = arith.constant 5120 : i32
      %dma_start3A_313 = tpu.memref_slice %arg9[%dma_start3A_312] : memref<16384xf32, #tpu.memory_space<vmem>> -> memref<1024xf32, #tpu.memory_space<vmem>>
      %dma_start3A_314 = tpu.memref_slice %arg4[%mul3A_311] : memref<52428800xf32, #tpu.memory_space<hbm>> -> memref<1024xf32, #tpu.memory_space<hbm>>
      %dma_start3A_315 = tpu.memref_slice %arg4[%mul3A_311] : memref<52428800xf32, #tpu.memory_space<hbm>> -> memref<1024xf32, #tpu.memory_space<hbm>>
      %dma_start3A_316 = arith.constant 5120 : i32
      %dma_start3A_317 = tpu.memref_slice %arg9[%dma_start3A_316] : memref<16384xf32, #tpu.memory_space<vmem>> -> memref<1024xf32, #tpu.memory_space<vmem>>
      tpu.enqueue_dma source(%dma_start3A_317 : memref<1024xf32, #tpu.memory_space<vmem>>) target(%dma_start3A_315 : memref<1024xf32, #tpu.memory_space<hbm>>) target_semaphore(%arg15 : memref<!tpu.dma_semaphore, #tpu.memory_space<semaphore_mem>>)
      %add3A_318 = arith.constant 0 : i32
      %add3A_319 = arith.addi %add3A_215, %add3A_318 : i32
      %mul3A_320 = arith.constant 8 : i32
      %mul3A_321 = arith.muli %add3A_319, %mul3A_320 : i32
      %add3A_322 = arith.constant 6 : i32
      %add3A_323 = arith.addi %mul3A_321, %add3A_322 : i32
      %mul3A_324 = arith.constant 32 : i32
      %mul3A_325 = arith.muli %add3A_323, %mul3A_324 : i32
      %add3A_326 = arith.addi %mul3A_325, %add3A : i32
      %mul3A_327 = arith.constant 1024 : i32
      %mul3A_328 = arith.muli %add3A_326, %mul3A_327 : i32
      %dma_start3A_329 = arith.constant 6144 : i32
      %dma_start3A_330 = tpu.memref_slice %arg9[%dma_start3A_329] : memref<16384xf32, #tpu.memory_space<vmem>> -> memref<1024xf32, #tpu.memory_space<vmem>>
      %dma_start3A_331 = tpu.memref_slice %arg4[%mul3A_328] : memref<52428800xf32, #tpu.memory_space<hbm>> -> memref<1024xf32, #tpu.memory_space<hbm>>
      %dma_start3A_332 = tpu.memref_slice %arg4[%mul3A_328] : memref<52428800xf32, #tpu.memory_space<hbm>> -> memref<1024xf32, #tpu.memory_space<hbm>>
      %dma_start3A_333 = arith.constant 6144 : i32
      %dma_start3A_334 = tpu.memref_slice %arg9[%dma_start3A_333] : memref<16384xf32, #tpu.memory_space<vmem>> -> memref<1024xf32, #tpu.memory_space<vmem>>
      tpu.enqueue_dma source(%dma_start3A_334 : memref<1024xf32, #tpu.memory_space<vmem>>) target(%dma_start3A_332 : memref<1024xf32, #tpu.memory_space<hbm>>) target_semaphore(%arg15 : memref<!tpu.dma_semaphore, #tpu.memory_space<semaphore_mem>>)
      %add3A_335 = arith.constant 0 : i32
      %add3A_336 = arith.addi %add3A_215, %add3A_335 : i32
      %mul3A_337 = arith.constant 8 : i32
      %mul3A_338 = arith.muli %add3A_336, %mul3A_337 : i32
      %add3A_339 = arith.constant 7 : i32
      %add3A_340 = arith.addi %mul3A_338, %add3A_339 : i32
      %mul3A_341 = arith.constant 32 : i32
      %mul3A_342 = arith.muli %add3A_340, %mul3A_341 : i32
      %add3A_343 = arith.addi %mul3A_342, %add3A : i32
      %mul3A_344 = arith.constant 1024 : i32
      %mul3A_345 = arith.muli %add3A_343, %mul3A_344 : i32
      %dma_start3A_346 = arith.constant 7168 : i32
      %dma_start3A_347 = tpu.memref_slice %arg9[%dma_start3A_346] : memref<16384xf32, #tpu.memory_space<vmem>> -> memref<1024xf32, #tpu.memory_space<vmem>>
      %dma_start3A_348 = tpu.memref_slice %arg4[%mul3A_345] : memref<52428800xf32, #tpu.memory_space<hbm>> -> memref<1024xf32, #tpu.memory_space<hbm>>
      %dma_start3A_349 = tpu.memref_slice %arg4[%mul3A_345] : memref<52428800xf32, #tpu.memory_space<hbm>> -> memref<1024xf32, #tpu.memory_space<hbm>>
      %dma_start3A_350 = arith.constant 7168 : i32
      %dma_start3A_351 = tpu.memref_slice %arg9[%dma_start3A_350] : memref<16384xf32, #tpu.memory_space<vmem>> -> memref<1024xf32, #tpu.memory_space<vmem>>
      tpu.enqueue_dma source(%dma_start3A_351 : memref<1024xf32, #tpu.memory_space<vmem>>) target(%dma_start3A_349 : memref<1024xf32, #tpu.memory_space<hbm>>) target_semaphore(%arg15 : memref<!tpu.dma_semaphore, #tpu.memory_space<semaphore_mem>>)
      %add3A_352 = arith.constant 1 : i32
      %add3A_353 = arith.addi %add3A_215, %add3A_352 : i32
      %mul3A_354 = arith.constant 8 : i32
      %mul3A_355 = arith.muli %add3A_353, %mul3A_354 : i32
      %add3A_356 = arith.constant 0 : i32
      %add3A_357 = arith.addi %mul3A_355, %add3A_356 : i32
      %mul3A_358 = arith.constant 32 : i32
      %mul3A_359 = arith.muli %add3A_357, %mul3A_358 : i32
      %add3A_360 = arith.addi %mul3A_359, %add3A : i32
      %mul3A_361 = arith.constant 1024 : i32
      %mul3A_362 = arith.muli %add3A_360, %mul3A_361 : i32
      %dma_start3A_363 = arith.constant 8192 : i32
      %dma_start3A_364 = tpu.memref_slice %arg9[%dma_start3A_363] : memref<16384xf32, #tpu.memory_space<vmem>> -> memref<1024xf32, #tpu.memory_space<vmem>>
      %dma_start3A_365 = tpu.memref_slice %arg4[%mul3A_362] : memref<52428800xf32, #tpu.memory_space<hbm>> -> memref<1024xf32, #tpu.memory_space<hbm>>
      %dma_start3A_366 = tpu.memref_slice %arg4[%mul3A_362] : memref<52428800xf32, #tpu.memory_space<hbm>> -> memref<1024xf32, #tpu.memory_space<hbm>>
      %dma_start3A_367 = arith.constant 8192 : i32
      %dma_start3A_368 = tpu.memref_slice %arg9[%dma_start3A_367] : memref<16384xf32, #tpu.memory_space<vmem>> -> memref<1024xf32, #tpu.memory_space<vmem>>
      tpu.enqueue_dma source(%dma_start3A_368 : memref<1024xf32, #tpu.memory_space<vmem>>) target(%dma_start3A_366 : memref<1024xf32, #tpu.memory_space<hbm>>) target_semaphore(%arg15 : memref<!tpu.dma_semaphore, #tpu.memory_space<semaphore_mem>>)
      %add3A_369 = arith.constant 1 : i32
      %add3A_370 = arith.addi %add3A_215, %add3A_369 : i32
      %mul3A_371 = arith.constant 8 : i32
      %mul3A_372 = arith.muli %add3A_370, %mul3A_371 : i32
      %add3A_373 = arith.constant 1 : i32
      %add3A_374 = arith.addi %mul3A_372, %add3A_373 : i32
      %mul3A_375 = arith.constant 32 : i32
      %mul3A_376 = arith.muli %add3A_374, %mul3A_375 : i32
      %add3A_377 = arith.addi %mul3A_376, %add3A : i32
      %mul3A_378 = arith.constant 1024 : i32
      %mul3A_379 = arith.muli %add3A_377, %mul3A_378 : i32
      %dma_start3A_380 = arith.constant 9216 : i32
      %dma_start3A_381 = tpu.memref_slice %arg9[%dma_start3A_380] : memref<16384xf32, #tpu.memory_space<vmem>> -> memref<1024xf32, #tpu.memory_space<vmem>>
      %dma_start3A_382 = tpu.memref_slice %arg4[%mul3A_379] : memref<52428800xf32, #tpu.memory_space<hbm>> -> memref<1024xf32, #tpu.memory_space<hbm>>
      %dma_start3A_383 = tpu.memref_slice %arg4[%mul3A_379] : memref<52428800xf32, #tpu.memory_space<hbm>> -> memref<1024xf32, #tpu.memory_space<hbm>>
      %dma_start3A_384 = arith.constant 9216 : i32
      %dma_start3A_385 = tpu.memref_slice %arg9[%dma_start3A_384] : memref<16384xf32, #tpu.memory_space<vmem>> -> memref<1024xf32, #tpu.memory_space<vmem>>
      tpu.enqueue_dma source(%dma_start3A_385 : memref<1024xf32, #tpu.memory_space<vmem>>) target(%dma_start3A_383 : memref<1024xf32, #tpu.memory_space<hbm>>) target_semaphore(%arg15 : memref<!tpu.dma_semaphore, #tpu.memory_space<semaphore_mem>>)
      %add3A_386 = arith.constant 1 : i32
      %add3A_387 = arith.addi %add3A_215, %add3A_386 : i32
      %mul3A_388 = arith.constant 8 : i32
      %mul3A_389 = arith.muli %add3A_387, %mul3A_388 : i32
      %add3A_390 = arith.constant 2 : i32
      %add3A_391 = arith.addi %mul3A_389, %add3A_390 : i32
      %mul3A_392 = arith.constant 32 : i32
      %mul3A_393 = arith.muli %add3A_391, %mul3A_392 : i32
      %add3A_394 = arith.addi %mul3A_393, %add3A : i32
      %mul3A_395 = arith.constant 1024 : i32
      %mul3A_396 = arith.muli %add3A_394, %mul3A_395 : i32
      %dma_start3A_397 = arith.constant 10240 : i32
      %dma_start3A_398 = tpu.memref_slice %arg9[%dma_start3A_397] : memref<16384xf32, #tpu.memory_space<vmem>> -> memref<1024xf32, #tpu.memory_space<vmem>>
      %dma_start3A_399 = tpu.memref_slice %arg4[%mul3A_396] : memref<52428800xf32, #tpu.memory_space<hbm>> -> memref<1024xf32, #tpu.memory_space<hbm>>
      %dma_start3A_400 = tpu.memref_slice %arg4[%mul3A_396] : memref<52428800xf32, #tpu.memory_space<hbm>> -> memref<1024xf32, #tpu.memory_space<hbm>>
      %dma_start3A_401 = arith.constant 10240 : i32
      %dma_start3A_402 = tpu.memref_slice %arg9[%dma_start3A_401] : memref<16384xf32, #tpu.memory_space<vmem>> -> memref<1024xf32, #tpu.memory_space<vmem>>
      tpu.enqueue_dma source(%dma_start3A_402 : memref<1024xf32, #tpu.memory_space<vmem>>) target(%dma_start3A_400 : memref<1024xf32, #tpu.memory_space<hbm>>) target_semaphore(%arg15 : memref<!tpu.dma_semaphore, #tpu.memory_space<semaphore_mem>>)
      %add3A_403 = arith.constant 1 : i32
      %add3A_404 = arith.addi %add3A_215, %add3A_403 : i32
      %mul3A_405 = arith.constant 8 : i32
      %mul3A_406 = arith.muli %add3A_404, %mul3A_405 : i32
      %add3A_407 = arith.constant 3 : i32
      %add3A_408 = arith.addi %mul3A_406, %add3A_407 : i32
      %mul3A_409 = arith.constant 32 : i32
      %mul3A_410 = arith.muli %add3A_408, %mul3A_409 : i32
      %add3A_411 = arith.addi %mul3A_410, %add3A : i32
      %mul3A_412 = arith.constant 1024 : i32
      %mul3A_413 = arith.muli %add3A_411, %mul3A_412 : i32
      %dma_start3A_414 = arith.constant 11264 : i32
      %dma_start3A_415 = tpu.memref_slice %arg9[%dma_start3A_414] : memref<16384xf32, #tpu.memory_space<vmem>> -> memref<1024xf32, #tpu.memory_space<vmem>>
      %dma_start3A_416 = tpu.memref_slice %arg4[%mul3A_413] : memref<52428800xf32, #tpu.memory_space<hbm>> -> memref<1024xf32, #tpu.memory_space<hbm>>
      %dma_start3A_417 = tpu.memref_slice %arg4[%mul3A_413] : memref<52428800xf32, #tpu.memory_space<hbm>> -> memref<1024xf32, #tpu.memory_space<hbm>>
      %dma_start3A_418 = arith.constant 11264 : i32
      %dma_start3A_419 = tpu.memref_slice %arg9[%dma_start3A_418] : memref<16384xf32, #tpu.memory_space<vmem>> -> memref<1024xf32, #tpu.memory_space<vmem>>
      tpu.enqueue_dma source(%dma_start3A_419 : memref<1024xf32, #tpu.memory_space<vmem>>) target(%dma_start3A_417 : memref<1024xf32, #tpu.memory_space<hbm>>) target_semaphore(%arg15 : memref<!tpu.dma_semaphore, #tpu.memory_space<semaphore_mem>>)
      %add3A_420 = arith.constant 1 : i32
      %add3A_421 = arith.addi %add3A_215, %add3A_420 : i32
      %mul3A_422 = arith.constant 8 : i32
      %mul3A_423 = arith.muli %add3A_421, %mul3A_422 : i32
      %add3A_424 = arith.constant 4 : i32
      %add3A_425 = arith.addi %mul3A_423, %add3A_424 : i32
      %mul3A_426 = arith.constant 32 : i32
      %mul3A_427 = arith.muli %add3A_425, %mul3A_426 : i32
      %add3A_428 = arith.addi %mul3A_427, %add3A : i32
      %mul3A_429 = arith.constant 1024 : i32
      %mul3A_430 = arith.muli %add3A_428, %mul3A_429 : i32
      %dma_start3A_431 = arith.constant 12288 : i32
      %dma_start3A_432 = tpu.memref_slice %arg9[%dma_start3A_431] : memref<16384xf32, #tpu.memory_space<vmem>> -> memref<1024xf32, #tpu.memory_space<vmem>>
      %dma_start3A_433 = tpu.memref_slice %arg4[%mul3A_430] : memref<52428800xf32, #tpu.memory_space<hbm>> -> memref<1024xf32, #tpu.memory_space<hbm>>
      %dma_start3A_434 = tpu.memref_slice %arg4[%mul3A_430] : memref<52428800xf32, #tpu.memory_space<hbm>> -> memref<1024xf32, #tpu.memory_space<hbm>>
      %dma_start3A_435 = arith.constant 12288 : i32
      %dma_start3A_436 = tpu.memref_slice %arg9[%dma_start3A_435] : memref<16384xf32, #tpu.memory_space<vmem>> -> memref<1024xf32, #tpu.memory_space<vmem>>
      tpu.enqueue_dma source(%dma_start3A_436 : memref<1024xf32, #tpu.memory_space<vmem>>) target(%dma_start3A_434 : memref<1024xf32, #tpu.memory_space<hbm>>) target_semaphore(%arg15 : memref<!tpu.dma_semaphore, #tpu.memory_space<semaphore_mem>>)
      %add3A_437 = arith.constant 1 : i32
      %add3A_438 = arith.addi %add3A_215, %add3A_437 : i32
      %mul3A_439 = arith.constant 8 : i32
      %mul3A_440 = arith.muli %add3A_438, %mul3A_439 : i32
      %add3A_441 = arith.constant 5 : i32
      %add3A_442 = arith.addi %mul3A_440, %add3A_441 : i32
      %mul3A_443 = arith.constant 32 : i32
      %mul3A_444 = arith.muli %add3A_442, %mul3A_443 : i32
      %add3A_445 = arith.addi %mul3A_444, %add3A : i32
      %mul3A_446 = arith.constant 1024 : i32
      %mul3A_447 = arith.muli %add3A_445, %mul3A_446 : i32
      %dma_start3A_448 = arith.constant 13312 : i32
      %dma_start3A_449 = tpu.memref_slice %arg9[%dma_start3A_448] : memref<16384xf32, #tpu.memory_space<vmem>> -> memref<1024xf32, #tpu.memory_space<vmem>>
      %dma_start3A_450 = tpu.memref_slice %arg4[%mul3A_447] : memref<52428800xf32, #tpu.memory_space<hbm>> -> memref<1024xf32, #tpu.memory_space<hbm>>
      %dma_start3A_451 = tpu.memref_slice %arg4[%mul3A_447] : memref<52428800xf32, #tpu.memory_space<hbm>> -> memref<1024xf32, #tpu.memory_space<hbm>>
      %dma_start3A_452 = arith.constant 13312 : i32
      %dma_start3A_453 = tpu.memref_slice %arg9[%dma_start3A_452] : memref<16384xf32, #tpu.memory_space<vmem>> -> memref<1024xf32, #tpu.memory_space<vmem>>
      tpu.enqueue_dma source(%dma_start3A_453 : memref<1024xf32, #tpu.memory_space<vmem>>) target(%dma_start3A_451 : memref<1024xf32, #tpu.memory_space<hbm>>) target_semaphore(%arg15 : memref<!tpu.dma_semaphore, #tpu.memory_space<semaphore_mem>>)
      %add3A_454 = arith.constant 1 : i32
      %add3A_455 = arith.addi %add3A_215, %add3A_454 : i32
      %mul3A_456 = arith.constant 8 : i32
      %mul3A_457 = arith.muli %add3A_455, %mul3A_456 : i32
      %add3A_458 = arith.constant 6 : i32
      %add3A_459 = arith.addi %mul3A_457, %add3A_458 : i32
      %mul3A_460 = arith.constant 32 : i32
      %mul3A_461 = arith.muli %add3A_459, %mul3A_460 : i32
      %add3A_462 = arith.addi %mul3A_461, %add3A : i32
      %mul3A_463 = arith.constant 1024 : i32
      %mul3A_464 = arith.muli %add3A_462, %mul3A_463 : i32
      %dma_start3A_465 = arith.constant 14336 : i32
      %dma_start3A_466 = tpu.memref_slice %arg9[%dma_start3A_465] : memref<16384xf32, #tpu.memory_space<vmem>> -> memref<1024xf32, #tpu.memory_space<vmem>>
      %dma_start3A_467 = tpu.memref_slice %arg4[%mul3A_464] : memref<52428800xf32, #tpu.memory_space<hbm>> -> memref<1024xf32, #tpu.memory_space<hbm>>
      %dma_start3A_468 = tpu.memref_slice %arg4[%mul3A_464] : memref<52428800xf32, #tpu.memory_space<hbm>> -> memref<1024xf32, #tpu.memory_space<hbm>>
      %dma_start3A_469 = arith.constant 14336 : i32
      %dma_start3A_470 = tpu.memref_slice %arg9[%dma_start3A_469] : memref<16384xf32, #tpu.memory_space<vmem>> -> memref<1024xf32, #tpu.memory_space<vmem>>
      tpu.enqueue_dma source(%dma_start3A_470 : memref<1024xf32, #tpu.memory_space<vmem>>) target(%dma_start3A_468 : memref<1024xf32, #tpu.memory_space<hbm>>) target_semaphore(%arg15 : memref<!tpu.dma_semaphore, #tpu.memory_space<semaphore_mem>>)
      %add3A_471 = arith.constant 1 : i32
      %add3A_472 = arith.addi %add3A_215, %add3A_471 : i32
      %mul3A_473 = arith.constant 8 : i32
      %mul3A_474 = arith.muli %add3A_472, %mul3A_473 : i32
      %add3A_475 = arith.constant 7 : i32
      %add3A_476 = arith.addi %mul3A_474, %add3A_475 : i32
      %mul3A_477 = arith.constant 32 : i32
      %mul3A_478 = arith.muli %add3A_476, %mul3A_477 : i32
      %add3A_479 = arith.addi %mul3A_478, %add3A : i32
      %mul3A_480 = arith.constant 1024 : i32
      %mul3A_481 = arith.muli %add3A_479, %mul3A_480 : i32
      %dma_start3A_482 = arith.constant 15360 : i32
      %dma_start3A_483 = tpu.memref_slice %arg9[%dma_start3A_482] : memref<16384xf32, #tpu.memory_space<vmem>> -> memref<1024xf32, #tpu.memory_space<vmem>>
      %dma_start3A_484 = tpu.memref_slice %arg4[%mul3A_481] : memref<52428800xf32, #tpu.memory_space<hbm>> -> memref<1024xf32, #tpu.memory_space<hbm>>
      %dma_start3A_485 = tpu.memref_slice %arg4[%mul3A_481] : memref<52428800xf32, #tpu.memory_space<hbm>> -> memref<1024xf32, #tpu.memory_space<hbm>>
      %dma_start3A_486 = arith.constant 15360 : i32
      %dma_start3A_487 = tpu.memref_slice %arg9[%dma_start3A_486] : memref<16384xf32, #tpu.memory_space<vmem>> -> memref<1024xf32, #tpu.memory_space<vmem>>
      tpu.enqueue_dma source(%dma_start3A_487 : memref<1024xf32, #tpu.memory_space<vmem>>) target(%dma_start3A_485 : memref<1024xf32, #tpu.memory_space<hbm>>) target_semaphore(%arg15 : memref<!tpu.dma_semaphore, #tpu.memory_space<semaphore_mem>>)
      %lt3A_488 = arith.constant 98 : i32
      %lt3A_489 = arith.cmpi slt, %add3A_196, %lt3A_488 : i32
      %convert_element_type3A_490 = arith.extui %lt3A_489 : i1 to i32
      %cond3A_491 = arith.constant 0 : i32
      %cond3A_492 = arith.cmpi ne, %convert_element_type3A_490, %cond3A_491 : i32
      scf.if %cond3A_492 {
        %dma_wait3A_799 = arith.constant 0 : i32
        %dma_wait3A_800 = tpu.memref_slice %arg2[%dma_wait3A_799] : memref<819200xi32, #tpu.memory_space<hbm>> -> memref<256xi32, #tpu.memory_space<hbm>>
        %dma_wait3A_801 = arith.constant 0 : i32
        %dma_wait3A_802 = tpu.memref_slice %arg2[%dma_wait3A_801] : memref<819200xi32, #tpu.memory_space<hbm>> -> memref<256xi32, #tpu.memory_space<hbm>>
        tpu.wait_dma2 semaphore(%arg11 : memref<!tpu.dma_semaphore, #tpu.memory_space<semaphore_mem>>) src(%dma_wait3A_802 : memref<256xi32, #tpu.memory_space<hbm>>) dst(%arg5 : memref<256xi32, #tpu.memory_space<vmem>>)
        %dma_start3A_803 = arith.constant 0 : i32
        %dma_start3A_804 = arith.constant 0 : i32
        %dma_start3A_805 = tpu.memref_slice %arg3[%dma_start3A_803, %dma_start3A_804] : memref<100000x64xf32, #tpu.memory_space<hbm>> -> memref<100000x64xf32, #tpu.memory_space<hbm>>
        tpu.enqueue_indirect_dma source(%dma_start3A_805 : memref<100000x64xf32, #tpu.memory_space<hbm>>) target(%arg7 : memref<256x64xf32, #tpu.memory_space<vmem>>) offsets(%arg5 : memref<256xi32, #tpu.memory_space<vmem>>) semaphore(%arg13 : memref<!tpu.dma_semaphore, #tpu.memory_space<semaphore_mem>>)
      } else {
      }
      %mul3A_493 = arith.constant 2 : i32
      %mul3A_494 = arith.muli %add3A_192, %mul3A_493 : i32
      %add3A_495 = arith.constant 1 : i32
      %add3A_496 = arith.addi %mul3A_494, %add3A_495 : i32
      %dma_wait3A_497 = arith.constant 0 : i32
      %dma_wait3A_498 = arith.constant 0 : i32
      %dma_wait3A_499 = tpu.memref_slice %arg3[%dma_wait3A_497, %dma_wait3A_498] : memref<100000x64xf32, #tpu.memory_space<hbm>> -> memref<100000x64xf32, #tpu.memory_space<hbm>>
      tpu.wait_indirect_dma semaphore(%arg14 : memref<!tpu.dma_semaphore, #tpu.memory_space<semaphore_mem>>) src(%dma_wait3A_499 : memref<100000x64xf32, #tpu.memory_space<hbm>>) dst(%arg8 : memref<256x64xf32, #tpu.memory_space<vmem>>)
      %lt3A_500 = arith.constant 98 : i32
      %lt3A_501 = arith.cmpi slt, %add3A_496, %lt3A_500 : i32
      %convert_element_type3A_502 = arith.extui %lt3A_501 : i1 to i32
      %cond3A_503 = arith.constant 0 : i32
      %cond3A_504 = arith.cmpi ne, %convert_element_type3A_502, %cond3A_503 : i32
      scf.if %cond3A_504 {
        %add3A_799 = arith.constant 2 : i32
        %add3A_800 = arith.addi %add3A_496, %add3A_799 : i32
        %shift_right_arithmetic3A_801 = arith.constant 2 : i32
        %shift_right_arithmetic3A_802 = arith.shrsi %add3A_800, %shift_right_arithmetic3A_801 : i32
        %mul3A_803 = arith.constant 32 : i32
        %mul3A_804 = arith.muli %shift_right_arithmetic3A_802, %mul3A_803 : i32
        %add3A_805 = arith.addi %mul3A_804, %add3A : i32
        %mul3A_806 = arith.constant 1024 : i32
        %mul3A_807 = arith.muli %add3A_805, %mul3A_806 : i32
        %and3A_808 = arith.constant 3 : i32
        %and3A_809 = arith.andi %add3A_800, %and3A_808 : i32
        %mul3A_810 = arith.constant 256 : i32
        %mul3A_811 = arith.muli %and3A_809, %mul3A_810 : i32
        %add3A_812 = arith.addi %mul3A_807, %mul3A_811 : i32
        %dma_start3A_813 = tpu.memref_slice %arg2[%add3A_812] : memref<819200xi32, #tpu.memory_space<hbm>> -> memref<256xi32, #tpu.memory_space<hbm>>
        %dma_start3A_814 = tpu.memref_slice %arg2[%add3A_812] : memref<819200xi32, #tpu.memory_space<hbm>> -> memref<256xi32, #tpu.memory_space<hbm>>
        tpu.enqueue_dma source(%dma_start3A_814 : memref<256xi32, #tpu.memory_space<hbm>>) target(%arg6 : memref<256xi32, #tpu.memory_space<vmem>>) target_semaphore(%arg12 : memref<!tpu.dma_semaphore, #tpu.memory_space<semaphore_mem>>)
      } else {
      }
      %ge3A_505 = arith.constant 2 : i32
      %ge3A_506 = arith.cmpi sge, %add3A_496, %ge3A_505 : i32
      %convert_element_type3A_507 = arith.extui %ge3A_506 : i1 to i32
      %cond3A_508 = arith.constant 0 : i32
      %cond3A_509 = arith.cmpi ne, %convert_element_type3A_507, %cond3A_508 : i32
      scf.if %cond3A_509 {
        %dma_wait3A_799 = arith.constant 0 : i32
        %dma_wait3A_800 = tpu.memref_slice %arg4[%dma_wait3A_799] : memref<52428800xf32, #tpu.memory_space<hbm>> -> memref<16384xf32, #tpu.memory_space<hbm>>
        %dma_wait3A_801 = arith.constant 0 : i32
        %dma_wait3A_802 = tpu.memref_slice %arg4[%dma_wait3A_801] : memref<52428800xf32, #tpu.memory_space<hbm>> -> memref<16384xf32, #tpu.memory_space<hbm>>
        tpu.wait_dma2 semaphore(%arg16 : memref<!tpu.dma_semaphore, #tpu.memory_space<semaphore_mem>>) src(%arg10 : memref<16384xf32, #tpu.memory_space<vmem>>) dst(%dma_wait3A_802 : memref<16384xf32, #tpu.memory_space<hbm>>)
      } else {
      }
      %parallel_loop3A_510 = arith.constant 0 : i32
      %parallel_loop3A_511 = arith.constant 64 : i32
      %parallel_loop3A_512 = arith.constant 1 : i32
      scf.for %parallel_loop3A_799 = %parallel_loop3A_510 to %parallel_loop3A_511 step %parallel_loop3A_512  : i32 {
        %parallel_loop3A_800 = arith.constant 5 : i32
        %parallel_loop3A_801 = arith.shrsi %parallel_loop3A_799, %parallel_loop3A_800 : i32
        %parallel_loop3A_802 = arith.constant 2 : i32
        %parallel_loop3A_803 = arith.shrsi %parallel_loop3A_799, %parallel_loop3A_802 : i32
        %parallel_loop3A_804 = arith.constant 7 : i32
        %parallel_loop3A_805 = arith.andi %parallel_loop3A_803, %parallel_loop3A_804 : i32
        %parallel_loop3A_806 = arith.constant 3 : i32
        %parallel_loop3A_807 = arith.andi %parallel_loop3A_799, %parallel_loop3A_806 : i32
        %parallel_loop3A_808 = arith.constant 128 : i32
        %parallel_loop3A_809 = arith.muli %parallel_loop3A_801, %parallel_loop3A_808 : i32
        %parallel_loop3A_810 = arith.constant 16 : i32
        %parallel_loop3A_811 = arith.muli %parallel_loop3A_805, %parallel_loop3A_810 : i32
        %parallel_loop3A_812 = arith.addi %parallel_loop3A_809, %parallel_loop3A_811 : i32
        %parallel_loop3A_813 = arith.constant 8192 : i32
        %parallel_loop3A_814 = arith.muli %parallel_loop3A_801, %parallel_loop3A_813 : i32
        %parallel_loop3A_815 = arith.constant 2048 : i32
        %parallel_loop3A_816 = arith.muli %parallel_loop3A_807, %parallel_loop3A_815 : i32
        %parallel_loop3A_817 = arith.addi %parallel_loop3A_814, %parallel_loop3A_816 : i32
        %parallel_loop3A_818 = arith.constant 16 : i32
        %parallel_loop3A_819 = arith.muli %parallel_loop3A_805, %parallel_loop3A_818 : i32
        %parallel_loop3A_820 = arith.addi %parallel_loop3A_817, %parallel_loop3A_819 : i32
        %parallel_loop3A_821 = arith.constant 16 : i32
        %parallel_loop3A_822 = arith.muli %parallel_loop3A_807, %parallel_loop3A_821 : i32
        %parallel_loop3A_823 = vector.broadcast %parallel_loop3A_822 : i32 to vector<16xi32>
        %parallel_loop3A_824 = arith.addi %iota3A, %parallel_loop3A_823 : vector<16xi32>
        %parallel_loop3A_825 = vector.broadcast %parallel_loop3A_812 : i32 to vector<16xi32>
        %parallel_loop3A_826 = arith.addi %and3A_5, %parallel_loop3A_825 : vector<16xi32>
        %parallel_loop3A_827 = tpu.vector_load_idx %arg8[%parallel_loop3A_826, %parallel_loop3A_824] : memref<256x64xf32, #tpu.memory_space<vmem>>[vector<16xi32>, vector<16xi32>], vector<16xf32>,
        %parallel_loop3A_828 = arith.constant 1.250000e-01 : f32
        %parallel_loop3A_829 = vector.broadcast %parallel_loop3A_828 : f32 to vector<16xf32>
        %parallel_loop3A_830 = arith.mulf %parallel_loop3A_827, %parallel_loop3A_829 : vector<16xf32>
        %parallel_loop3A_831 = vector.broadcast %parallel_loop3A_820 : i32 to vector<16xi32>
        %parallel_loop3A_832 = arith.addi %add3A_99, %parallel_loop3A_831 : vector<16xi32>
        tpu.vector_store_idx %arg10[%parallel_loop3A_832], %parallel_loop3A_830 : memref<16384xf32, #tpu.memory_space<vmem>>[vector<16xi32>], vector<16xf32>,
        %parallel_loop3A_833 = vector.broadcast %parallel_loop3A_812 : i32 to vector<16xi32>
        %parallel_loop3A_834 = arith.addi %and3A_11, %parallel_loop3A_833 : vector<16xi32>
        %parallel_loop3A_835 = tpu.vector_load_idx %arg8[%parallel_loop3A_834, %parallel_loop3A_824] : memref<256x64xf32, #tpu.memory_space<vmem>>[vector<16xi32>, vector<16xi32>], vector<16xf32>,
        %parallel_loop3A_836 = arith.constant 1.250000e-01 : f32
        %parallel_loop3A_837 = vector.broadcast %parallel_loop3A_836 : f32 to vector<16xf32>
        %parallel_loop3A_838 = arith.mulf %parallel_loop3A_835, %parallel_loop3A_837 : vector<16xf32>
        %parallel_loop3A_839 = vector.broadcast %parallel_loop3A_820 : i32 to vector<16xi32>
        %parallel_loop3A_840 = arith.addi %add3A_103, %parallel_loop3A_839 : vector<16xi32>
        tpu.vector_store_idx %arg10[%parallel_loop3A_840], %parallel_loop3A_838 : memref<16384xf32, #tpu.memory_space<vmem>>[vector<16xi32>], vector<16xf32>,
        %parallel_loop3A_841 = vector.broadcast %parallel_loop3A_812 : i32 to vector<16xi32>
        %parallel_loop3A_842 = arith.addi %and3A_17, %parallel_loop3A_841 : vector<16xi32>
        %parallel_loop3A_843 = tpu.vector_load_idx %arg8[%parallel_loop3A_842, %parallel_loop3A_824] : memref<256x64xf32, #tpu.memory_space<vmem>>[vector<16xi32>, vector<16xi32>], vector<16xf32>,
        %parallel_loop3A_844 = arith.constant 1.250000e-01 : f32
        %parallel_loop3A_845 = vector.broadcast %parallel_loop3A_844 : f32 to vector<16xf32>
        %parallel_loop3A_846 = arith.mulf %parallel_loop3A_843, %parallel_loop3A_845 : vector<16xf32>
        %parallel_loop3A_847 = vector.broadcast %parallel_loop3A_820 : i32 to vector<16xi32>
        %parallel_loop3A_848 = arith.addi %add3A_107, %parallel_loop3A_847 : vector<16xi32>
        tpu.vector_store_idx %arg10[%parallel_loop3A_848], %parallel_loop3A_846 : memref<16384xf32, #tpu.memory_space<vmem>>[vector<16xi32>], vector<16xf32>,
        %parallel_loop3A_849 = vector.broadcast %parallel_loop3A_812 : i32 to vector<16xi32>
        %parallel_loop3A_850 = arith.addi %and3A_23, %parallel_loop3A_849 : vector<16xi32>
        %parallel_loop3A_851 = tpu.vector_load_idx %arg8[%parallel_loop3A_850, %parallel_loop3A_824] : memref<256x64xf32, #tpu.memory_space<vmem>>[vector<16xi32>, vector<16xi32>], vector<16xf32>,
        %parallel_loop3A_852 = arith.constant 1.250000e-01 : f32
        %parallel_loop3A_853 = vector.broadcast %parallel_loop3A_852 : f32 to vector<16xf32>
        %parallel_loop3A_854 = arith.mulf %parallel_loop3A_851, %parallel_loop3A_853 : vector<16xf32>
        %parallel_loop3A_855 = vector.broadcast %parallel_loop3A_820 : i32 to vector<16xi32>
        %parallel_loop3A_856 = arith.addi %add3A_111, %parallel_loop3A_855 : vector<16xi32>
        tpu.vector_store_idx %arg10[%parallel_loop3A_856], %parallel_loop3A_854 : memref<16384xf32, #tpu.memory_space<vmem>>[vector<16xi32>], vector<16xf32>,
        %parallel_loop3A_857 = vector.broadcast %parallel_loop3A_812 : i32 to vector<16xi32>
        %parallel_loop3A_858 = arith.addi %and3A_29, %parallel_loop3A_857 : vector<16xi32>
        %parallel_loop3A_859 = tpu.vector_load_idx %arg8[%parallel_loop3A_858, %parallel_loop3A_824] : memref<256x64xf32, #tpu.memory_space<vmem>>[vector<16xi32>, vector<16xi32>], vector<16xf32>,
        %parallel_loop3A_860 = arith.constant 1.250000e-01 : f32
        %parallel_loop3A_861 = vector.broadcast %parallel_loop3A_860 : f32 to vector<16xf32>
        %parallel_loop3A_862 = arith.mulf %parallel_loop3A_859, %parallel_loop3A_861 : vector<16xf32>
        %parallel_loop3A_863 = vector.broadcast %parallel_loop3A_820 : i32 to vector<16xi32>
        %parallel_loop3A_864 = arith.addi %add3A_115, %parallel_loop3A_863 : vector<16xi32>
        tpu.vector_store_idx %arg10[%parallel_loop3A_864], %parallel_loop3A_862 : memref<16384xf32, #tpu.memory_space<vmem>>[vector<16xi32>], vector<16xf32>,
        %parallel_loop3A_865 = vector.broadcast %parallel_loop3A_812 : i32 to vector<16xi32>
        %parallel_loop3A_866 = arith.addi %and3A_35, %parallel_loop3A_865 : vector<16xi32>
        %parallel_loop3A_867 = tpu.vector_load_idx %arg8[%parallel_loop3A_866, %parallel_loop3A_824] : memref<256x64xf32, #tpu.memory_space<vmem>>[vector<16xi32>, vector<16xi32>], vector<16xf32>,
        %parallel_loop3A_868 = arith.constant 1.250000e-01 : f32
        %parallel_loop3A_869 = vector.broadcast %parallel_loop3A_868 : f32 to vector<16xf32>
        %parallel_loop3A_870 = arith.mulf %parallel_loop3A_867, %parallel_loop3A_869 : vector<16xf32>
        %parallel_loop3A_871 = vector.broadcast %parallel_loop3A_820 : i32 to vector<16xi32>
        %parallel_loop3A_872 = arith.addi %add3A_119, %parallel_loop3A_871 : vector<16xi32>
        tpu.vector_store_idx %arg10[%parallel_loop3A_872], %parallel_loop3A_870 : memref<16384xf32, #tpu.memory_space<vmem>>[vector<16xi32>], vector<16xf32>,
        %parallel_loop3A_873 = vector.broadcast %parallel_loop3A_812 : i32 to vector<16xi32>
        %parallel_loop3A_874 = arith.addi %and3A_41, %parallel_loop3A_873 : vector<16xi32>
        %parallel_loop3A_875 = tpu.vector_load_idx %arg8[%parallel_loop3A_874, %parallel_loop3A_824] : memref<256x64xf32, #tpu.memory_space<vmem>>[vector<16xi32>, vector<16xi32>], vector<16xf32>,
        %parallel_loop3A_876 = arith.constant 1.250000e-01 : f32
        %parallel_loop3A_877 = vector.broadcast %parallel_loop3A_876 : f32 to vector<16xf32>
        %parallel_loop3A_878 = arith.mulf %parallel_loop3A_875, %parallel_loop3A_877 : vector<16xf32>
        %parallel_loop3A_879 = vector.broadcast %parallel_loop3A_820 : i32 to vector<16xi32>
        %parallel_loop3A_880 = arith.addi %add3A_123, %parallel_loop3A_879 : vector<16xi32>
        tpu.vector_store_idx %arg10[%parallel_loop3A_880], %parallel_loop3A_878 : memref<16384xf32, #tpu.memory_space<vmem>>[vector<16xi32>], vector<16xf32>,
        %parallel_loop3A_881 = vector.broadcast %parallel_loop3A_812 : i32 to vector<16xi32>
        %parallel_loop3A_882 = arith.addi %and3A_47, %parallel_loop3A_881 : vector<16xi32>
        %parallel_loop3A_883 = tpu.vector_load_idx %arg8[%parallel_loop3A_882, %parallel_loop3A_824] : memref<256x64xf32, #tpu.memory_space<vmem>>[vector<16xi32>, vector<16xi32>], vector<16xf32>,
        %parallel_loop3A_884 = arith.constant 1.250000e-01 : f32
        %parallel_loop3A_885 = vector.broadcast %parallel_loop3A_884 : f32 to vector<16xf32>
        %parallel_loop3A_886 = arith.mulf %parallel_loop3A_883, %parallel_loop3A_885 : vector<16xf32>
        %parallel_loop3A_887 = vector.broadcast %parallel_loop3A_820 : i32 to vector<16xi32>
        %parallel_loop3A_888 = arith.addi %add3A_127, %parallel_loop3A_887 : vector<16xi32>
        tpu.vector_store_idx %arg10[%parallel_loop3A_888], %parallel_loop3A_886 : memref<16384xf32, #tpu.memory_space<vmem>>[vector<16xi32>], vector<16xf32>,
        %parallel_loop3A_889 = vector.broadcast %parallel_loop3A_812 : i32 to vector<16xi32>
        %parallel_loop3A_890 = arith.addi %and3A_53, %parallel_loop3A_889 : vector<16xi32>
        %parallel_loop3A_891 = tpu.vector_load_idx %arg8[%parallel_loop3A_890, %parallel_loop3A_824] : memref<256x64xf32, #tpu.memory_space<vmem>>[vector<16xi32>, vector<16xi32>], vector<16xf32>,
        %parallel_loop3A_892 = arith.constant 1.250000e-01 : f32
        %parallel_loop3A_893 = vector.broadcast %parallel_loop3A_892 : f32 to vector<16xf32>
        %parallel_loop3A_894 = arith.mulf %parallel_loop3A_891, %parallel_loop3A_893 : vector<16xf32>
        %parallel_loop3A_895 = vector.broadcast %parallel_loop3A_820 : i32 to vector<16xi32>
        %parallel_loop3A_896 = arith.addi %add3A_131, %parallel_loop3A_895 : vector<16xi32>
        tpu.vector_store_idx %arg10[%parallel_loop3A_896], %parallel_loop3A_894 : memref<16384xf32, #tpu.memory_space<vmem>>[vector<16xi32>], vector<16xf32>,
        %parallel_loop3A_897 = vector.broadcast %parallel_loop3A_812 : i32 to vector<16xi32>
        %parallel_loop3A_898 = arith.addi %and3A_59, %parallel_loop3A_897 : vector<16xi32>
        %parallel_loop3A_899 = tpu.vector_load_idx %arg8[%parallel_loop3A_898, %parallel_loop3A_824] : memref<256x64xf32, #tpu.memory_space<vmem>>[vector<16xi32>, vector<16xi32>], vector<16xf32>,
        %parallel_loop3A_900 = arith.constant 1.250000e-01 : f32
        %parallel_loop3A_901 = vector.broadcast %parallel_loop3A_900 : f32 to vector<16xf32>
        %parallel_loop3A_902 = arith.mulf %parallel_loop3A_899, %parallel_loop3A_901 : vector<16xf32>
        %parallel_loop3A_903 = vector.broadcast %parallel_loop3A_820 : i32 to vector<16xi32>
        %parallel_loop3A_904 = arith.addi %add3A_135, %parallel_loop3A_903 : vector<16xi32>
        tpu.vector_store_idx %arg10[%parallel_loop3A_904], %parallel_loop3A_902 : memref<16384xf32, #tpu.memory_space<vmem>>[vector<16xi32>], vector<16xf32>,
        %parallel_loop3A_905 = vector.broadcast %parallel_loop3A_812 : i32 to vector<16xi32>
        %parallel_loop3A_906 = arith.addi %and3A_65, %parallel_loop3A_905 : vector<16xi32>
        %parallel_loop3A_907 = tpu.vector_load_idx %arg8[%parallel_loop3A_906, %parallel_loop3A_824] : memref<256x64xf32, #tpu.memory_space<vmem>>[vector<16xi32>, vector<16xi32>], vector<16xf32>,
        %parallel_loop3A_908 = arith.constant 1.250000e-01 : f32
        %parallel_loop3A_909 = vector.broadcast %parallel_loop3A_908 : f32 to vector<16xf32>
        %parallel_loop3A_910 = arith.mulf %parallel_loop3A_907, %parallel_loop3A_909 : vector<16xf32>
        %parallel_loop3A_911 = vector.broadcast %parallel_loop3A_820 : i32 to vector<16xi32>
        %parallel_loop3A_912 = arith.addi %add3A_139, %parallel_loop3A_911 : vector<16xi32>
        tpu.vector_store_idx %arg10[%parallel_loop3A_912], %parallel_loop3A_910 : memref<16384xf32, #tpu.memory_space<vmem>>[vector<16xi32>], vector<16xf32>,
        %parallel_loop3A_913 = vector.broadcast %parallel_loop3A_812 : i32 to vector<16xi32>
        %parallel_loop3A_914 = arith.addi %and3A_71, %parallel_loop3A_913 : vector<16xi32>
        %parallel_loop3A_915 = tpu.vector_load_idx %arg8[%parallel_loop3A_914, %parallel_loop3A_824] : memref<256x64xf32, #tpu.memory_space<vmem>>[vector<16xi32>, vector<16xi32>], vector<16xf32>,
        %parallel_loop3A_916 = arith.constant 1.250000e-01 : f32
        %parallel_loop3A_917 = vector.broadcast %parallel_loop3A_916 : f32 to vector<16xf32>
        %parallel_loop3A_918 = arith.mulf %parallel_loop3A_915, %parallel_loop3A_917 : vector<16xf32>
        %parallel_loop3A_919 = vector.broadcast %parallel_loop3A_820 : i32 to vector<16xi32>
        %parallel_loop3A_920 = arith.addi %add3A_143, %parallel_loop3A_919 : vector<16xi32>
        tpu.vector_store_idx %arg10[%parallel_loop3A_920], %parallel_loop3A_918 : memref<16384xf32, #tpu.memory_space<vmem>>[vector<16xi32>], vector<16xf32>,
        %parallel_loop3A_921 = vector.broadcast %parallel_loop3A_812 : i32 to vector<16xi32>
        %parallel_loop3A_922 = arith.addi %and3A_77, %parallel_loop3A_921 : vector<16xi32>
        %parallel_loop3A_923 = tpu.vector_load_idx %arg8[%parallel_loop3A_922, %parallel_loop3A_824] : memref<256x64xf32, #tpu.memory_space<vmem>>[vector<16xi32>, vector<16xi32>], vector<16xf32>,
        %parallel_loop3A_924 = arith.constant 1.250000e-01 : f32
        %parallel_loop3A_925 = vector.broadcast %parallel_loop3A_924 : f32 to vector<16xf32>
        %parallel_loop3A_926 = arith.mulf %parallel_loop3A_923, %parallel_loop3A_925 : vector<16xf32>
        %parallel_loop3A_927 = vector.broadcast %parallel_loop3A_820 : i32 to vector<16xi32>
        %parallel_loop3A_928 = arith.addi %add3A_147, %parallel_loop3A_927 : vector<16xi32>
        tpu.vector_store_idx %arg10[%parallel_loop3A_928], %parallel_loop3A_926 : memref<16384xf32, #tpu.memory_space<vmem>>[vector<16xi32>], vector<16xf32>,
        %parallel_loop3A_929 = vector.broadcast %parallel_loop3A_812 : i32 to vector<16xi32>
        %parallel_loop3A_930 = arith.addi %and3A_83, %parallel_loop3A_929 : vector<16xi32>
        %parallel_loop3A_931 = tpu.vector_load_idx %arg8[%parallel_loop3A_930, %parallel_loop3A_824] : memref<256x64xf32, #tpu.memory_space<vmem>>[vector<16xi32>, vector<16xi32>], vector<16xf32>,
        %parallel_loop3A_932 = arith.constant 1.250000e-01 : f32
        %parallel_loop3A_933 = vector.broadcast %parallel_loop3A_932 : f32 to vector<16xf32>
        %parallel_loop3A_934 = arith.mulf %parallel_loop3A_931, %parallel_loop3A_933 : vector<16xf32>
        %parallel_loop3A_935 = vector.broadcast %parallel_loop3A_820 : i32 to vector<16xi32>
        %parallel_loop3A_936 = arith.addi %add3A_151, %parallel_loop3A_935 : vector<16xi32>
        tpu.vector_store_idx %arg10[%parallel_loop3A_936], %parallel_loop3A_934 : memref<16384xf32, #tpu.memory_space<vmem>>[vector<16xi32>], vector<16xf32>,
        %parallel_loop3A_937 = vector.broadcast %parallel_loop3A_812 : i32 to vector<16xi32>
        %parallel_loop3A_938 = arith.addi %and3A_89, %parallel_loop3A_937 : vector<16xi32>
        %parallel_loop3A_939 = tpu.vector_load_idx %arg8[%parallel_loop3A_938, %parallel_loop3A_824] : memref<256x64xf32, #tpu.memory_space<vmem>>[vector<16xi32>, vector<16xi32>], vector<16xf32>,
        %parallel_loop3A_940 = arith.constant 1.250000e-01 : f32
        %parallel_loop3A_941 = vector.broadcast %parallel_loop3A_940 : f32 to vector<16xf32>
        %parallel_loop3A_942 = arith.mulf %parallel_loop3A_939, %parallel_loop3A_941 : vector<16xf32>
        %parallel_loop3A_943 = vector.broadcast %parallel_loop3A_820 : i32 to vector<16xi32>
        %parallel_loop3A_944 = arith.addi %add3A_155, %parallel_loop3A_943 : vector<16xi32>
        tpu.vector_store_idx %arg10[%parallel_loop3A_944], %parallel_loop3A_942 : memref<16384xf32, #tpu.memory_space<vmem>>[vector<16xi32>], vector<16xf32>,
        %parallel_loop3A_945 = vector.broadcast %parallel_loop3A_812 : i32 to vector<16xi32>
        %parallel_loop3A_946 = arith.addi %and3A_95, %parallel_loop3A_945 : vector<16xi32>
        %parallel_loop3A_947 = tpu.vector_load_idx %arg8[%parallel_loop3A_946, %parallel_loop3A_824] : memref<256x64xf32, #tpu.memory_space<vmem>>[vector<16xi32>, vector<16xi32>], vector<16xf32>,
        %parallel_loop3A_948 = arith.constant 1.250000e-01 : f32
        %parallel_loop3A_949 = vector.broadcast %parallel_loop3A_948 : f32 to vector<16xf32>
        %parallel_loop3A_950 = arith.mulf %parallel_loop3A_947, %parallel_loop3A_949 : vector<16xf32>
        %parallel_loop3A_951 = vector.broadcast %parallel_loop3A_820 : i32 to vector<16xi32>
        %parallel_loop3A_952 = arith.addi %add3A_159, %parallel_loop3A_951 : vector<16xi32>
        tpu.vector_store_idx %arg10[%parallel_loop3A_952], %parallel_loop3A_950 : memref<16384xf32, #tpu.memory_space<vmem>>[vector<16xi32>], vector<16xf32>,
      } {sc.loop_unroll_factor = 1 : i64, sc.parallel_access}
      %shift_right_arithmetic3A_513 = arith.constant 2 : i32
      %shift_right_arithmetic3A_514 = arith.shrsi %add3A_496, %shift_right_arithmetic3A_513 : i32
      %mul3A_515 = arith.constant 8 : i32
      %mul3A_516 = arith.muli %shift_right_arithmetic3A_514, %mul3A_515 : i32
      %and3A_517 = arith.constant 3 : i32
      %and3A_518 = arith.andi %add3A_496, %and3A_517 : i32
      %mul3A_519 = arith.constant 2 : i32
      %mul3A_520 = arith.muli %and3A_518, %mul3A_519 : i32
      %add3A_521 = arith.addi %mul3A_516, %mul3A_520 : i32
      %add3A_522 = arith.constant 0 : i32
      %add3A_523 = arith.addi %add3A_521, %add3A_522 : i32
      %mul3A_524 = arith.constant 8 : i32
      %mul3A_525 = arith.muli %add3A_523, %mul3A_524 : i32
      %add3A_526 = arith.constant 0 : i32
      %add3A_527 = arith.addi %mul3A_525, %add3A_526 : i32
      %mul3A_528 = arith.constant 32 : i32
      %mul3A_529 = arith.muli %add3A_527, %mul3A_528 : i32
      %add3A_530 = arith.addi %mul3A_529, %add3A : i32
      %mul3A_531 = arith.constant 1024 : i32
      %mul3A_532 = arith.muli %add3A_530, %mul3A_531 : i32
      %dma_start3A_533 = arith.constant 0 : i32
      %dma_start3A_534 = tpu.memref_slice %arg10[%dma_start3A_533] : memref<16384xf32, #tpu.memory_space<vmem>> -> memref<1024xf32, #tpu.memory_space<vmem>>
      %dma_start3A_535 = tpu.memref_slice %arg4[%mul3A_532] : memref<52428800xf32, #tpu.memory_space<hbm>> -> memref<1024xf32, #tpu.memory_space<hbm>>
      %dma_start3A_536 = tpu.memref_slice %arg4[%mul3A_532] : memref<52428800xf32, #tpu.memory_space<hbm>> -> memref<1024xf32, #tpu.memory_space<hbm>>
      %dma_start3A_537 = arith.constant 0 : i32
      %dma_start3A_538 = tpu.memref_slice %arg10[%dma_start3A_537] : memref<16384xf32, #tpu.memory_space<vmem>> -> memref<1024xf32, #tpu.memory_space<vmem>>
      tpu.enqueue_dma source(%dma_start3A_538 : memref<1024xf32, #tpu.memory_space<vmem>>) target(%dma_start3A_536 : memref<1024xf32, #tpu.memory_space<hbm>>) target_semaphore(%arg16 : memref<!tpu.dma_semaphore, #tpu.memory_space<semaphore_mem>>)
      %add3A_539 = arith.constant 0 : i32
      %add3A_540 = arith.addi %add3A_521, %add3A_539 : i32
      %mul3A_541 = arith.constant 8 : i32
      %mul3A_542 = arith.muli %add3A_540, %mul3A_541 : i32
      %add3A_543 = arith.constant 1 : i32
      %add3A_544 = arith.addi %mul3A_542, %add3A_543 : i32
      %mul3A_545 = arith.constant 32 : i32
      %mul3A_546 = arith.muli %add3A_544, %mul3A_545 : i32
      %add3A_547 = arith.addi %mul3A_546, %add3A : i32
      %mul3A_548 = arith.constant 1024 : i32
      %mul3A_549 = arith.muli %add3A_547, %mul3A_548 : i32
      %dma_start3A_550 = arith.constant 1024 : i32
      %dma_start3A_551 = tpu.memref_slice %arg10[%dma_start3A_550] : memref<16384xf32, #tpu.memory_space<vmem>> -> memref<1024xf32, #tpu.memory_space<vmem>>
      %dma_start3A_552 = tpu.memref_slice %arg4[%mul3A_549] : memref<52428800xf32, #tpu.memory_space<hbm>> -> memref<1024xf32, #tpu.memory_space<hbm>>
      %dma_start3A_553 = tpu.memref_slice %arg4[%mul3A_549] : memref<52428800xf32, #tpu.memory_space<hbm>> -> memref<1024xf32, #tpu.memory_space<hbm>>
      %dma_start3A_554 = arith.constant 1024 : i32
      %dma_start3A_555 = tpu.memref_slice %arg10[%dma_start3A_554] : memref<16384xf32, #tpu.memory_space<vmem>> -> memref<1024xf32, #tpu.memory_space<vmem>>
      tpu.enqueue_dma source(%dma_start3A_555 : memref<1024xf32, #tpu.memory_space<vmem>>) target(%dma_start3A_553 : memref<1024xf32, #tpu.memory_space<hbm>>) target_semaphore(%arg16 : memref<!tpu.dma_semaphore, #tpu.memory_space<semaphore_mem>>)
      %add3A_556 = arith.constant 0 : i32
      %add3A_557 = arith.addi %add3A_521, %add3A_556 : i32
      %mul3A_558 = arith.constant 8 : i32
      %mul3A_559 = arith.muli %add3A_557, %mul3A_558 : i32
      %add3A_560 = arith.constant 2 : i32
      %add3A_561 = arith.addi %mul3A_559, %add3A_560 : i32
      %mul3A_562 = arith.constant 32 : i32
      %mul3A_563 = arith.muli %add3A_561, %mul3A_562 : i32
      %add3A_564 = arith.addi %mul3A_563, %add3A : i32
      %mul3A_565 = arith.constant 1024 : i32
      %mul3A_566 = arith.muli %add3A_564, %mul3A_565 : i32
      %dma_start3A_567 = arith.constant 2048 : i32
      %dma_start3A_568 = tpu.memref_slice %arg10[%dma_start3A_567] : memref<16384xf32, #tpu.memory_space<vmem>> -> memref<1024xf32, #tpu.memory_space<vmem>>
      %dma_start3A_569 = tpu.memref_slice %arg4[%mul3A_566] : memref<52428800xf32, #tpu.memory_space<hbm>> -> memref<1024xf32, #tpu.memory_space<hbm>>
      %dma_start3A_570 = tpu.memref_slice %arg4[%mul3A_566] : memref<52428800xf32, #tpu.memory_space<hbm>> -> memref<1024xf32, #tpu.memory_space<hbm>>
      %dma_start3A_571 = arith.constant 2048 : i32
      %dma_start3A_572 = tpu.memref_slice %arg10[%dma_start3A_571] : memref<16384xf32, #tpu.memory_space<vmem>> -> memref<1024xf32, #tpu.memory_space<vmem>>
      tpu.enqueue_dma source(%dma_start3A_572 : memref<1024xf32, #tpu.memory_space<vmem>>) target(%dma_start3A_570 : memref<1024xf32, #tpu.memory_space<hbm>>) target_semaphore(%arg16 : memref<!tpu.dma_semaphore, #tpu.memory_space<semaphore_mem>>)
      %add3A_573 = arith.constant 0 : i32
      %add3A_574 = arith.addi %add3A_521, %add3A_573 : i32
      %mul3A_575 = arith.constant 8 : i32
      %mul3A_576 = arith.muli %add3A_574, %mul3A_575 : i32
      %add3A_577 = arith.constant 3 : i32
      %add3A_578 = arith.addi %mul3A_576, %add3A_577 : i32
      %mul3A_579 = arith.constant 32 : i32
      %mul3A_580 = arith.muli %add3A_578, %mul3A_579 : i32
      %add3A_581 = arith.addi %mul3A_580, %add3A : i32
      %mul3A_582 = arith.constant 1024 : i32
      %mul3A_583 = arith.muli %add3A_581, %mul3A_582 : i32
      %dma_start3A_584 = arith.constant 3072 : i32
      %dma_start3A_585 = tpu.memref_slice %arg10[%dma_start3A_584] : memref<16384xf32, #tpu.memory_space<vmem>> -> memref<1024xf32, #tpu.memory_space<vmem>>
      %dma_start3A_586 = tpu.memref_slice %arg4[%mul3A_583] : memref<52428800xf32, #tpu.memory_space<hbm>> -> memref<1024xf32, #tpu.memory_space<hbm>>
      %dma_start3A_587 = tpu.memref_slice %arg4[%mul3A_583] : memref<52428800xf32, #tpu.memory_space<hbm>> -> memref<1024xf32, #tpu.memory_space<hbm>>
      %dma_start3A_588 = arith.constant 3072 : i32
      %dma_start3A_589 = tpu.memref_slice %arg10[%dma_start3A_588] : memref<16384xf32, #tpu.memory_space<vmem>> -> memref<1024xf32, #tpu.memory_space<vmem>>
      tpu.enqueue_dma source(%dma_start3A_589 : memref<1024xf32, #tpu.memory_space<vmem>>) target(%dma_start3A_587 : memref<1024xf32, #tpu.memory_space<hbm>>) target_semaphore(%arg16 : memref<!tpu.dma_semaphore, #tpu.memory_space<semaphore_mem>>)
      %add3A_590 = arith.constant 0 : i32
      %add3A_591 = arith.addi %add3A_521, %add3A_590 : i32
      %mul3A_592 = arith.constant 8 : i32
      %mul3A_593 = arith.muli %add3A_591, %mul3A_592 : i32
      %add3A_594 = arith.constant 4 : i32
      %add3A_595 = arith.addi %mul3A_593, %add3A_594 : i32
      %mul3A_596 = arith.constant 32 : i32
      %mul3A_597 = arith.muli %add3A_595, %mul3A_596 : i32
      %add3A_598 = arith.addi %mul3A_597, %add3A : i32
      %mul3A_599 = arith.constant 1024 : i32
      %mul3A_600 = arith.muli %add3A_598, %mul3A_599 : i32
      %dma_start3A_601 = arith.constant 4096 : i32
      %dma_start3A_602 = tpu.memref_slice %arg10[%dma_start3A_601] : memref<16384xf32, #tpu.memory_space<vmem>> -> memref<1024xf32, #tpu.memory_space<vmem>>
      %dma_start3A_603 = tpu.memref_slice %arg4[%mul3A_600] : memref<52428800xf32, #tpu.memory_space<hbm>> -> memref<1024xf32, #tpu.memory_space<hbm>>
      %dma_start3A_604 = tpu.memref_slice %arg4[%mul3A_600] : memref<52428800xf32, #tpu.memory_space<hbm>> -> memref<1024xf32, #tpu.memory_space<hbm>>
      %dma_start3A_605 = arith.constant 4096 : i32
      %dma_start3A_606 = tpu.memref_slice %arg10[%dma_start3A_605] : memref<16384xf32, #tpu.memory_space<vmem>> -> memref<1024xf32, #tpu.memory_space<vmem>>
      tpu.enqueue_dma source(%dma_start3A_606 : memref<1024xf32, #tpu.memory_space<vmem>>) target(%dma_start3A_604 : memref<1024xf32, #tpu.memory_space<hbm>>) target_semaphore(%arg16 : memref<!tpu.dma_semaphore, #tpu.memory_space<semaphore_mem>>)
      %add3A_607 = arith.constant 0 : i32
      %add3A_608 = arith.addi %add3A_521, %add3A_607 : i32
      %mul3A_609 = arith.constant 8 : i32
      %mul3A_610 = arith.muli %add3A_608, %mul3A_609 : i32
      %add3A_611 = arith.constant 5 : i32
      %add3A_612 = arith.addi %mul3A_610, %add3A_611 : i32
      %mul3A_613 = arith.constant 32 : i32
      %mul3A_614 = arith.muli %add3A_612, %mul3A_613 : i32
      %add3A_615 = arith.addi %mul3A_614, %add3A : i32
      %mul3A_616 = arith.constant 1024 : i32
      %mul3A_617 = arith.muli %add3A_615, %mul3A_616 : i32
      %dma_start3A_618 = arith.constant 5120 : i32
      %dma_start3A_619 = tpu.memref_slice %arg10[%dma_start3A_618] : memref<16384xf32, #tpu.memory_space<vmem>> -> memref<1024xf32, #tpu.memory_space<vmem>>
      %dma_start3A_620 = tpu.memref_slice %arg4[%mul3A_617] : memref<52428800xf32, #tpu.memory_space<hbm>> -> memref<1024xf32, #tpu.memory_space<hbm>>
      %dma_start3A_621 = tpu.memref_slice %arg4[%mul3A_617] : memref<52428800xf32, #tpu.memory_space<hbm>> -> memref<1024xf32, #tpu.memory_space<hbm>>
      %dma_start3A_622 = arith.constant 5120 : i32
      %dma_start3A_623 = tpu.memref_slice %arg10[%dma_start3A_622] : memref<16384xf32, #tpu.memory_space<vmem>> -> memref<1024xf32, #tpu.memory_space<vmem>>
      tpu.enqueue_dma source(%dma_start3A_623 : memref<1024xf32, #tpu.memory_space<vmem>>) target(%dma_start3A_621 : memref<1024xf32, #tpu.memory_space<hbm>>) target_semaphore(%arg16 : memref<!tpu.dma_semaphore, #tpu.memory_space<semaphore_mem>>)
      %add3A_624 = arith.constant 0 : i32
      %add3A_625 = arith.addi %add3A_521, %add3A_624 : i32
      %mul3A_626 = arith.constant 8 : i32
      %mul3A_627 = arith.muli %add3A_625, %mul3A_626 : i32
      %add3A_628 = arith.constant 6 : i32
      %add3A_629 = arith.addi %mul3A_627, %add3A_628 : i32
      %mul3A_630 = arith.constant 32 : i32
      %mul3A_631 = arith.muli %add3A_629, %mul3A_630 : i32
      %add3A_632 = arith.addi %mul3A_631, %add3A : i32
      %mul3A_633 = arith.constant 1024 : i32
      %mul3A_634 = arith.muli %add3A_632, %mul3A_633 : i32
      %dma_start3A_635 = arith.constant 6144 : i32
      %dma_start3A_636 = tpu.memref_slice %arg10[%dma_start3A_635] : memref<16384xf32, #tpu.memory_space<vmem>> -> memref<1024xf32, #tpu.memory_space<vmem>>
      %dma_start3A_637 = tpu.memref_slice %arg4[%mul3A_634] : memref<52428800xf32, #tpu.memory_space<hbm>> -> memref<1024xf32, #tpu.memory_space<hbm>>
      %dma_start3A_638 = tpu.memref_slice %arg4[%mul3A_634] : memref<52428800xf32, #tpu.memory_space<hbm>> -> memref<1024xf32, #tpu.memory_space<hbm>>
      %dma_start3A_639 = arith.constant 6144 : i32
      %dma_start3A_640 = tpu.memref_slice %arg10[%dma_start3A_639] : memref<16384xf32, #tpu.memory_space<vmem>> -> memref<1024xf32, #tpu.memory_space<vmem>>
      tpu.enqueue_dma source(%dma_start3A_640 : memref<1024xf32, #tpu.memory_space<vmem>>) target(%dma_start3A_638 : memref<1024xf32, #tpu.memory_space<hbm>>) target_semaphore(%arg16 : memref<!tpu.dma_semaphore, #tpu.memory_space<semaphore_mem>>)
      %add3A_641 = arith.constant 0 : i32
      %add3A_642 = arith.addi %add3A_521, %add3A_641 : i32
      %mul3A_643 = arith.constant 8 : i32
      %mul3A_644 = arith.muli %add3A_642, %mul3A_643 : i32
      %add3A_645 = arith.constant 7 : i32
      %add3A_646 = arith.addi %mul3A_644, %add3A_645 : i32
      %mul3A_647 = arith.constant 32 : i32
      %mul3A_648 = arith.muli %add3A_646, %mul3A_647 : i32
      %add3A_649 = arith.addi %mul3A_648, %add3A : i32
      %mul3A_650 = arith.constant 1024 : i32
      %mul3A_651 = arith.muli %add3A_649, %mul3A_650 : i32
      %dma_start3A_652 = arith.constant 7168 : i32
      %dma_start3A_653 = tpu.memref_slice %arg10[%dma_start3A_652] : memref<16384xf32, #tpu.memory_space<vmem>> -> memref<1024xf32, #tpu.memory_space<vmem>>
      %dma_start3A_654 = tpu.memref_slice %arg4[%mul3A_651] : memref<52428800xf32, #tpu.memory_space<hbm>> -> memref<1024xf32, #tpu.memory_space<hbm>>
      %dma_start3A_655 = tpu.memref_slice %arg4[%mul3A_651] : memref<52428800xf32, #tpu.memory_space<hbm>> -> memref<1024xf32, #tpu.memory_space<hbm>>
      %dma_start3A_656 = arith.constant 7168 : i32
      %dma_start3A_657 = tpu.memref_slice %arg10[%dma_start3A_656] : memref<16384xf32, #tpu.memory_space<vmem>> -> memref<1024xf32, #tpu.memory_space<vmem>>
      tpu.enqueue_dma source(%dma_start3A_657 : memref<1024xf32, #tpu.memory_space<vmem>>) target(%dma_start3A_655 : memref<1024xf32, #tpu.memory_space<hbm>>) target_semaphore(%arg16 : memref<!tpu.dma_semaphore, #tpu.memory_space<semaphore_mem>>)
      %add3A_658 = arith.constant 1 : i32
      %add3A_659 = arith.addi %add3A_521, %add3A_658 : i32
      %mul3A_660 = arith.constant 8 : i32
      %mul3A_661 = arith.muli %add3A_659, %mul3A_660 : i32
      %add3A_662 = arith.constant 0 : i32
      %add3A_663 = arith.addi %mul3A_661, %add3A_662 : i32
      %mul3A_664 = arith.constant 32 : i32
      %mul3A_665 = arith.muli %add3A_663, %mul3A_664 : i32
      %add3A_666 = arith.addi %mul3A_665, %add3A : i32
      %mul3A_667 = arith.constant 1024 : i32
      %mul3A_668 = arith.muli %add3A_666, %mul3A_667 : i32
      %dma_start3A_669 = arith.constant 8192 : i32
      %dma_start3A_670 = tpu.memref_slice %arg10[%dma_start3A_669] : memref<16384xf32, #tpu.memory_space<vmem>> -> memref<1024xf32, #tpu.memory_space<vmem>>
      %dma_start3A_671 = tpu.memref_slice %arg4[%mul3A_668] : memref<52428800xf32, #tpu.memory_space<hbm>> -> memref<1024xf32, #tpu.memory_space<hbm>>
      %dma_start3A_672 = tpu.memref_slice %arg4[%mul3A_668] : memref<52428800xf32, #tpu.memory_space<hbm>> -> memref<1024xf32, #tpu.memory_space<hbm>>
      %dma_start3A_673 = arith.constant 8192 : i32
      %dma_start3A_674 = tpu.memref_slice %arg10[%dma_start3A_673] : memref<16384xf32, #tpu.memory_space<vmem>> -> memref<1024xf32, #tpu.memory_space<vmem>>
      tpu.enqueue_dma source(%dma_start3A_674 : memref<1024xf32, #tpu.memory_space<vmem>>) target(%dma_start3A_672 : memref<1024xf32, #tpu.memory_space<hbm>>) target_semaphore(%arg16 : memref<!tpu.dma_semaphore, #tpu.memory_space<semaphore_mem>>)
      %add3A_675 = arith.constant 1 : i32
      %add3A_676 = arith.addi %add3A_521, %add3A_675 : i32
      %mul3A_677 = arith.constant 8 : i32
      %mul3A_678 = arith.muli %add3A_676, %mul3A_677 : i32
      %add3A_679 = arith.constant 1 : i32
      %add3A_680 = arith.addi %mul3A_678, %add3A_679 : i32
      %mul3A_681 = arith.constant 32 : i32
      %mul3A_682 = arith.muli %add3A_680, %mul3A_681 : i32
      %add3A_683 = arith.addi %mul3A_682, %add3A : i32
      %mul3A_684 = arith.constant 1024 : i32
      %mul3A_685 = arith.muli %add3A_683, %mul3A_684 : i32
      %dma_start3A_686 = arith.constant 9216 : i32
      %dma_start3A_687 = tpu.memref_slice %arg10[%dma_start3A_686] : memref<16384xf32, #tpu.memory_space<vmem>> -> memref<1024xf32, #tpu.memory_space<vmem>>
      %dma_start3A_688 = tpu.memref_slice %arg4[%mul3A_685] : memref<52428800xf32, #tpu.memory_space<hbm>> -> memref<1024xf32, #tpu.memory_space<hbm>>
      %dma_start3A_689 = tpu.memref_slice %arg4[%mul3A_685] : memref<52428800xf32, #tpu.memory_space<hbm>> -> memref<1024xf32, #tpu.memory_space<hbm>>
      %dma_start3A_690 = arith.constant 9216 : i32
      %dma_start3A_691 = tpu.memref_slice %arg10[%dma_start3A_690] : memref<16384xf32, #tpu.memory_space<vmem>> -> memref<1024xf32, #tpu.memory_space<vmem>>
      tpu.enqueue_dma source(%dma_start3A_691 : memref<1024xf32, #tpu.memory_space<vmem>>) target(%dma_start3A_689 : memref<1024xf32, #tpu.memory_space<hbm>>) target_semaphore(%arg16 : memref<!tpu.dma_semaphore, #tpu.memory_space<semaphore_mem>>)
      %add3A_692 = arith.constant 1 : i32
      %add3A_693 = arith.addi %add3A_521, %add3A_692 : i32
      %mul3A_694 = arith.constant 8 : i32
      %mul3A_695 = arith.muli %add3A_693, %mul3A_694 : i32
      %add3A_696 = arith.constant 2 : i32
      %add3A_697 = arith.addi %mul3A_695, %add3A_696 : i32
      %mul3A_698 = arith.constant 32 : i32
      %mul3A_699 = arith.muli %add3A_697, %mul3A_698 : i32
      %add3A_700 = arith.addi %mul3A_699, %add3A : i32
      %mul3A_701 = arith.constant 1024 : i32
      %mul3A_702 = arith.muli %add3A_700, %mul3A_701 : i32
      %dma_start3A_703 = arith.constant 10240 : i32
      %dma_start3A_704 = tpu.memref_slice %arg10[%dma_start3A_703] : memref<16384xf32, #tpu.memory_space<vmem>> -> memref<1024xf32, #tpu.memory_space<vmem>>
      %dma_start3A_705 = tpu.memref_slice %arg4[%mul3A_702] : memref<52428800xf32, #tpu.memory_space<hbm>> -> memref<1024xf32, #tpu.memory_space<hbm>>
      %dma_start3A_706 = tpu.memref_slice %arg4[%mul3A_702] : memref<52428800xf32, #tpu.memory_space<hbm>> -> memref<1024xf32, #tpu.memory_space<hbm>>
      %dma_start3A_707 = arith.constant 10240 : i32
      %dma_start3A_708 = tpu.memref_slice %arg10[%dma_start3A_707] : memref<16384xf32, #tpu.memory_space<vmem>> -> memref<1024xf32, #tpu.memory_space<vmem>>
      tpu.enqueue_dma source(%dma_start3A_708 : memref<1024xf32, #tpu.memory_space<vmem>>) target(%dma_start3A_706 : memref<1024xf32, #tpu.memory_space<hbm>>) target_semaphore(%arg16 : memref<!tpu.dma_semaphore, #tpu.memory_space<semaphore_mem>>)
      %add3A_709 = arith.constant 1 : i32
      %add3A_710 = arith.addi %add3A_521, %add3A_709 : i32
      %mul3A_711 = arith.constant 8 : i32
      %mul3A_712 = arith.muli %add3A_710, %mul3A_711 : i32
      %add3A_713 = arith.constant 3 : i32
      %add3A_714 = arith.addi %mul3A_712, %add3A_713 : i32
      %mul3A_715 = arith.constant 32 : i32
      %mul3A_716 = arith.muli %add3A_714, %mul3A_715 : i32
      %add3A_717 = arith.addi %mul3A_716, %add3A : i32
      %mul3A_718 = arith.constant 1024 : i32
      %mul3A_719 = arith.muli %add3A_717, %mul3A_718 : i32
      %dma_start3A_720 = arith.constant 11264 : i32
      %dma_start3A_721 = tpu.memref_slice %arg10[%dma_start3A_720] : memref<16384xf32, #tpu.memory_space<vmem>> -> memref<1024xf32, #tpu.memory_space<vmem>>
      %dma_start3A_722 = tpu.memref_slice %arg4[%mul3A_719] : memref<52428800xf32, #tpu.memory_space<hbm>> -> memref<1024xf32, #tpu.memory_space<hbm>>
      %dma_start3A_723 = tpu.memref_slice %arg4[%mul3A_719] : memref<52428800xf32, #tpu.memory_space<hbm>> -> memref<1024xf32, #tpu.memory_space<hbm>>
      %dma_start3A_724 = arith.constant 11264 : i32
      %dma_start3A_725 = tpu.memref_slice %arg10[%dma_start3A_724] : memref<16384xf32, #tpu.memory_space<vmem>> -> memref<1024xf32, #tpu.memory_space<vmem>>
      tpu.enqueue_dma source(%dma_start3A_725 : memref<1024xf32, #tpu.memory_space<vmem>>) target(%dma_start3A_723 : memref<1024xf32, #tpu.memory_space<hbm>>) target_semaphore(%arg16 : memref<!tpu.dma_semaphore, #tpu.memory_space<semaphore_mem>>)
      %add3A_726 = arith.constant 1 : i32
      %add3A_727 = arith.addi %add3A_521, %add3A_726 : i32
      %mul3A_728 = arith.constant 8 : i32
      %mul3A_729 = arith.muli %add3A_727, %mul3A_728 : i32
      %add3A_730 = arith.constant 4 : i32
      %add3A_731 = arith.addi %mul3A_729, %add3A_730 : i32
      %mul3A_732 = arith.constant 32 : i32
      %mul3A_733 = arith.muli %add3A_731, %mul3A_732 : i32
      %add3A_734 = arith.addi %mul3A_733, %add3A : i32
      %mul3A_735 = arith.constant 1024 : i32
      %mul3A_736 = arith.muli %add3A_734, %mul3A_735 : i32
      %dma_start3A_737 = arith.constant 12288 : i32
      %dma_start3A_738 = tpu.memref_slice %arg10[%dma_start3A_737] : memref<16384xf32, #tpu.memory_space<vmem>> -> memref<1024xf32, #tpu.memory_space<vmem>>
      %dma_start3A_739 = tpu.memref_slice %arg4[%mul3A_736] : memref<52428800xf32, #tpu.memory_space<hbm>> -> memref<1024xf32, #tpu.memory_space<hbm>>
      %dma_start3A_740 = tpu.memref_slice %arg4[%mul3A_736] : memref<52428800xf32, #tpu.memory_space<hbm>> -> memref<1024xf32, #tpu.memory_space<hbm>>
      %dma_start3A_741 = arith.constant 12288 : i32
      %dma_start3A_742 = tpu.memref_slice %arg10[%dma_start3A_741] : memref<16384xf32, #tpu.memory_space<vmem>> -> memref<1024xf32, #tpu.memory_space<vmem>>
      tpu.enqueue_dma source(%dma_start3A_742 : memref<1024xf32, #tpu.memory_space<vmem>>) target(%dma_start3A_740 : memref<1024xf32, #tpu.memory_space<hbm>>) target_semaphore(%arg16 : memref<!tpu.dma_semaphore, #tpu.memory_space<semaphore_mem>>)
      %add3A_743 = arith.constant 1 : i32
      %add3A_744 = arith.addi %add3A_521, %add3A_743 : i32
      %mul3A_745 = arith.constant 8 : i32
      %mul3A_746 = arith.muli %add3A_744, %mul3A_745 : i32
      %add3A_747 = arith.constant 5 : i32
      %add3A_748 = arith.addi %mul3A_746, %add3A_747 : i32
      %mul3A_749 = arith.constant 32 : i32
      %mul3A_750 = arith.muli %add3A_748, %mul3A_749 : i32
      %add3A_751 = arith.addi %mul3A_750, %add3A : i32
      %mul3A_752 = arith.constant 1024 : i32
      %mul3A_753 = arith.muli %add3A_751, %mul3A_752 : i32
      %dma_start3A_754 = arith.constant 13312 : i32
      %dma_start3A_755 = tpu.memref_slice %arg10[%dma_start3A_754] : memref<16384xf32, #tpu.memory_space<vmem>> -> memref<1024xf32, #tpu.memory_space<vmem>>
      %dma_start3A_756 = tpu.memref_slice %arg4[%mul3A_753] : memref<52428800xf32, #tpu.memory_space<hbm>> -> memref<1024xf32, #tpu.memory_space<hbm>>
      %dma_start3A_757 = tpu.memref_slice %arg4[%mul3A_753] : memref<52428800xf32, #tpu.memory_space<hbm>> -> memref<1024xf32, #tpu.memory_space<hbm>>
      %dma_start3A_758 = arith.constant 13312 : i32
      %dma_start3A_759 = tpu.memref_slice %arg10[%dma_start3A_758] : memref<16384xf32, #tpu.memory_space<vmem>> -> memref<1024xf32, #tpu.memory_space<vmem>>
      tpu.enqueue_dma source(%dma_start3A_759 : memref<1024xf32, #tpu.memory_space<vmem>>) target(%dma_start3A_757 : memref<1024xf32, #tpu.memory_space<hbm>>) target_semaphore(%arg16 : memref<!tpu.dma_semaphore, #tpu.memory_space<semaphore_mem>>)
      %add3A_760 = arith.constant 1 : i32
      %add3A_761 = arith.addi %add3A_521, %add3A_760 : i32
      %mul3A_762 = arith.constant 8 : i32
      %mul3A_763 = arith.muli %add3A_761, %mul3A_762 : i32
      %add3A_764 = arith.constant 6 : i32
      %add3A_765 = arith.addi %mul3A_763, %add3A_764 : i32
      %mul3A_766 = arith.constant 32 : i32
      %mul3A_767 = arith.muli %add3A_765, %mul3A_766 : i32
      %add3A_768 = arith.addi %mul3A_767, %add3A : i32
      %mul3A_769 = arith.constant 1024 : i32
      %mul3A_770 = arith.muli %add3A_768, %mul3A_769 : i32
      %dma_start3A_771 = arith.constant 14336 : i32
      %dma_start3A_772 = tpu.memref_slice %arg10[%dma_start3A_771] : memref<16384xf32, #tpu.memory_space<vmem>> -> memref<1024xf32, #tpu.memory_space<vmem>>
      %dma_start3A_773 = tpu.memref_slice %arg4[%mul3A_770] : memref<52428800xf32, #tpu.memory_space<hbm>> -> memref<1024xf32, #tpu.memory_space<hbm>>
      %dma_start3A_774 = tpu.memref_slice %arg4[%mul3A_770] : memref<52428800xf32, #tpu.memory_space<hbm>> -> memref<1024xf32, #tpu.memory_space<hbm>>
      %dma_start3A_775 = arith.constant 14336 : i32
      %dma_start3A_776 = tpu.memref_slice %arg10[%dma_start3A_775] : memref<16384xf32, #tpu.memory_space<vmem>> -> memref<1024xf32, #tpu.memory_space<vmem>>
      tpu.enqueue_dma source(%dma_start3A_776 : memref<1024xf32, #tpu.memory_space<vmem>>) target(%dma_start3A_774 : memref<1024xf32, #tpu.memory_space<hbm>>) target_semaphore(%arg16 : memref<!tpu.dma_semaphore, #tpu.memory_space<semaphore_mem>>)
      %add3A_777 = arith.constant 1 : i32
      %add3A_778 = arith.addi %add3A_521, %add3A_777 : i32
      %mul3A_779 = arith.constant 8 : i32
      %mul3A_780 = arith.muli %add3A_778, %mul3A_779 : i32
      %add3A_781 = arith.constant 7 : i32
      %add3A_782 = arith.addi %mul3A_780, %add3A_781 : i32
      %mul3A_783 = arith.constant 32 : i32
      %mul3A_784 = arith.muli %add3A_782, %mul3A_783 : i32
      %add3A_785 = arith.addi %mul3A_784, %add3A : i32
      %mul3A_786 = arith.constant 1024 : i32
      %mul3A_787 = arith.muli %add3A_785, %mul3A_786 : i32
      %dma_start3A_788 = arith.constant 15360 : i32
      %dma_start3A_789 = tpu.memref_slice %arg10[%dma_start3A_788] : memref<16384xf32, #tpu.memory_space<vmem>> -> memref<1024xf32, #tpu.memory_space<vmem>>
      %dma_start3A_790 = tpu.memref_slice %arg4[%mul3A_787] : memref<52428800xf32, #tpu.memory_space<hbm>> -> memref<1024xf32, #tpu.memory_space<hbm>>
      %dma_start3A_791 = tpu.memref_slice %arg4[%mul3A_787] : memref<52428800xf32, #tpu.memory_space<hbm>> -> memref<1024xf32, #tpu.memory_space<hbm>>
      %dma_start3A_792 = arith.constant 15360 : i32
      %dma_start3A_793 = tpu.memref_slice %arg10[%dma_start3A_792] : memref<16384xf32, #tpu.memory_space<vmem>> -> memref<1024xf32, #tpu.memory_space<vmem>>
      tpu.enqueue_dma source(%dma_start3A_793 : memref<1024xf32, #tpu.memory_space<vmem>>) target(%dma_start3A_791 : memref<1024xf32, #tpu.memory_space<hbm>>) target_semaphore(%arg16 : memref<!tpu.dma_semaphore, #tpu.memory_space<semaphore_mem>>)
      %lt3A_794 = arith.constant 98 : i32
      %lt3A_795 = arith.cmpi slt, %add3A_496, %lt3A_794 : i32
      %convert_element_type3A_796 = arith.extui %lt3A_795 : i1 to i32
      %cond3A_797 = arith.constant 0 : i32
      %cond3A_798 = arith.cmpi ne, %convert_element_type3A_796, %cond3A_797 : i32
      scf.if %cond3A_798 {
        %dma_wait3A_799 = arith.constant 0 : i32
        %dma_wait3A_800 = tpu.memref_slice %arg2[%dma_wait3A_799] : memref<819200xi32, #tpu.memory_space<hbm>> -> memref<256xi32, #tpu.memory_space<hbm>>
        %dma_wait3A_801 = arith.constant 0 : i32
        %dma_wait3A_802 = tpu.memref_slice %arg2[%dma_wait3A_801] : memref<819200xi32, #tpu.memory_space<hbm>> -> memref<256xi32, #tpu.memory_space<hbm>>
        tpu.wait_dma2 semaphore(%arg12 : memref<!tpu.dma_semaphore, #tpu.memory_space<semaphore_mem>>) src(%dma_wait3A_802 : memref<256xi32, #tpu.memory_space<hbm>>) dst(%arg6 : memref<256xi32, #tpu.memory_space<vmem>>)
        %dma_start3A_803 = arith.constant 0 : i32
        %dma_start3A_804 = arith.constant 0 : i32
        %dma_start3A_805 = tpu.memref_slice %arg3[%dma_start3A_803, %dma_start3A_804] : memref<100000x64xf32, #tpu.memory_space<hbm>> -> memref<100000x64xf32, #tpu.memory_space<hbm>>
        tpu.enqueue_indirect_dma source(%dma_start3A_805 : memref<100000x64xf32, #tpu.memory_space<hbm>>) target(%arg8 : memref<256x64xf32, #tpu.memory_space<vmem>>) offsets(%arg6 : memref<256xi32, #tpu.memory_space<vmem>>) semaphore(%arg14 : memref<!tpu.dma_semaphore, #tpu.memory_space<semaphore_mem>>)
      } else {
      }
    }
    %scan3A_180 = arith.constant 50 : i32
    %dma_wait3A = arith.constant 0 : i32
    %dma_wait3A_181 = tpu.memref_slice %arg4[%dma_wait3A] : memref<52428800xf32, #tpu.memory_space<hbm>> -> memref<16384xf32, #tpu.memory_space<hbm>>
    %dma_wait3A_182 = arith.constant 0 : i32
    %dma_wait3A_183 = tpu.memref_slice %arg4[%dma_wait3A_182] : memref<52428800xf32, #tpu.memory_space<hbm>> -> memref<16384xf32, #tpu.memory_space<hbm>>
    tpu.wait_dma2 semaphore(%arg15 : memref<!tpu.dma_semaphore, #tpu.memory_space<semaphore_mem>>) src(%arg9 : memref<16384xf32, #tpu.memory_space<vmem>>) dst(%dma_wait3A_183 : memref<16384xf32, #tpu.memory_space<hbm>>)
    %dma_wait3A_184 = arith.constant 0 : i32
    %dma_wait3A_185 = tpu.memref_slice %arg4[%dma_wait3A_184] : memref<52428800xf32, #tpu.memory_space<hbm>> -> memref<16384xf32, #tpu.memory_space<hbm>>
    %dma_wait3A_186 = arith.constant 0 : i32
    %dma_wait3A_187 = tpu.memref_slice %arg4[%dma_wait3A_186] : memref<52428800xf32, #tpu.memory_space<hbm>> -> memref<16384xf32, #tpu.memory_space<hbm>>
    tpu.wait_dma2 semaphore(%arg16 : memref<!tpu.dma_semaphore, #tpu.memory_space<semaphore_mem>>) src(%arg10 : memref<16384xf32, #tpu.memory_space<vmem>>) dst(%dma_wait3A_187 : memref<16384xf32, #tpu.memory_space<hbm>>)
    return
  }
}

</mosaic_0001>

<sc_bundles>
// kernel: kernel.3.cloned.1.call-start
scs
__scs_entry_jumppad:
0x0: {  	(pc) =	sbr.rel $0x88, $3  }
0x1: {  	(tag) =	ssettag $0x0;
	lr =	simm.s32 $0x1  }
0x2: {  	[smem:$0x3F9F] =	sst lr;
	_ =	strace $0xD0000000  }
0x3: {  	_ = 	snop  }
0x4: {  	_ = 	snop  }
0x5: {  	_ = 	snop  }
0x6: {  	_ = 	snop  }
0x7: {  	_ = 	snop  }
__scs_overlays_trampoline_lowered:
0x8: {  	[smem:$0x3FAE] =	sst s0  }
0x9: {  	[smem:$0x3FAF] =	sst s1  }
0xa: {  	[smem:$0x3FB0] =	sst s2  }
0xb: {  	[smem:$0x3FB1] =	sst s3  }
0xc: {  	[smem:$0x3FB2] =	sst s4  }
0xd: {  	[smem:$0x3FB3] =	sst s5  }
0xe: {  	[smem:$0x3FB4] =	sst s6  }
0xf: {  	[smem:$0x3FB5] =	sst s7  }
0x10: {  	[smem:$0x3FB6] =	sst s8  }
0x11: {  	[smem:$0x3FB7] =	sst s9;
	s0 =	simm.s32 @!p0 $0x0  }
0x12: {  	s1 =	sld [smem:$0x3F9D];
	s0 =	simm.s32 @p0 $0x1  }
0x13: {  	[smem:$0x3FB8] =	sst s0;
	s0 =	simm.s32 @!p1 $0x0  }
0x14: {  	s2 =	sld [smem:$0x3F9C];
	s0 =	simm.s32 @p1 $0x1  }
0x15: {  	[smem:$0x3FB9] =	sst s0;
	s0 =	simm.s32 @!p2 $0x0  }
0x16: {  	s3 =	sld [smem:$0x3FDB];
	s0 =	simm.s32 @p2 $0x1  }
0x17: {  	s4 =	simm.s32 $0x1BF5;
	[smem:$0x3FBB] =	sst s0  }
0x18: {  	s0 =	sld [smem:$0x3F9E];
	_ =	swait.ge [sflag:s4], $0x0  }
0x19: {  	s7 =	sld [smem:$0x3F9F]  }
0x1a: {  	s8 =	sadd.s32 $0xFFFFE003, lr  }
0x1b: {  	s9 =	sadd.s32 $0xFFFFFEF7, lr;
	s5 =	simm.s32 $0xFFFFFFFF;
	p2 =	slt.u32 s8, $0xFFFFF086  }
0x1c: {  	p1 =	slt.u32 s9, $0xF7A;
	s5 =	simm.s32 @!p2 $0x0  }
0x1d: {  	s5 =	simm.s32 @p1 $0x1;
	p0 =	seq.s32 s7, s2  }
0x1e: {  	s7 =	smul.u32 @!p0 $0xF7A, s2;
	p2 =	seq.s32 @!p0 s5, $0x0  }
0x1f: {  	s9 =	smul.u32 $0xF7A, s1;
	s8 =	simm.s32 @!p0 $0x1BF5;
	p2 =	por !p2, p0  }
0x20: {  	[sflag:s8] =	ssyncset.s32 @!p0 $0xFFFFF086;
	s6 =	sadd.s32 @!p0 s3, s7;
	s7 =	simm.s32 @!p0 $0x108  }
0x21: {  	s3 =	sadd.s32 s3, s9;
	s6 =	sadd.s32 @!p0 $0x88, s6;
	s7 =	simm.s32 @p2 $0x1082  }
0x22: {  	[simem:s7], [sflag:s8] =	dma.local @!p0 [hbm:s6], $0xF7A  }
0x23: {  	s9 =	sor.u32 $0xD0000000, s2;
	s6 =	simm.s32 $0x108;
	_ =	swait.ge @!p0 [sflag:s8], $0x0  }
0x24: {  	s3 =	sadd.s32 $0x88, s3;
	s6 =	simm.s32 @!p1 $0x1082;
	[sflag:s4] =	ssyncset.s32 $0xFFFFF086  }
0x25: {  	[simem:s6], [sflag:s4] =	dma.local [hbm:s3], $0xF7A  }
0x26: {  	[smem:$0x3F9F] =	sst s1;
	(tag) =	ssettag s2;
	_ =	strace s9  }
0x27: {  	s1 =	sld [smem:$0x3FAF]  }
0x28: {  	s2 =	sld [smem:$0x3FB0]  }
0x29: {  	s4 =	sld [smem:$0x3FB2]  }
0x2a: {  	p0 =	seq.s32 s5, $0x0;
	s5 =	sld [smem:$0x3FB3]  }
0x2b: {  	s6 =	sld [smem:$0x3FB4]  }
0x2c: {  	s7 =	sld [smem:$0x3FB5]  }
0x2d: {  	s3 =	simm.s32 $0x108;
	s8 =	sld [smem:$0x3FB6]  }
0x2e: {  	s3 =	simm.s32 @!p0 $0x1082;
	s9 =	sld [smem:$0x3FB7]  }
0x2f: {  	lr =	sadd.s32 s0, s3;
	s0 =	sld [smem:$0x3FAE]  }
0x30: {  	s3 =	sld [smem:$0x3FB1]  }
0x31: {  	[smem:$0x3FBA] =	sst s10  }
0x32: {  	s10 =	sld [smem:$0x3FB8];
	_ =	sdelay $0x3  }
0x33: {  	p0 =	seq.s32 s10, $0x1;
	s10 =	sld [smem:$0x3FBA];
	_ =	sdelay $0x3  }
0x34: {  	[smem:$0x3FBA] =	sst s10  }
0x35: {  	s10 =	sld [smem:$0x3FB9];
	_ =	sdelay $0x3  }
0x36: {  	p1 =	seq.s32 s10, $0x1;
	s10 =	sld [smem:$0x3FBA];
	_ =	sdelay $0x3  }
0x37: {  	[smem:$0x3FBA] =	sst s10  }
0x38: {  	s10 =	sld [smem:$0x3FBB]  }
0x39: {  	_ = 	snop;
	(pc) =	sbr.ind lr, $3  }
0x3a: {  	_ = 	snop  }
0x3b: {  	_ = 	snop  }
0x3c: {  	p2 =	seq.s32 s10, $0x1;
	s10 =	sld [smem:$0x3FBA]  }
0x3d: {  	_ =	shalt  }
0x3e: {  	_ =	shalt  }
0x3f: {  	_ =	shalt  }
0x40: {  	_ =	shalt  }
0x41: {  	_ =	shalt  }
0x42: {  	_ =	shalt  }
0x43: {  	_ =	shalt  }
0x44: {  	_ =	shalt  }
0x45: {  	_ =	shalt  }
0x46: {  	_ =	shalt  }
0x47: {  	_ =	shalt  }
0x48: {  	_ =	shalt  }
0x49: {  	_ =	shalt  }
0x4a: {  	_ =	shalt  }
0x4b: {  	_ =	shalt  }
0x4c: {  	_ =	shalt  }
0x4d: {  	_ =	shalt  }
0x4e: {  	_ =	shalt  }
0x4f: {  	_ =	shalt  }
0x50: {  	_ =	shalt  }
0x51: {  	_ =	shalt  }
0x52: {  	_ =	shalt  }
0x53: {  	_ =	shalt  }
0x54: {  	_ =	shalt  }
0x55: {  	_ =	shalt  }
0x56: {  	_ =	shalt  }
0x57: {  	_ =	shalt  }
0x58: {  	_ =	shalt  }
0x59: {  	_ =	shalt  }
0x5a: {  	_ =	shalt  }
0x5b: {  	_ =	shalt  }
0x5c: {  	_ =	shalt  }
0x5d: {  	_ =	shalt  }
0x5e: {  	_ =	shalt  }
0x5f: {  	_ =	shalt  }
0x60: {  	_ =	shalt  }
0x61: {  	_ =	shalt  }
0x62: {  	_ =	shalt  }
0x63: {  	_ =	shalt  }
0x64: {  	_ =	shalt  }
0x65: {  	_ =	shalt  }
0x66: {  	_ =	shalt  }
0x67: {  	_ =	shalt  }
0x68: {  	_ =	shalt  }
0x69: {  	_ =	shalt  }
0x6a: {  	_ =	shalt  }
0x6b: {  	_ =	shalt  }
0x6c: {  	_ =	shalt  }
0x6d: {  	_ =	shalt  }
0x6e: {  	_ =	shalt  }
0x6f: {  	_ =	shalt  }
0x70: {  	_ =	shalt  }
0x71: {  	_ =	shalt  }
0x72: {  	_ =	shalt  }
0x73: {  	_ =	shalt  }
0x74: {  	_ =	shalt  }
0x75: {  	_ =	shalt  }
0x76: {  	_ =	shalt  }
0x77: {  	_ =	shalt  }
0x78: {  	_ =	shalt  }
0x79: {  	_ =	shalt  }
0x7a: {  	_ =	shalt  }
0x7b: {  	_ =	shalt  }
0x7c: {  	_ =	shalt  }
0x7d: {  	_ =	shalt  }
0x7e: {  	_ =	shalt  }
0x7f: {  	_ =	shalt  }
0x80: {  	_ =	shalt  }
0x81: {  	_ =	shalt  }
0x82: {  	_ =	shalt  }
0x83: {  	_ =	shalt  }
0x84: {  	_ =	shalt  }
0x85: {  	_ =	shalt  }
0x86: {  	_ =	shalt  }
0x87: {  	_ =	shalt  }
.Lfunc_end0:
.L_simem_size_0:
called_computation_lowered:
.L_overlay_start_0:
0x88: {  	s2 =	sld [smem:$0x3FD9]  }
0x89: {  	s3 =	sld [smem:$0x3FFE];
	_ =	sdelay $0x1  }
0x8a: {  	s1 =	srdreg.scid  }
0x8b: {  	s0 =	sand.u32 $0x1, s1  }
0x8c: {  	s17 =	sshll.u32 s0, $0xA;
	s2 =	sadd.s32 s3, s2  }
0x8d: {  	s2 =	sadd.s32 s2, s17  }
0x8e: {  	[smem:$0x3FC6] =	sst s2  }
0x8f: {  	_ = 	snop  }
0x90: {  	s2 =	sld [smem:$0x3FC9]  }
0x91: {  	s18 =	sld [smem:$0x3FD0];
	(tm) =	ssettm $0x1  }
0x92: {  	s4 =	sld [smem:$0x3FFB];
	_ =	sdelay $0x3  }
0x93: {  	_ =	strace s4  }
0x94: {  	s4 =	sld [smem:$0x3FFC];
	_ =	sdelay $0x3  }
0x95: {  	_ =	strace s4  }
0x96: {  	s4 =	sld [smem:$0x3FFD];
	_ =	sdelay $0x3  }
0x97: {  	_ =	strace s4  }
0x98: {  	_ =	strace $0x8FFFFFFF  }
0x99: {  	s19 =	sld [smem:$0x3FDB];
	_ =	sdelay $0x1  }
0x9a: {  	s5 =	simm.s32 $_scs_section_size  }
0x9b: {  	s6 =	simm.s32 $_size__tile_overlayer_lowered;
	s7 =	simm.s32 $_tile_overlayer_lowered  }
0x9c: {  	s22 =	simm.s32 $0x1BFF;
	s21 =	sshll.u32 s7, $0x1;
	s4 =	sadd.s32 s5, s19  }
0x9d: {  	s8 =	simm.s32 $0x0;
	s20 =	sshll.u32 s6, $0x1;
	s6 =	sadd.s32 s21, s4  }
0x9e: {  	[timem:s8], [sflag:s22] =	dma.local [hbm:s6], s20  }
0x9f: {  	_ =	swait.ge [sflag:s22], s20  }
0xa0: {  	s5 =	ssub.s32 $0x0, s20;
	[sflag:s22] =	ssyncset.done $0x0  }
0xa1: {  	[sflag:s22] =	ssyncadd.s32 s5;
	_ =	sdelay $0x1  }
0xa2: {  	s23 =	simm.s32 $0x1B8B  }
0xa3: {  	_ =	swait.ge [sflag:s23], $0x1  }
0xa4: {  	[sflag:s23] =	ssyncset.done $0x0  }
0xa5: {  	s25 =	simm.s32 $0x1B8E;
	s24 =	sld [smem:$0x3FFE];
	[sflag:s23] =	ssyncadd.s32 $0xFFFFFFFF  }
0xa6: {  	s26 =	simm.s32 $execute0_lowered;
	[smem:$0x3FD2] =	sst s25  }
0xa7: {  	s6 =	sshll.u32 s26, $0x1;
	_ =	strace $0x80000046;
	[dreg:$0x1] =	wrdreg $0xFFFFFFFF  }
0xa8: {  	s28 =	simm.s32 $_size_execute0_lowered;
	s4 =	sadd.s32 s4, s6;
	[dreg:$0x0] =	wrdreg $0x0  }
0xa9: {  	s6 =	sshll.u32 s28, $0x1;
	[dreg:$0x2] =	wrdreg s4  }
0xaa: {  	[dreg:$0x3] =	wrdreg s6  }
0xab: {  	[dreg:$0x4] =	wrdreg $0xC0  }
0xac: {  	_ =	task [dreg:s8], $0x5FFFF  }
0xad: {  	[dreg:$0x1] =	wrdreg $0xFFFFFFFF  }
0xae: {  	[dreg:$0x0] =	wrdreg $0x60  }
0xaf: {  	[dreg:$0x2] =	wrdreg s2  }
0xb0: {  	[dreg:$0x3] =	wrdreg s24  }
0xb1: {  	[dreg:$0x4] =	wrdreg s18  }
0xb2: {  	[dreg:$0x5] =	wrdreg $0x9  }
0xb3: {  	_ =	task.clear_ibuf [dreg:s8], $0x6FFFF;
	_ =	strace $0x90000046  }
0xb4: {  	s29 =	simm.s32 $0x9;
	_ =	strace $0x80000048  }
0xb5: {  	_ =	swait.ge [sflag:s29], $0x1  }
0xb6: {  	[sflag:s29] =	ssyncadd.s32 $0xFFFFFFFF  }
0xb7: {  	_ =	strace $0x90000048  }
0xb8: {  	_ =	sfence  }
0xb9: {  	s30 =	sld [smem:$0x0];
	_ =	sdelay $0x2  }
0xba: {  	s31 =	sshll.u32 s1, $0xD;
	s1 =	sshrl.u32 s1, $0x2  }
0xbb: {  	s3 =	sand.u32 $0x4000, s31;
	s1 =	sadd.s32 s1, s30  }
0xbc: {  	s0 =	sor.u32 s3, s0;
	s1 =	sshll.u32 s1, $0x11  }
0xbd: {  	s0 =	sor.u32 s1, s0  }
0xbe: {  	s0 =	sadd.s32 $0x8F2B, s0  }
0xbf: {  	[sflag:s0] =	ssyncadd.remote.s32 $0x1  }
0xc0: {  	_ =	sfence.sel $0xFFFF  }
0xc1: {  	[dreg:$0x0] =	wrdreg $0xFFFFFFFF;
	(pc) =	sbr.abs _section_cstart, $3  }
0xc2: {  	[dreg:$0x1] =	wrdreg $0xFFFFFFFF  }
0xc3: {  	_ =	task.clear_ibuf [dreg:s8], $0x2FFFF;
	_ =	strace $0x9FFFFFFF  }
0xc4: {  	(tm) =	ssettm $0x7FFFFFFF  }
0xc5: {  	_ =	shalt  }
tec
execute0_lowered:
.L_overlay_start_1:
0x0: {  	(tag) =	ssettag $0x1  }
0x1: {  	v0 =	vimm.s32 $0x300;
	vm9 =	vcmask $0x704  }
0x2: {  	v1 =	vimm.s32 $0xC0804000;
	vm8 =	vcmask $0xB08;
	vm7 =	vcmask $0xF0C  }
0x3: {  	vm11 =	vcmask $0x1F10;
	v11 =	vimm.s32 $0x100;
	vm6 =	vcmask $0x1310  }
0x4: {  	vm5 =	vcmask $0x1714;
	vm4 =	vcmask $0x1B18;
	v3 =	vimm.s32 $0x380  }
0x5: {  	vm10 =	vcmask $0x300;
	vm3 =	vcmask $0x1F1C;
	vm0 =	vcmask $0x1304  }
0x6: {  	v4 =	vimm.s32 $0x4000C080;
	vm2 =	vcmask $0x2320;
	vm1 =	vcmask $0x2724  }
0x7: {  	vm14 =	vcmask $0x1708;
	vm15 =	vcmask $0x1B0C;
	vm12 =	vcmask $0x2314  }
0x8: {  	vm13 =	vcmask $0x2718;
	v16 =	vimm.s32 $0x781;
	v17 =	vimm.s32 $0x782  }
0x9: {  	v18 =	vimm.s32 $0x783;
	v19 =	vimm.s32 $0x784;
	v20 =	vimm.s32 $0x785  }
0xa: {  	v21 =	vimm.s32 $0x786;
	v22 =	vimm.s32 $0x787;
	v23 =	vimm.s32 $0x788  }
0xb: {  	v24 =	vimm.s32 $0x789;
	v25 =	vimm.s32 $0x78A;
	v26 =	vimm.s32 $0x78B  }
0xc: {  	v27 =	vimm.s32 $0x78C;
	v28 =	vimm.s32 $0x78D;
	v29 =	vimm.s32 $0x78E  }
0xd: {  	v33 =	vlaneseq.u32;
	v2 =	vsel vm9, $0x340, v0;
	v1 =	vunpack.c.0.s8.s32 v1  }
0xe: {  	v3 =	vsel vm10, $0x3C0, v3;
	v0 =	vsel vm10, $0x340, v0;
	v16 =	vsel vm10, $0x2, v16  }
0xf: {  	v17 =	vsel vm10, $0x3, v17;
	v18 =	vsel vm10, $0x4, v18;
	v19 =	vsel vm10, $0x5, v19  }
0x10: {  	v20 =	vsel vm10, $0x6, v20;
	v21 =	vsel vm10, $0x7, v21;
	v22 =	vsel vm10, $0x8, v22  }
0x11: {  	v23 =	vsel vm10, $0x9, v23;
	v24 =	vsel vm10, $0xA, v24;
	v25 =	vsel vm10, $0xB, v25  }
0x12: {  	v26 =	vsel vm10, $0xC, v26;
	v27 =	vsel vm10, $0xD, v27;
	v28 =	vsel vm10, $0xE, v28  }
0x13: {  	v29 =	vsel vm10, $0xF, v29;
	v2 =	vsel vm8, $0x380, v2;
	v0 =	vsel vm9, $0x380, v0  }
0x14: {  	v16 =	vsel vm9, $0x83, v16;
	v17 =	vsel vm9, $0x84, v17;
	v18 =	vsel vm9, $0x85, v18  }
0x15: {  	v19 =	vsel vm9, $0x86, v19;
	v20 =	vsel vm9, $0x87, v20;
	v21 =	vsel vm9, $0x88, v21  }
0x16: {  	v22 =	vsel vm9, $0x89, v22;
	v23 =	vsel vm9, $0x8A, v23;
	v24 =	vsel vm9, $0x8B, v24  }
0x17: {  	v25 =	vsel vm9, $0x8C, v25;
	v26 =	vsel vm9, $0x8D, v26;
	v27 =	vsel vm9, $0x8E, v27  }
0x18: {  	v28 =	vsel vm9, $0x8F, v28;
	v29 =	vsel vm9, $0x80, v29;
	v2 =	vsel vm7, $0x3C0, v2  }
0x19: {  	v1 =	vand.u32 $0xFF, v1;
	v0 =	vsel vm8, $0x3C0, v0;
	v16 =	vsel vm8, $0x104, v16  }
0x1a: {  	v17 =	vsel vm8, $0x105, v17;
	v18 =	vsel vm8, $0x106, v18;
	v19 =	vsel vm8, $0x107, v19  }
0x1b: {  	v20 =	vsel vm8, $0x108, v20;
	v21 =	vsel vm8, $0x109, v21;
	v22 =	vsel vm8, $0x10A, v22  }
0x1c: {  	v23 =	vsel vm8, $0x10B, v23;
	v24 =	vsel vm8, $0x10C, v24;
	v25 =	vsel vm8, $0x10D, v25  }
0x1d: {  	v26 =	vsel vm8, $0x10E, v26;
	v27 =	vsel vm8, $0x10F, v27;
	v28 =	vsel vm8, $0x100, v28  }
0x1e: {  	v29 =	vsel vm8, $0x101, v29;
	v30 =	vsel vm11, v1, v2;
	v2 =	vimm.s32 $0x804000C0  }
0x1f: {  	v16 =	vsel vm7, $0x185, v16;
	v17 =	vsel vm7, $0x186, v17;
	v18 =	vsel vm7, $0x187, v18  }
0x20: {  	v19 =	vsel vm7, $0x188, v19;
	v20 =	vsel vm7, $0x189, v20;
	v21 =	vsel vm7, $0x18A, v21  }
0x21: {  	v22 =	vsel vm7, $0x18B, v22;
	v23 =	vsel vm7, $0x18C, v23;
	v24 =	vsel vm7, $0x18D, v24  }
0x22: {  	v25 =	vsel vm7, $0x18E, v25;
	v26 =	vsel vm7, $0x18F, v26;
	v27 =	vsel vm7, $0x180, v27  }
0x23: {  	v28 =	vsel vm7, $0x181, v28;
	v29 =	vsel vm7, $0x182, v29;
	v2 =	vunpack.c.0.s8.s32 v2  }
0x24: {  	v16 =	vsel vm6, $0x206, v16;
	v17 =	vsel vm6, $0x207, v17;
	v18 =	vsel vm6, $0x208, v18  }
0x25: {  	v19 =	vsel vm6, $0x209, v19;
	v20 =	vsel vm6, $0x20A, v20;
	v21 =	vsel vm6, $0x20B, v21  }
0x26: {  	v22 =	vsel vm6, $0x20C, v22;
	v23 =	vsel vm6, $0x20D, v23;
	v24 =	vsel vm6, $0x20E, v24  }
0x27: {  	v25 =	vsel vm6, $0x20F, v25;
	v26 =	vsel vm6, $0x200, v26;
	v27 =	vsel vm6, $0x201, v27  }
0x28: {  	v28 =	vsel vm6, $0x202, v28;
	v29 =	vsel vm6, $0x203, v29;
	v16 =	vsel vm5, $0x287, v16  }
0x29: {  	v17 =	vsel vm5, $0x288, v17;
	v18 =	vsel vm5, $0x289, v18;
	v19 =	vsel vm5, $0x28A, v19  }
0x2a: {  	v20 =	vsel vm5, $0x28B, v20;
	v21 =	vsel vm5, $0x28C, v21;
	v22 =	vsel vm5, $0x28D, v22  }
0x2b: {  	v23 =	vsel vm5, $0x28E, v23;
	v24 =	vsel vm5, $0x28F, v24;
	v25 =	vsel vm5, $0x280, v25  }
0x2c: {  	v26 =	vsel vm5, $0x281, v26;
	v27 =	vsel vm5, $0x282, v27;
	v28 =	vsel vm5, $0x283, v28  }
0x2d: {  	v29 =	vsel vm5, $0x284, v29;
	v10 =	vand.u32 $0xFF, v2;
	v2 =	vimm.s32 $0x340  }
0x2e: {  	v16 =	vsel vm4, $0x308, v16;
	v17 =	vsel vm4, $0x309, v17;
	v18 =	vsel vm4, $0x30A, v18  }
0x2f: {  	v19 =	vsel vm4, $0x30B, v19;
	v20 =	vsel vm4, $0x30C, v20;
	v21 =	vsel vm4, $0x30D, v21  }
0x30: {  	v22 =	vsel vm4, $0x30E, v22;
	v23 =	vsel vm4, $0x30F, v23;
	v24 =	vsel vm4, $0x300, v24  }
0x31: {  	v25 =	vsel vm4, $0x301, v25;
	v26 =	vsel vm4, $0x302, v26;
	v27 =	vsel vm4, $0x303, v27  }
0x32: {  	v28 =	vsel vm4, $0x304, v28;
	v9 =	vsel vm0, v10, v3;
	v3 =	vunpack.c.0.s8.s32 v4  }
0x33: {  	v29 =	vsel vm4, $0x305, v29;
	v2 =	vsel vm10, $0x380, v2;
	vm0 =	vcmask $0x2B28  }
0x34: {  	v9 =	vsel vm5, $0x100, v9;
	v12 =	vand.u32 $0xFF, v3;
	v3 =	vimm.s32 $0xC08040  }
0x35: {  	v2 =	vsel vm9, $0x3C0, v2;
	v9 =	vsel vm4, $0x140, v9;
	v3 =	vunpack.c.0.s8.s32 v3  }
0x36: {  	v8 =	vsel vm14, v12, v2;
	v2 =	vimm.s32 $0x2C0;
	v9 =	vsel vm3, $0x180, v9  }
0x37: {  	vm14 =	vcmask $0x2B1C;
	v2 =	vsel vm10, $0x300, v2;
	v9 =	vsel vm2, $0x1C0, v9  }
0x38: {  	v8 =	vsel vm4, $0x100, v8;
	v13 =	vand.u32 $0xFF, v3;
	v3 =	vimm.s32 $0x280  }
0x39: {  	v2 =	vsel vm9, $0x340, v2;
	v9 =	vsel vm1, $0x200, v9;
	v8 =	vsel vm3, $0x140, v8  }
0x3a: {  	v3 =	vsel vm10, $0x2C0, v3;
	v7 =	vsel vm15, v13, v0;
	v0 =	vsel vm8, $0x380, v2  }
0x3b: {  	vm15 =	vcmask $0x2F20;
	v9 =	vsel vm0, $0x240, v9;
	v8 =	vsel vm2, $0x180, v8  }
0x3c: {  	v2 =	vsel vm9, $0x300, v3;
	v0 =	vsel vm7, $0x3C0, v0;
	v3 =	vimm.s32 $0x1C0  }
0x3d: {  	v7 =	vsel vm3, $0x100, v7;
	v8 =	vsel vm1, $0x1C0, v8;
	v2 =	vsel vm8, $0x340, v2  }
0x3e: {  	v6 =	vsel vm11, v1, v0;
	v3 =	vsel vm10, $0x200, v3;
	v7 =	vsel vm2, $0x140, v7  }
0x3f: {  	v8 =	vsel vm0, $0x200, v8;
	v0 =	vsel vm7, $0x380, v2;
	v2 =	vimm.s32 $0x240  }
0x40: {  	v3 =	vsel vm9, $0x240, v3;
	v6 =	vsel vm2, $0x100, v6;
	v7 =	vsel vm1, $0x180, v7  }
0x41: {  	v0 =	vsel vm6, $0x3C0, v0;
	v2 =	vsel vm10, $0x280, v2;
	v3 =	vsel vm8, $0x280, v3  }
0x42: {  	v5 =	vsel vm12, v10, v0;
	v0 =	vsel vm9, $0x2C0, v2;
	v2 =	vimm.s32 $0x200  }
0x43: {  	v6 =	vsel vm1, $0x140, v6;
	v7 =	vsel vm0, $0x1C0, v7;
	v2 =	vsel vm10, $0x240, v2  }
0x44: {  	v3 =	vsel vm7, $0x2C0, v3;
	v0 =	vsel vm8, $0x300, v0;
	v2 =	vsel vm9, $0x280, v2  }
0x45: {  	vm12 =	vcmask $0x3324;
	v0 =	vsel vm7, $0x340, v0;
	v2 =	vsel vm8, $0x2C0, v2  }
0x46: {  	v6 =	vsel vm0, $0x180, v6;
	v0 =	vsel vm6, $0x380, v0;
	v2 =	vsel vm7, $0x300, v2  }
0x47: {  	v5 =	vsel vm1, $0x100, v5;
	v0 =	vsel vm5, $0x3C0, v0;
	v2 =	vsel vm6, $0x340, v2  }
0x48: {  	v4 =	vsel vm13, v12, v0;
	v0 =	vsel vm5, $0x380, v2;
	v2 =	vsel vm6, $0x300, v3  }
0x49: {  	v5 =	vsel vm0, $0x140, v5;
	v0 =	vsel vm4, $0x3C0, v0;
	v2 =	vsel vm5, $0x340, v2  }
0x4a: {  	vm13 =	vcmask $0x3728;
	v3 =	vsel vm14, v13, v0;
	v0 =	vsel vm4, $0x380, v2  }
0x4b: {  	v4 =	vsel vm0, $0x100, v4;
	v2 =	vimm.s32 $0x180;
	v0 =	vsel vm3, $0x3C0, v0  }
0x4c: {  	vm14 =	vcmask $0x3B2C;
	v14 =	vsel vm10, $0x1C0, v2;
	v2 =	vsel vm15, v1, v0  }
0x4d: {  	v0 =	vsel vm9, $0x200, v14;
	v1 =	vimm.s32 $0x140;
	v14 =	vsel vm10, $0x140, v11  }
0x4e: {  	vm15 =	vcmask $0xB00;
	v11 =	vsel vm9, $0x140, v11;
	v0 =	vsel vm8, $0x240, v0  }
0x4f: {  	v1 =	vsel vm10, $0x180, v1;
	v14 =	vsel vm9, $0x180, v14;
	v11 =	vsel vm8, $0x180, v11  }
0x50: {  	v0 =	vsel vm7, $0x280, v0;
	v1 =	vsel vm9, $0x1C0, v1;
	v14 =	vsel vm8, $0x1C0, v14  }
0x51: {  	v11 =	vsel vm7, $0x1C0, v11;
	v0 =	vsel vm6, $0x2C0, v0;
	v1 =	vsel vm8, $0x200, v1  }
0x52: {  	v14 =	vsel vm7, $0x200, v14;
	v11 =	vsel vm6, $0x200, v11;
	v0 =	vsel vm5, $0x300, v0  }
0x53: {  	v1 =	vsel vm7, $0x240, v1;
	v14 =	vsel vm6, $0x240, v14;
	v11 =	vsel vm5, $0x240, v11  }
0x54: {  	v0 =	vsel vm4, $0x340, v0;
	v1 =	vsel vm6, $0x280, v1;
	v14 =	vsel vm5, $0x280, v14  }
0x55: {  	v11 =	vsel vm4, $0x280, v11;
	v0 =	vsel vm3, $0x380, v0;
	v1 =	vsel vm5, $0x2C0, v1  }
0x56: {  	v14 =	vsel vm4, $0x2C0, v14;
	v31 =	vsel vm3, $0x2C0, v11;
	v0 =	vsel vm2, $0x3C0, v0  }
0x57: {  	v1 =	vsel vm4, $0x300, v1;
	v14 =	vsel vm3, $0x300, v14;
	v30 =	vcombine.low v31, v30  }
0x58: {  	v31 =	vmul.u32 $0x40, v33;
	v15 =	vsel vm3, $0x340, v1;
	v1 =	vsel vm12, v10, v0  }
0x59: {  	v10 =	vsel vm2, $0x340, v14;
	vm12 =	vcmask $0x2F2C;
	v0 =	vsel vm2, $0x380, v15  }
0x5a: {  	v14 =	vsel vm1, $0x380, v10;
	v15 =	vimm.s32 $0x780;
	v9 =	vsel vm12, $0x280, v9  }
0x5b: {  	v8 =	vsel vm12, $0x240, v8;
	v7 =	vsel vm12, $0x200, v7;
	v6 =	vsel vm12, $0x1C0, v6  }
0x5c: {  	v5 =	vsel vm12, $0x180, v5;
	v4 =	vsel vm12, $0x140, v4;
	v0 =	vsel vm1, $0x3C0, v0  }
0x5d: {  	v3 =	vsel vm12, $0x100, v3;
	v15 =	vsel vm10, $0x1, v15;
	v10 =	vsel vm13, v12, v0  }
0x5e: {  	v0 =	vsel vm0, $0x3C0, v14;
	v12 =	vimm.s32 $0x80;
	v14 =	vimm.s32 $0x40  }
0x5f: {  	v15 =	vsel vm9, $0x82, v15;
	vm13 =	vcmask $0x3330;
	v0 =	vsel vm14, v13, v0  }
0x60: {  	v13 =	vnsel vm15, $0x0, v13;
	v12 =	vsel vm10, $0xC0, v12;
	v14 =	vsel vm10, $0x80, v14  }
0x61: {  	v15 =	vsel vm8, $0x103, v15;
	v9 =	vsel vm13, $0x2C0, v9;
	vm14 =	vcmask $0x3734  }
0x62: {  	v8 =	vsel vm13, $0x280, v8;
	v7 =	vsel vm13, $0x240, v7;
	v6 =	vsel vm13, $0x200, v6  }
0x63: {  	v5 =	vsel vm13, $0x1C0, v5;
	v4 =	vsel vm13, $0x180, v4;
	v3 =	vsel vm13, $0x140, v3  }
0x64: {  	v2 =	vsel vm13, $0x100, v2;
	vm15 =	vcmask $0x3B38;
	v12 =	vsel vm9, $0x100, v12  }
0x65: {  	v14 =	vsel vm9, $0xC0, v14;
	v13 =	vsel vm7, $0x100, v13;
	v15 =	vsel vm7, $0x184, v15  }
0x66: {  	v9 =	vsel vm14, $0x300, v9;
	v8 =	vsel vm14, $0x2C0, v8;
	v7 =	vsel vm14, $0x280, v7  }
0x67: {  	v6 =	vsel vm14, $0x240, v6;
	v5 =	vsel vm14, $0x200, v5;
	v32 =	vsel vm14, $0x1C0, v4  }
0x68: {  	v34 =	vsel vm14, $0x180, v3;
	v35 =	vsel vm14, $0x140, v2;
	v36 =	vsel vm14, $0x100, v1  }
0x69: {  	v10 =	vsel vm15, $0x100, v10;
	v12 =	vsel vm8, $0x140, v12;
	v14 =	vsel vm8, $0x100, v14  }
0x6a: {  	v13 =	vsel vm6, $0x140, v13;
	v15 =	vsel vm6, $0x205, v15;
	v1 =	vsel vm15, $0x340, v9  }
0x6b: {  	v2 =	vsel vm15, $0x300, v8;
	v3 =	vsel vm15, $0x2C0, v7;
	v4 =	vsel vm15, $0x280, v6  }
0x6c: {  	v5 =	vsel vm15, $0x240, v5;
	v6 =	vsel vm15, $0x200, v32;
	v7 =	vsel vm15, $0x1C0, v34  }
0x6d: {  	v8 =	vsel vm15, $0x180, v35;
	v9 =	vsel vm15, $0x140, v36;
	v32 =	vand.u32 $0x7, v33  }
0x6e: {  	v12 =	vsel vm7, $0x180, v12;
	v14 =	vsel vm7, $0x140, v14;
	v13 =	vsel vm5, $0x180, v13  }
0x6f: {  	v15 =	vsel vm5, $0x286, v15;
	v12 =	vsel vm6, $0x1C0, v12;
	v14 =	vsel vm6, $0x180, v14  }
0x70: {  	v13 =	vsel vm4, $0x1C0, v13;
	v15 =	vsel vm4, $0x307, v15;
	v12 =	vsel vm5, $0x200, v12  }
0x71: {  	v14 =	vsel vm5, $0x1C0, v14;
	v13 =	vsel vm3, $0x200, v13;
	v12 =	vsel vm4, $0x240, v12  }
0x72: {  	v14 =	vsel vm4, $0x200, v14;
	v13 =	vsel vm2, $0x240, v13;
	v11 =	vsel vm3, $0x280, v12  }
0x73: {  	v12 =	vsel vm3, $0x240, v14;
	v14 =	vsel vm3, $0x388, v15;
	v15 =	vsel vm3, $0x389, v16  }
0x74: {  	v16 =	vsel vm3, $0x38A, v17;
	v17 =	vsel vm3, $0x38B, v18;
	v18 =	vsel vm3, $0x38C, v19  }
0x75: {  	v19 =	vsel vm3, $0x38D, v20;
	v20 =	vsel vm3, $0x38E, v21;
	v21 =	vsel vm3, $0x38F, v22  }
0x76: {  	v22 =	vsel vm3, $0x380, v23;
	v23 =	vsel vm3, $0x381, v24;
	v24 =	vsel vm3, $0x382, v25  }
0x77: {  	v25 =	vsel vm3, $0x383, v26;
	v26 =	vsel vm3, $0x384, v27;
	v27 =	vsel vm3, $0x385, v28  }
0x78: {  	v28 =	vsel vm3, $0x386, v29;
	v13 =	vsel vm1, $0x280, v13;
	v29 =	vshrl.u32 v33, $0x3  }
0x79: {  	v33 =	vmul.u32 $0x81, v33;
	v11 =	vsel vm2, $0x2C0, v11;
	v12 =	vsel vm2, $0x280, v12  }
0x7a: {  	v14 =	vsel vm2, $0x409, v14;
	v15 =	vsel vm2, $0x40A, v15;
	v16 =	vsel vm2, $0x40B, v16  }
0x7b: {  	v17 =	vsel vm2, $0x40C, v17;
	v18 =	vsel vm2, $0x40D, v18;
	v19 =	vsel vm2, $0x40E, v19  }
0x7c: {  	v20 =	vsel vm2, $0x40F, v20;
	v21 =	vsel vm2, $0x400, v21;
	v22 =	vsel vm2, $0x401, v22  }
0x7d: {  	v23 =	vsel vm2, $0x402, v23;
	v24 =	vsel vm2, $0x403, v24;
	v25 =	vsel vm2, $0x404, v25  }
0x7e: {  	v26 =	vsel vm2, $0x405, v26;
	v27 =	vsel vm2, $0x406, v27;
	v28 =	vsel vm2, $0x407, v28  }
0x7f: {  	v13 =	vsel vm0, $0x2C0, v13;
	v29 =	vmul.u32 $0x8, v29;
	v11 =	vsel vm1, $0x300, v11  }
0x80: {  	s3 =	rddreg [dreg:$0x0];
	v12 =	vsel vm1, $0x2C0, v12;
	v14 =	vsel vm1, $0x48A, v14;
	v15 =	vsel vm1, $0x48B, v15  }
0x81: {  	s0 =	rddreg [dreg:$0x1];
	v16 =	vsel vm1, $0x48C, v16;
	v17 =	vsel vm1, $0x48D, v17;
	v18 =	vsel vm1, $0x48E, v18  }
0x82: {  	s9 =	rddreg [dreg:$0x2];
	s4 =	simm.s32 $0x0;
	v19 =	vsel vm1, $0x48F, v19;
	v20 =	vsel vm1, $0x480, v20;
	v21 =	vsel vm1, $0x481, v21  }
0x83: {  	[smem:$0x7FF] =	sst s4;
	s6 =	sadd.s32 $0x1000, s9;
	v22 =	vsel vm1, $0x482, v22;
	v23 =	vsel vm1, $0x483, v23;
	v24 =	vsel vm1, $0x484, v24  }
0x84: {  	s8 =	sadd.s32 $0x2000, s9;
	_ =	strace $0x80000047;
	[dreg:$0x7] =	wrdreg s6;
	v25 =	vsel vm1, $0x485, v25;
	v26 =	vsel vm1, $0x486, v26;
	v27 =	vsel vm1, $0x487, v27  }
0x85: {  	s10 =	sadd.s32 $0x3000, s9;
	[dreg:$0x8] =	wrdreg s8;
	v28 =	vsel vm1, $0x488, v28;
	v13 =	vsel vm12, $0x300, v13;
	v11 =	vsel vm0, $0x340, v11  }
0x86: {  	s11 =	sadd.s32 $0x4000, s9;
	[dreg:$0x9] =	wrdreg s10;
	v12 =	vsel vm0, $0x300, v12;
	v14 =	vsel vm0, $0x50B, v14;
	v15 =	vsel vm0, $0x50C, v15  }
0x87: {  	s12 =	sadd.s32 $0x5000, s9;
	[dreg:$0xa] =	wrdreg s11;
	v16 =	vsel vm0, $0x50D, v16;
	v17 =	vsel vm0, $0x50E, v17;
	v18 =	vsel vm0, $0x50F, v18  }
0x88: {  	s13 =	sadd.s32 $0x6000, s9;
	[dreg:$0xb] =	wrdreg s12;
	v19 =	vsel vm0, $0x500, v19;
	v20 =	vsel vm0, $0x501, v20;
	v21 =	vsel vm0, $0x502, v21  }
0x89: {  	s14 =	sadd.s32 $0x7000, s9;
	[dreg:$0xc] =	wrdreg s13;
	v22 =	vsel vm0, $0x503, v22;
	v23 =	vsel vm0, $0x504, v23;
	v24 =	vsel vm0, $0x505, v24  }
0x8a: {  	s15 =	sadd.s32 $0x8000, s9;
	[dreg:$0xd] =	wrdreg s14;
	v25 =	vsel vm0, $0x506, v25;
	v26 =	vsel vm0, $0x507, v26;
	v27 =	vsel vm0, $0x508, v27  }
0x8b: {  	s16 =	sadd.s32 $0x9000, s9;
	[dreg:$0xe] =	wrdreg s15;
	v28 =	vsel vm0, $0x509, v28;
	v13 =	vsel vm13, $0x340, v13;
	v11 =	vsel vm12, $0x380, v11  }
0x8c: {  	s17 =	sadd.s32 $0xA000, s9;
	[dreg:$0xf] =	wrdreg s16;
	v12 =	vsel vm12, $0x340, v12;
	v14 =	vsel vm12, $0x58C, v14;
	v15 =	vsel vm12, $0x58D, v15  }
0x8d: {  	s18 =	sadd.s32 $0xB000, s9;
	[dreg:$0x10] =	wrdreg s17;
	v16 =	vsel vm12, $0x58E, v16;
	v17 =	vsel vm12, $0x58F, v17;
	v18 =	vsel vm12, $0x580, v18  }
0x8e: {  	s19 =	sadd.s32 $0xC000, s9;
	[dreg:$0x11] =	wrdreg s18;
	v19 =	vsel vm12, $0x581, v19;
	v20 =	vsel vm12, $0x582, v20;
	v21 =	vsel vm12, $0x583, v21  }
0x8f: {  	s20 =	sadd.s32 $0xD000, s9;
	[dreg:$0x12] =	wrdreg s19;
	v22 =	vsel vm12, $0x584, v22;
	v23 =	vsel vm12, $0x585, v23;
	v24 =	vsel vm12, $0x586, v24  }
0x90: {  	s21 =	sadd.s32 $0xE000, s9;
	[dreg:$0x13] =	wrdreg s20;
	v25 =	vsel vm12, $0x587, v25;
	v26 =	vsel vm12, $0x588, v26;
	v27 =	vsel vm12, $0x589, v27  }
0x91: {  	s22 =	sadd.s32 $0xF000, s9;
	[dreg:$0x14] =	wrdreg s21;
	v28 =	vsel vm12, $0x58A, v28;
	v13 =	vsel vm14, $0x380, v13;
	v11 =	vsel vm13, $0x3C0, v11  }
0x92: {  	s1 =	srdreg.scid;
	s23 =	sadd.s32 $0x10000, s9;
	[dreg:$0x15] =	wrdreg s22;
	v12 =	vsel vm13, $0x380, v12;
	v14 =	vsel vm13, $0x60D, v14;
	v15 =	vsel vm13, $0x60E, v15  }
0x93: {  	s2 =	stileid.u32;
	s24 =	sadd.s32 $0x11000, s9;
	[dreg:$0x17] =	wrdreg s23;
	v16 =	vsel vm13, $0x60F, v16;
	v17 =	vsel vm13, $0x600, v17;
	v18 =	vsel vm13, $0x601, v18  }
0x94: {  	s1 =	sand.u32 $0x1, s1;
	s25 =	sadd.s32 $0x12000, s9;
	[dreg:$0x18] =	wrdreg s24;
	v19 =	vsel vm13, $0x602, v19;
	v20 =	vsel vm13, $0x603, v20;
	v21 =	vsel vm13, $0x604, v21  }
0x95: {  	s2 =	sshll.u32 s2, $0x1;
	s26 =	sadd.s32 $0x13000, s9;
	[dreg:$0x19] =	wrdreg s25;
	v22 =	vsel vm13, $0x605, v22;
	v23 =	vsel vm13, $0x606, v23;
	v24 =	vsel vm13, $0x607, v24  }
0x96: {  	s7 =	sadd.s32 $0x400, s0;
	s28 =	sadd.s32 $0x14000, s9;
	[dreg:$0x1a] =	wrdreg s26;
	v25 =	vsel vm13, $0x608, v25;
	v26 =	vsel vm13, $0x609, v26;
	v27 =	vsel vm13, $0x60A, v27  }
0x97: {  	s29 =	sadd.s32 $0x15000, s9;
	s30 =	sadd.s32 $0x16000, s9;
	[dreg:$0x1b] =	wrdreg s28;
	v28 =	vsel vm13, $0x60B, v28;
	v13 =	vsel vm15, $0x3C0, v13;
	v11 =	vsel vm14, $0x0, v11  }
0x98: {  	s5 =	sor.u32 s1, s2;
	s1 =	ssub.s32 $0x2, s1;
	[dreg:$0x1c] =	wrdreg s29;
	v12 =	vsel vm14, $0x3C0, v12;
	v14 =	vsel vm14, $0x68E, v14;
	v15 =	vsel vm14, $0x68F, v15  }
0x99: {  	[dreg:$0x1d] =	wrdreg s30;
	s25 =	sadd.s32 $0x18000, s9;
	s8 =	sadd.s32 $0x19000, s9;
	v16 =	vsel vm14, $0x680, v16;
	v17 =	vsel vm14, $0x681, v17;
	v18 =	vsel vm14, $0x682, v18  }
0x9a: {  	s6 =	sadd.s32 $0x1C000, s9;
	s10 =	sadd.s32 $0x1D000, s9;
	s11 =	sadd.s32 $0x1E000, s9;
	v19 =	vsel vm14, $0x683, v19;
	v20 =	vsel vm14, $0x684, v20;
	v21 =	vsel vm14, $0x685, v21  }
0x9b: {  	s12 =	sadd.s32 $0x1F000, s9;
	s13 =	simm.s32 $0x200;
	s14 =	simm.s32 $0x4200;
	v22 =	vsel vm14, $0x686, v22;
	v23 =	vsel vm14, $0x687, v23;
	v24 =	vsel vm14, $0x688, v24  }
0x9c: {  	s15 =	simm.s32 $0x3;
	s16 =	simm.s32 $0x8200;
	s17 =	simm.s32 $0xC200;
	v25 =	vsel vm14, $0x689, v25;
	v26 =	vsel vm14, $0x68A, v26;
	v27 =	vsel vm14, $0x68B, v27  }
0x9d: {  	s18 =	simm.s32 $0x5;
	s2 =	sshll.u32 s5, $0x7;
	s31 =	sshrl.u32 s1, $0x1;
	v28 =	vsel vm14, $0x68C, v28;
	v11 =	vsel vm15, $0x40, v11;
	v12 =	vsel vm15, $0x0, v12  }
.Ltmp0:
0x9e: {  	[dreg:$0x4] =	wrdreg s2;
	s2 =	sadd.s32 s3, s2;
	v14 =	vsel vm15, $0x70F, v14;
	v15 =	vsel vm15, $0x700, v15;
	v16 =	vsel vm15, $0x701, v16;
	(pc) =	sbr.rel .LBB2_1-.Ltmp0, $4  }
0x9f: {  	s0 =	ssub.s32 s1, s31;
	s31 =	sadd.s32 $0x17000, s9;
	[dreg:$0x5] =	wrdreg s2;
	v17 =	vsel vm15, $0x702, v17;
	v18 =	vsel vm15, $0x703, v18;
	v19 =	vsel vm15, $0x704, v19  }
0xa0: {  	s19 =	simm.s32 $0x2;
	s3 =	sadd.s32 $0x20, s2;
	[dreg:$0x1e] =	wrdreg s31;
	v20 =	vsel vm15, $0x705, v20;
	v21 =	vsel vm15, $0x706, v21;
	v22 =	vsel vm15, $0x707, v22  }
0xa1: {  	s0 =	smax.u32 s0, $0x1;
	s2 =	sadd.s32 $0x1A000, s9;
	[dreg:$0x6] =	wrdreg s3;
	v23 =	vsel vm15, $0x708, v23;
	v24 =	vsel vm15, $0x709, v24;
	v25 =	vsel vm15, $0x70A, v25  }
0xa2: {  	[dreg:$0x16] =	wrdreg s0;
	s0 =	sadd.s32 $0x1B000, s9;
	s9 =	simm.s32 $0x0;
	v26 =	vsel vm15, $0x70B, v26;
	v27 =	vsel vm15, $0x70C, v27;
	v28 =	vsel vm15, $0x70D, v28  }
.LBB2_11:
0xa3: {  	_ =	swait.ge [sflag:s18], $0x4000  }
0xa4: {  	[sflag:s18] =	ssyncset.done $0x0  }
0xa5: {  	s3 =	simm.s32 $0x6;
	[sflag:s18] =	ssyncadd.s32 $0xFFFFC000  }
0xa6: {  	_ =	swait.ge [sflag:s3], $0x4000  }
0xa7: {  	s9 =	rddreg [dreg:$0x1f]  }
0xa8: {  	s1 =	rddreg [dreg:$0x16];
	s9 =	sadd.s32 $0x1, s9  }
0xa9: {  	p0 =	sne.s32 s9, s1  }
.Ltmp1:
0xaa: {  	_ = 	snop;
	(pc) =	sbr.rel @!p0 .LBB2_12-.Ltmp1, $3  }
0xab: {  	_ =	sdelay $0x1  }
0xac: {  	[sflag:s3] =	ssyncset.done $0x0  }
0xad: {  	[sflag:s3] =	ssyncadd.s32 $0xFFFFC000  }
.LBB2_1:
0xae: {  	[dreg:$0x1f] =	wrdreg s9  }
0xaf: {  	s1 =	rddreg [dreg:$0x5];
	s3 =	simm.s32 $0x7  }
0xb0: {  	[tilespmem:s4], [sflag:$0x7] =	stream.linear.gather [hbm4b:s1+s4], $0x100, $0x38;
	[tilespmem:$0x10200] =	vst v63  }
0xb1: {  	_ =	swait.ge [sflag:s3], $0x100  }
0xb2: {  	[sflag:s3] =	ssyncset.done $0x0  }
0xb3: {  	s30 =	simm.s32 $0x100;
	[sflag:s3] =	ssyncadd.s32 $0xFFFFFF00  }
0xb4: {  	[tilespmem:s13], [sflag:$0x3] =	stream.indirect.gather [hbm4b:s7+s30], $0x40, s4, s30, $0xb8;
	[tilespmem:$0x10200] =	vst v63  }
0xb5: {  	s31 =	rddreg [dreg:$0x6]  }
0xb6: {  	[tilespmem:s30], [sflag:$0x7] =	stream.linear.gather [hbm4b:s31+s4], $0x100, $0x38;
	[tilespmem:$0x10200] =	vst v63  }
0xb7: {  	_ =	swait.ge [sflag:s3], $0x100  }
0xb8: {  	[sflag:s3] =	ssyncset.done $0x0  }
0xb9: {  	s20 =	simm.s32 $0x0;
	[sflag:s3] =	ssyncadd.s32 $0xFFFFFF00  }
0xba: {  	[tilespmem:s14], [sflag:$0x4] =	stream.indirect.gather [hbm4b:s7+s30], $0x40, s30, s30, $0xb8;
	[tilespmem:$0x10200] =	vst v63  }
.LBB2_2:
0xbb: {  	s22 =	sshll.u32 s20, $0x1;
	p0 =	seq.s32 s20, $0x31  }
0xbc: {  	_ =	swait.ge [sflag:s15], $0x4000;
	s1 =	sadd.s32 @!p0 $0x2, s22;
	p1 =	seq.s32 @!p0 s20, $0x0  }
0xbd: {  	[sflag:s15] =	ssyncset.done $0x0;
	s3 =	sshll.u32 @!p0 s1, $0x3;
	p1 =	por p0, !p1  }
.Ltmp2:
0xbe: {  	s1 =	sshll.u32 @!p0 s1, $0x5;
	s3 =	sand.u32 @!p0 $0x7E0, s3;
	(pc) =	sbr.rel @!p1 .LBB2_3-.Ltmp2, $4  }
0xbf: {  	s9 =	rddreg [dreg:$0x0];
	s1 =	sand.u32 @!p0 $0x40, s1;
	s3 =	sor.u32 @!p0 s5, s3  }
0xc0: {  	s1 =	sadd.s32 @!p0 s9, s1;
	s3 =	sshll.u32 @!p0 s3, $0x7  }
0xc1: {  	[sflag:s15] =	ssyncadd.s32 $0xFFFFC000;
	s1 =	sadd.s32 @!p0 s3, s1;
	s3 =	simm.s32 @!p0 $0x0  }
0xc2: {  	[tilespmem:s3], [sflag:$0x1] =	stream.linear.gather @!p0 [hbm4b:s1+s3], $0x100, $0x38;
	[tilespmem:$0x10200] =	vst v63  }
.Ltmp3:
0xc3: {  	(pc) =	sbr.rel .LBB2_5-.Ltmp3, $4  }
0xc4: {  	_ = 	snop  }
0xc5: {  	_ =	swait.ge [sflag:s18], $0x4000  }
0xc6: {  	[sflag:s18] =	ssyncset.done $0x0  }
0xc7: {  	p1 =	por $0x0, $0x0;
	[sflag:s18] =	ssyncadd.s32 $0xFFFFC000  }
.LBB2_3:
0xc8: {  	p1 =	por @!p0 $0x1, $0x1  }
.LBB2_5:
0xc9: {  	s1 =	simm.s32 $0x0  }
0xca: {  	s3 =	simm.s32 $0x0;
	s9 =	sand.u32 $0x70, s1  }
0xcb: {  	s3 =	sor.u32 s9, s3  }
0xcc: {  	s1 =	sand.u32 $0x3, s1;
	v34 =	vmov s3  }
0xcd: {  	s24 =	sshll.u32 s1, $0x4;
	v44 =	vshll.u32 v34, $0x6  }
0xce: {  	v43 =	vor.u32 s24, v29;
	v34 =	vor.u32 v31, v44  }
0xcf: {  	v34 =	vor.u32 v43, v34  }
0xd0: {  	v34 =	vor.u32 v32, v34;
	_ =	sdelay $0x3  }
0xd1: {  	s26 =	simm.s32 $0x0;
	s1 =	sshll.u32 s1, $0xB  }
0xd2: {  	s1 =	sor.u32 s1, s26;
	v34 =	vld.idx.msk [tilespmem:v34+s13+$0x0], $0xffff  }
0xd3: {  	s21 =	sor.u32 s9, s1;
	v35 =	vor.u32 v13, v44  }
0xd4: {  	v36 =	vor.u32 s21, v33;
	v35 =	vor.u32 v43, v35  }
0xd5: {  	v35 =	vor.u32 v32, v35;
	_ =	sdelay $0x1  }
0xd6: {  	v34 =	vmul.f32 $1.250000000e-01, v34;
	_ =	sdelay $0x1  }
0xd7: {  	[tilespmem:v36+s16+$0x0] =	vst.idx.msk $0xffff, v34  }
0xd8: {  	v34 =	vld.idx.msk [tilespmem:v35+s13+$0x0], $0xffff  }
0xd9: {  	v62 =	vor.u32 v12, v44  }
0xda: {  	v63 =	vor.u32 s21, v14;
	v35 =	vor.u32 v43, v62  }
0xdb: {  	s3 =	simm.s32 $0x4;
	v35 =	vor.u32 v32, v35  }
0xdc: {  	s9 =	simm.s32 $0x0;
	s1 =	sand.u32 $0x70, s3  }
0xdd: {  	s23 =	simm.s32 $0x1;
	s3 =	sor.u32 s1, s9;
	v34 =	vmul.f32 $1.250000000e-01, v34  }
0xde: {  	s9 =	sand.u32 $0x3, s23;
	v40 =	vmov s3  }
0xdf: {  	s24 =	sshll.u32 s9, $0x4;
	[tilespmem:v63+s16+$0x0] =	vst.idx.msk $0xffff, v34;
	v34 =	vshll.u32 v40, $0x6  }
0xe0: {  	v36 =	vld.idx.msk [tilespmem:v35+s13+$0x0], $0xffff;
	v35 =	vor.u32 s24, v29;
	v39 =	vor.u32 v31, v34  }
0xe1: {  	v41 =	vor.u32 v11, v44;
	v39 =	vor.u32 v35, v39  }
0xe2: {  	v37 =	vor.u32 s21, v15;
	v38 =	vor.u32 v43, v41;
	v39 =	vor.u32 v32, v39  }
0xe3: {  	v38 =	vor.u32 v32, v38;
	_ =	sdelay $0x1  }
0xe4: {  	v36 =	vmul.f32 $1.250000000e-01, v36  }
0xe5: {  	s26 =	simm.s32 $0x0;
	s9 =	sshll.u32 s9, $0xB  }
0xe6: {  	s3 =	sor.u32 s9, s26;
	[tilespmem:v37+s16+$0x0] =	vst.idx.msk $0xffff, v36;
	v45 =	vld.idx.msk [tilespmem:v39+s13+$0x0], $0xffff  }
0xe7: {  	s23 =	sor.u32 s1, s3;
	v40 =	vor.u32 v13, v34;
	v36 =	vld.idx.msk [tilespmem:v38+s13+$0x0], $0xffff  }
0xe8: {  	v42 =	vor.u32 v30, v44;
	v41 =	vor.u32 s23, v33;
	v40 =	vor.u32 v35, v40  }
0xe9: {  	v46 =	vor.u32 s21, v16;
	v40 =	vor.u32 v32, v40;
	v37 =	vor.u32 v43, v42  }
0xea: {  	v37 =	vor.u32 v32, v37  }
0xeb: {  	v38 =	vmul.f32 $1.250000000e-01, v45  }
0xec: {  	v36 =	vmul.f32 $1.250000000e-01, v36  }
0xed: {  	[tilespmem:v41+s16+$0x0] =	vst.idx.msk $0xffff, v38  }
0xee: {  	[tilespmem:v46+s16+$0x0] =	vst.idx.msk $0xffff, v36;
	v38 =	vld.idx.msk [tilespmem:v40+s13+$0x0], $0xffff  }
0xef: {  	v49 =	vor.u32 v12, v34;
	v36 =	vld.idx.msk [tilespmem:v37+s13+$0x0], $0xffff  }
0xf0: {  	v47 =	vor.u32 v0, v44;
	v50 =	vor.u32 s23, v14;
	v40 =	vor.u32 v35, v49  }
0xf1: {  	v48 =	vor.u32 s21, v17;
	v37 =	vor.u32 v43, v47;
	v40 =	vor.u32 v32, v40  }
0xf2: {  	v37 =	vor.u32 v32, v37  }
0xf3: {  	v38 =	vmul.f32 $1.250000000e-01, v38  }
0xf4: {  	v36 =	vmul.f32 $1.250000000e-01, v36  }
0xf5: {  	[tilespmem:v50+s16+$0x0] =	vst.idx.msk $0xffff, v38  }
0xf6: {  	s9 =	simm.s32 $0x8;
	s3 =	simm.s32 $0x2;
	[tilespmem:v48+s16+$0x0] =	vst.idx.msk $0xffff, v36;
	v38 =	vld.idx.msk [tilespmem:v40+s13+$0x0], $0xffff  }
0xf7: {  	v51 =	vor.u32 v10, v44;
	s1 =	sand.u32 $0x3, s3;
	s3 =	sand.u32 $0x70, s9;
	s24 =	simm.s32 $0x0;
	v42 =	vor.u32 v11, v34;
	v39 =	vld.idx.msk [tilespmem:v37+s13+$0x0], $0xffff  }
0xf8: {  	v52 =	vor.u32 s21, v18;
	v54 =	vor.u32 s23, v15;
	s24 =	sor.u32 s3, s24;
	v42 =	vor.u32 v35, v42  }
0xf9: {  	v53 =	vmov s24;
	v42 =	vor.u32 v32, v42;
	v37 =	vor.u32 v43, v51  }
0xfa: {  	s26 =	sshll.u32 s1, $0x4;
	v45 =	vor.u32 v32, v37;
	v37 =	vshll.u32 v53, $0x6  }
0xfb: {  	v36 =	vor.u32 s26, v29;
	v46 =	vor.u32 v31, v37;
	v38 =	vmul.f32 $1.250000000e-01, v38  }
0xfc: {  	v46 =	vor.u32 v36, v46;
	v39 =	vmul.f32 $1.250000000e-01, v39  }
0xfd: {  	v46 =	vor.u32 v32, v46;
	[tilespmem:v54+s16+$0x0] =	vst.idx.msk $0xffff, v38  }
0xfe: {  	[tilespmem:v52+s16+$0x0] =	vst.idx.msk $0xffff, v39;
	v56 =	vld.idx.msk [tilespmem:v42+s13+$0x0], $0xffff  }
0xff: {  	v58 =	vor.u32 v30, v34;
	v39 =	vld.idx.msk [tilespmem:v45+s13+$0x0], $0xffff  }
0x100: {  	v55 =	vor.u32 v9, v44;
	v60 =	vor.u32 s23, v16;
	v42 =	vor.u32 v35, v58  }
0x101: {  	v57 =	vor.u32 s21, v19;
	s1 =	sshll.u32 s1, $0xB;
	s26 =	simm.s32 $0x0;
	v38 =	vor.u32 v43, v55;
	v42 =	vor.u32 v32, v42  }
0x102: {  	s1 =	sor.u32 s1, s26;
	v38 =	vor.u32 v32, v38;
	v59 =	vld.idx.msk [tilespmem:v46+s13+$0x0], $0xffff  }
0x103: {  	s24 =	sor.u32 s3, s1;
	v47 =	vor.u32 v13, v37;
	v40 =	vmul.f32 $1.250000000e-01, v56  }
0x104: {  	v48 =	vor.u32 s24, v33;
	v47 =	vor.u32 v36, v47;
	v39 =	vmul.f32 $1.250000000e-01, v39  }
0x105: {  	v47 =	vor.u32 v32, v47;
	[tilespmem:v60+s16+$0x0] =	vst.idx.msk $0xffff, v40  }
0x106: {  	[tilespmem:v57+s16+$0x0] =	vst.idx.msk $0xffff, v39;
	v63 =	vld.idx.msk [tilespmem:v42+s13+$0x0], $0xffff  }
0x107: {  	v53 =	vor.u32 v0, v34;
	v61 =	vmul.f32 $1.250000000e-01, v59;
	v38 =	vld.idx.msk [tilespmem:v38+s13+$0x0], $0xffff  }
0x108: {  	v62 =	vor.u32 v8, v44;
	v55 =	vor.u32 s23, v17;
	v39 =	vor.u32 v35, v53  }
0x109: {  	v52 =	vor.u32 s21, v20;
	v40 =	vor.u32 v43, v62;
	[tilespmem:v48+s16+$0x0] =	vst.idx.msk $0xffff, v61;
	v39 =	vor.u32 v32, v39  }
0x10a: {  	v40 =	vor.u32 v32, v40;
	v54 =	vld.idx.msk [tilespmem:v47+s13+$0x0], $0xffff  }
0x10b: {  	v56 =	vor.u32 v12, v37;
	v41 =	vmul.f32 $1.250000000e-01, v63  }
0x10c: {  	v57 =	vor.u32 s24, v14;
	v47 =	vor.u32 v36, v56;
	v38 =	vmul.f32 $1.250000000e-01, v38  }
0x10d: {  	v47 =	vor.u32 v32, v47;
	[tilespmem:v55+s16+$0x0] =	vst.idx.msk $0xffff, v41  }
0x10e: {  	[tilespmem:v52+s16+$0x0] =	vst.idx.msk $0xffff, v38;
	v41 =	vld.idx.msk [tilespmem:v39+s13+$0x0], $0xffff  }
0x10f: {  	s3 =	simm.s32 $0xC;
	v60 =	vor.u32 v10, v34;
	v58 =	vmul.f32 $1.250000000e-01, v54;
	v40 =	vld.idx.msk [tilespmem:v40+s13+$0x0], $0xffff  }
0x110: {  	v49 =	vor.u32 s23, v18;
	s26 =	simm.s32 $0x0;
	s3 =	sand.u32 $0x70, s3;
	v59 =	vor.u32 v7, v44;
	v54 =	vor.u32 v35, v60  }
0x111: {  	s26 =	sor.u32 s3, s26;
	v61 =	vor.u32 s21, v21;
	v39 =	vor.u32 v43, v59;
	v50 =	vor.u32 v32, v54;
	[tilespmem:v57+s16+$0x0] =	vst.idx.msk $0xffff, v58  }
0x112: {  	s9 =	simm.s32 $0x3;
	v62 =	vmov s26;
	v63 =	vor.u32 v32, v39;
	v47 =	vld.idx.msk [tilespmem:v47+s13+$0x0], $0xffff  }
0x113: {  	s1 =	sand.u32 $0x3, s9;
	v56 =	vor.u32 s24, v15;
	v55 =	vor.u32 v11, v37;
	v41 =	vmul.f32 $1.250000000e-01, v41  }
0x114: {  	s9 =	sshll.u32 s1, $0x4;
	v45 =	vor.u32 v36, v55;
	v39 =	vshll.u32 v62, $0x6;
	v40 =	vmul.f32 $1.250000000e-01, v40  }
0x115: {  	v38 =	vor.u32 s9, v29;
	v45 =	vor.u32 v32, v45;
	v51 =	vor.u32 v31, v39;
	[tilespmem:v49+s16+$0x0] =	vst.idx.msk $0xffff, v41  }
0x116: {  	v57 =	vor.u32 v38, v51;
	[tilespmem:v61+s16+$0x0] =	vst.idx.msk $0xffff, v40;
	v41 =	vld.idx.msk [tilespmem:v50+s13+$0x0], $0xffff  }
0x117: {  	v59 =	vor.u32 v9, v34;
	v47 =	vmul.f32 $1.250000000e-01, v47;
	v40 =	vor.u32 v32, v57;
	v42 =	vld.idx.msk [tilespmem:v63+s13+$0x0], $0xffff  }
0x118: {  	v58 =	vor.u32 v6, v44;
	v46 =	vor.u32 v35, v59;
	v62 =	vor.u32 s23, v19  }
0x119: {  	v60 =	vor.u32 s21, v22;
	v48 =	vor.u32 v43, v58;
	v46 =	vor.u32 v32, v46;
	[tilespmem:v56+s16+$0x0] =	vst.idx.msk $0xffff, v47  }
0x11a: {  	v48 =	vor.u32 v32, v48;
	v45 =	vld.idx.msk [tilespmem:v45+s13+$0x0], $0xffff  }
0x11b: {  	s1 =	sshll.u32 s1, $0xB;
	s26 =	simm.s32 $0x0;
	v61 =	vor.u32 v30, v37;
	v41 =	vmul.f32 $1.250000000e-01, v41  }
0x11c: {  	s1 =	sor.u32 s1, s26;
	v63 =	vor.u32 s24, v16;
	v49 =	vor.u32 v36, v61;
	v40 =	vld.idx.msk [tilespmem:v40+s13+$0x0], $0xffff;
	v42 =	vmul.f32 $1.250000000e-01, v42  }
0x11d: {  	s26 =	sor.u32 s3, s1;
	v52 =	vor.u32 v13, v39;
	v49 =	vor.u32 v32, v49;
	[tilespmem:v62+s16+$0x0] =	vst.idx.msk $0xffff, v41  }
0x11e: {  	v55 =	vor.u32 s26, v33;
	v58 =	vor.u32 s21, v23;
	v56 =	vor.u32 v38, v52;
	[tilespmem:v60+s16+$0x0] =	vst.idx.msk $0xffff, v42;
	v46 =	vld.idx.msk [tilespmem:v46+s13+$0x0], $0xffff  }
0x11f: {  	v47 =	vor.u32 v32, v56;
	v45 =	vmul.f32 $1.250000000e-01, v45;
	v60 =	vor.u32 v8, v34;
	v48 =	vld.idx.msk [tilespmem:v48+s13+$0x0], $0xffff  }
0x120: {  	v57 =	vor.u32 v5, v44;
	v62 =	vor.u32 s23, v20;
	v50 =	vor.u32 v35, v60  }
0x121: {  	v41 =	vor.u32 v43, v57;
	[tilespmem:v63+s16+$0x0] =	vst.idx.msk $0xffff, v45;
	v40 =	vmul.f32 $1.250000000e-01, v40;
	v50 =	vor.u32 v32, v50  }
0x122: {  	v41 =	vor.u32 v32, v41;
	v49 =	vld.idx.msk [tilespmem:v49+s13+$0x0], $0xffff  }
0x123: {  	s3 =	simm.s32 $0x4;
	v59 =	vor.u32 v12, v39;
	v61 =	vor.u32 v0, v37;
	[tilespmem:v55+s16+$0x0] =	vst.idx.msk $0xffff, v40;
	v60 =	vmul.f32 $1.250000000e-01, v46  }
0x124: {  	s1 =	sand.u32 $0x3, s3;
	v63 =	vor.u32 s24, v17;
	v40 =	vor.u32 v36, v61;
	v47 =	vld.idx.msk [tilespmem:v47+s13+$0x0], $0xffff;
	v48 =	vmul.f32 $1.250000000e-01, v48  }
0x125: {  	s3 =	simm.s32 $0x10;
	s9 =	sshll.u32 s1, $0x4;
	v56 =	vor.u32 v38, v59;
	v53 =	vor.u32 v32, v40;
	[tilespmem:v62+s16+$0x0] =	vst.idx.msk $0xffff, v60  }
0x126: {  	s3 =	sand.u32 $0x70, s3;
	v61 =	vor.u32 s26, v14;
	v46 =	vor.u32 v32, v56;
	v40 =	vor.u32 s9, v29;
	s9 =	simm.s32 $0x0;
	[tilespmem:v58+s16+$0x0] =	vst.idx.msk $0xffff, v48;
	v59 =	vld.idx.msk [tilespmem:v50+s13+$0x0], $0xffff  }
0x127: {  	s9 =	sor.u32 s3, s9;
	v57 =	vmul.f32 $1.250000000e-01, v49;
	v60 =	vor.u32 s21, v24;
	v62 =	vor.u32 v7, v34;
	v41 =	vld.idx.msk [tilespmem:v41+s13+$0x0], $0xffff  }
0x128: {  	v54 =	vmov s9;
	v58 =	vor.u32 v4, v44;
	v50 =	vor.u32 v35, v62  }
0x129: {  	[tilespmem:v63+s16+$0x0] =	vst.idx.msk $0xffff, v57;
	v42 =	vor.u32 v43, v58;
	v63 =	vor.u32 v10, v37;
	v47 =	vmul.f32 $1.250000000e-01, v47  }
0x12a: {  	v57 =	vor.u32 s23, v21;
	v58 =	vor.u32 v11, v39;
	v42 =	vor.u32 v32, v42;
	v52 =	vld.idx.msk [tilespmem:v53+s13+$0x0], $0xffff  }
0x12b: {  	v62 =	vor.u32 v36, v63;
	v63 =	vor.u32 s24, v18;
	[tilespmem:v61+s16+$0x0] =	vst.idx.msk $0xffff, v47;
	v61 =	vor.u32 v32, v50  }
0x12c: {  	v46 =	vld.idx.msk [tilespmem:v46+s13+$0x0], $0xffff;
	v49 =	vmul.f32 $1.250000000e-01, v59;
	v59 =	vor.u32 v38, v58;
	v41 =	vmul.f32 $1.250000000e-01, v41  }
0x12d: {  	v47 =	vor.u32 v32, v62;
	v58 =	vor.u32 v3, v44;
	v48 =	vor.u32 v32, v59  }
0x12e: {  	v53 =	vor.u32 v43, v58;
	[tilespmem:v60+s16+$0x0] =	vst.idx.msk $0xffff, v41;
	v41 =	vshll.u32 v54, $0x6;
	v60 =	vor.u32 s26, v15  }
0x12f: {  	v52 =	vmul.f32 $1.250000000e-01, v52;
	[tilespmem:v57+s16+$0x0] =	vst.idx.msk $0xffff, v49;
	v42 =	vld.idx.msk [tilespmem:v42+s13+$0x0], $0xffff;
	v54 =	vor.u32 v31, v41  }
0x130: {  	v59 =	vor.u32 s21, v25;
	v62 =	vor.u32 v32, v53;
	v45 =	vld.idx.msk [tilespmem:v61+s13+$0x0], $0xffff;
	v57 =	vor.u32 v40, v54  }
0x131: {  	[tilespmem:v63+s16+$0x0] =	vst.idx.msk $0xffff, v52;
	v61 =	vor.u32 v6, v34;
	v46 =	vmul.f32 $1.250000000e-01, v46;
	v49 =	vor.u32 v32, v57  }
0x132: {  	v63 =	vor.u32 s23, v22;
	v56 =	vor.u32 v13, v41;
	v47 =	vld.idx.msk [tilespmem:v47+s13+$0x0], $0xffff;
	v50 =	vor.u32 v35, v61  }
0x133: {  	s1 =	sshll.u32 s1, $0xB;
	v55 =	vor.u32 s24, v19;
	s9 =	simm.s32 $0x0;
	v61 =	vor.u32 v30, v39;
	v50 =	vor.u32 v32, v50;
	[tilespmem:v60+s16+$0x0] =	vst.idx.msk $0xffff, v46  }
0x134: {  	s1 =	sor.u32 s1, s9;
	v51 =	vor.u32 v38, v61;
	v60 =	vor.u32 v9, v37;
	v42 =	vmul.f32 $1.250000000e-01, v42;
	v48 =	vld.idx.msk [tilespmem:v48+s13+$0x0], $0xffff  }
0x135: {  	s28 =	sor.u32 s3, s1;
	v61 =	vor.u32 v5, v34;
	v46 =	vor.u32 v36, v60;
	v45 =	vmul.f32 $1.250000000e-01, v45  }
0x136: {  	v53 =	vor.u32 s28, v33;
	v46 =	vor.u32 v32, v46;
	v49 =	vld.idx.msk [tilespmem:v49+s13+$0x0], $0xffff;
	[tilespmem:v59+s16+$0x0] =	vst.idx.msk $0xffff, v42;
	v42 =	vor.u32 s26, v16  }
0x137: {  	v54 =	vor.u32 s21, v26;
	v51 =	vor.u32 v32, v51;
	v47 =	vmul.f32 $1.250000000e-01, v47;
	[tilespmem:v63+s16+$0x0] =	vst.idx.msk $0xffff, v45;
	v52 =	vld.idx.msk [tilespmem:v62+s13+$0x0], $0xffff  }
0x138: {  	v63 =	vor.u32 v2, v44;
	v44 =	vor.u32 v1, v44;
	v62 =	vor.u32 v40, v56;
	v50 =	vld.idx.msk [tilespmem:v50+s13+$0x0], $0xffff  }
0x139: {  	[tilespmem:v55+s16+$0x0] =	vst.idx.msk $0xffff, v47;
	v60 =	vor.u32 v43, v63;
	v45 =	vor.u32 v32, v62;
	v48 =	vmul.f32 $1.250000000e-01, v48  }
0x13a: {  	v55 =	vor.u32 v35, v61;
	v63 =	vor.u32 v0, v39;
	v47 =	vor.u32 v32, v60  }
0x13b: {  	s9 =	simm.s32 $0x5;
	v44 =	vor.u32 v43, v44;
	v46 =	vld.idx.msk [tilespmem:v46+s13+$0x0], $0xffff;
	v49 =	vmul.f32 $1.250000000e-01, v49;
	[tilespmem:v42+s16+$0x0] =	vst.idx.msk $0xffff, v48;
	v48 =	vor.u32 s23, v23  }
0x13c: {  	s31 =	sand.u32 $0x3, s9;
	v62 =	vor.u32 v8, v37;
	v55 =	vor.u32 v32, v55;
	v52 =	vmul.f32 $1.250000000e-01, v52  }
0x13d: {  	s1 =	sshll.u32 s31, $0x4;
	v58 =	vor.u32 s28, v14;
	v60 =	vor.u32 s24, v20;
	v42 =	vor.u32 v36, v62;
	v51 =	vld.idx.msk [tilespmem:v51+s13+$0x0], $0xffff;
	[tilespmem:v53+s16+$0x0] =	vst.idx.msk $0xffff, v49  }
0x13e: {  	v43 =	vor.u32 s1, v29;
	v61 =	vor.u32 v32, v42;
	v50 =	vmul.f32 $1.250000000e-01, v50;
	v45 =	vld.idx.msk [tilespmem:v45+s13+$0x0], $0xffff;
	[tilespmem:v54+s16+$0x0] =	vst.idx.msk $0xffff, v52  }
0x13f: {  	v62 =	vor.u32 v38, v63;
	v63 =	vor.u32 v12, v41;
	v52 =	vor.u32 s26, v17;
	v56 =	vld.idx.msk [tilespmem:v47+s13+$0x0], $0xffff  }
0x140: {  	v57 =	vor.u32 v32, v62;
	v54 =	vor.u32 v40, v63;
	v46 =	vmul.f32 $1.250000000e-01, v46;
	[tilespmem:v48+s16+$0x0] =	vst.idx.msk $0xffff, v50  }
0x141: {  	v44 =	vor.u32 v32, v44;
	v42 =	vor.u32 s21, v27;
	v54 =	vor.u32 v32, v54;
	v47 =	vld.idx.msk [tilespmem:v55+s13+$0x0], $0xffff  }
0x142: {  	v63 =	vor.u32 v7, v37;
	v59 =	vmul.f32 $1.250000000e-01, v51;
	[tilespmem:v60+s16+$0x0] =	vst.idx.msk $0xffff, v46;
	v60 =	vor.u32 v4, v34  }
0x143: {  	s29 =	simm.s32 $0x14;
	v48 =	vor.u32 s23, v24;
	v50 =	vld.idx.msk [tilespmem:v61+s13+$0x0], $0xffff;
	v62 =	vor.u32 v35, v60;
	v61 =	vmul.f32 $1.250000000e-01, v45  }
0x144: {  	s9 =	simm.s32 $0x0;
	s1 =	sand.u32 $0x70, s29;
	v53 =	vor.u32 v36, v63;
	[tilespmem:v52+s16+$0x0] =	vst.idx.msk $0xffff, v59;
	v49 =	vor.u32 v32, v62;
	v45 =	vmul.f32 $1.250000000e-01, v56  }
0x145: {  	s30 =	simm.s32 $0x6;
	s3 =	simm.s32 $0x0;
	s9 =	sor.u32 s1, s9;
	v55 =	vor.u32 v10, v39;
	v51 =	vor.u32 s24, v21;
	v52 =	vld.idx.msk [tilespmem:v57+s13+$0x0], $0xffff;
	[tilespmem:v58+s16+$0x0] =	vst.idx.msk $0xffff, v61  }
.LBB2_6:
0x146: {  	p2 =	sne.s32 s30, $0x3F;
	v46 =	vmov s9;
	v54 =	vld.idx.msk [tilespmem:v54+s13+$0x0], $0xffff;
	v53 =	vor.u32 v32, v53;
	v47 =	vmul.f32 $1.250000000e-01, v47;
	[tilespmem:v42+s16+$0x0] =	vst.idx.msk $0xffff, v45;
	v45 =	vmovc v35  }
0x147: {  	v42 =	vor.u32 s26, v18;
	v55 =	vor.u32 v38, v55;
	v56 =	vor.u32 s21, v28;
	v35 =	vmovc v36;
	v36 =	vmovc v38;
	s21 =	smov.u32 s23;
	s23 =	smov.u32 s24;
	s24 =	smov.u32 s26;
	v44 =	vld.idx.msk [tilespmem:v44+s13+$0x0], $0xffff  }
0x148: {  	v57 =	vor.u32 v11, v41;
	s26 =	smov.u32 s28;
	v55 =	vor.u32 v32, v55;
	v50 =	vmul.f32 $1.250000000e-01, v50;
	[tilespmem:v48+s16+$0x0] =	vst.idx.msk $0xffff, v47  }
0x149: {  	v38 =	vmovc v40;
	v46 =	vshll.u32 v46, $0x6;
	v47 =	vor.u32 s26, v15;
	v48 =	vor.u32 v40, v57;
	v40 =	vmovc v43;
	v49 =	vld.idx.msk [tilespmem:v49+s13+$0x0], $0xffff  }
0x14a: {  	v43 =	vor.u32 v31, v46;
	v48 =	vor.u32 v32, v48;
	v52 =	vmul.f32 $1.250000000e-01, v52;
	[tilespmem:v51+s16+$0x0] =	vst.idx.msk $0xffff, v50  }
0x14b: {  	v43 =	vor.u32 v40, v43;
	v51 =	vor.u32 s21, v25;
	v50 =	vld.idx.msk [tilespmem:v53+s13+$0x0], $0xffff;
	v53 =	vor.u32 v3, v34  }
0x14c: {  	v43 =	vor.u32 v32, v43;
	v54 =	vmul.f32 $1.250000000e-01, v54;
	[tilespmem:v42+s16+$0x0] =	vst.idx.msk $0xffff, v52;
	v42 =	vor.u32 v45, v53  }
0x14d: {  	v53 =	vor.u32 v6, v37;
	v44 =	vmul.f32 $1.250000000e-01, v44;
	v52 =	vld.idx.msk [tilespmem:v55+s13+$0x0], $0xffff;
	v42 =	vor.u32 v32, v42  }
0x14e: {  	v53 =	vor.u32 v35, v53;
	[tilespmem:v47+s16+$0x0] =	vst.idx.msk $0xffff, v54;
	v47 =	vor.u32 v9, v39;
	v54 =	vor.u32 s23, v22  }
0x14f: {  	v53 =	vor.u32 v32, v53;
	v49 =	vmul.f32 $1.250000000e-01, v49;
	v48 =	vld.idx.msk [tilespmem:v48+s13+$0x0], $0xffff;
	[tilespmem:v56+s16+$0x0] =	vst.idx.msk $0xffff, v44  }
0x150: {  	v55 =	vor.u32 s24, v19;
	v44 =	vor.u32 v30, v41;
	v47 =	vor.u32 v36, v47  }
0x151: {  	s3 =	sshll.u32 s3, $0xD;
	s9 =	sshll.u32 s31, $0xB;
	v47 =	vor.u32 v32, v47;
	v50 =	vmul.f32 $1.250000000e-01, v50;
	v43 =	vld.idx.msk [tilespmem:v43+s13+$0x0], $0xffff;
	[tilespmem:v51+s16+$0x0] =	vst.idx.msk $0xffff, v49  }
0x152: {  	s3 =	sor.u32 s9, s3;
	v44 =	vor.u32 v38, v44;
	v49 =	vor.u32 s26, v16;
	v51 =	vor.u32 s21, v26;
	v42 =	vld.idx.msk [tilespmem:v42+s13+$0x0], $0xffff  }
0x153: {  	s28 =	sor.u32 s1, s3;
	v56 =	vor.u32 v13, v46;
	v44 =	vor.u32 v32, v44;
	v52 =	vmul.f32 $1.250000000e-01, v52;
	[tilespmem:v54+s16+$0x0] =	vst.idx.msk $0xffff, v50  }
0x154: {  	v50 =	vor.u32 s28, v33;
	v54 =	vor.u32 v40, v56;
	v56 =	vor.u32 v2, v34;
	v53 =	vld.idx.msk [tilespmem:v53+s13+$0x0], $0xffff  }
0x155: {  	v54 =	vor.u32 v32, v54;
	v48 =	vmul.f32 $1.250000000e-01, v48;
	[tilespmem:v55+s16+$0x0] =	vst.idx.msk $0xffff, v52;
	v52 =	vor.u32 v45, v56  }
0x156: {  	v55 =	vor.u32 v5, v37;
	v47 =	vld.idx.msk [tilespmem:v47+s13+$0x0], $0xffff;
	v52 =	vor.u32 v32, v52  }
0x157: {  	v43 =	vmul.f32 $1.250000000e-01, v43;
	[tilespmem:v49+s16+$0x0] =	vst.idx.msk $0xffff, v48;
	v48 =	vor.u32 s23, v23;
	v49 =	vor.u32 v35, v55  }
0x158: {  	v55 =	vor.u32 v8, v39;
	v42 =	vmul.f32 $1.250000000e-01, v42;
	v44 =	vld.idx.msk [tilespmem:v44+s13+$0x0], $0xffff;
	v49 =	vor.u32 v32, v49  }
0x159: {  	v55 =	vor.u32 v36, v55;
	[tilespmem:v50+s16+$0x0] =	vst.idx.msk $0xffff, v43;
	v43 =	vor.u32 v0, v41;
	v50 =	vor.u32 s24, v20  }
0x15a: {  	v55 =	vor.u32 v32, v55;
	v53 =	vmul.f32 $1.250000000e-01, v53;
	v56 =	vld.idx.msk [tilespmem:v54+s13+$0x0], $0xffff;
	[tilespmem:v51+s16+$0x0] =	vst.idx.msk $0xffff, v42  }
0x15b: {  	v51 =	vor.u32 s26, v17;
	v43 =	vor.u32 v38, v43;
	v42 =	vor.u32 s21, v27;
	v57 =	vld.idx.msk [tilespmem:v52+s13+$0x0], $0xffff  }
0x15c: {  	v52 =	vor.u32 v12, v46;
	v58 =	vor.u32 v32, v43;
	v43 =	vmul.f32 $1.250000000e-01, v47;
	[tilespmem:v48+s16+$0x0] =	vst.idx.msk $0xffff, v53  }
0x15d: {  	s31 =	sand.u32 $0x3, s30;
	v53 =	vor.u32 s28, v14;
	v48 =	vor.u32 v40, v52;
	v47 =	vld.idx.msk [tilespmem:v49+s13+$0x0], $0xffff;
	v49 =	vor.u32 v1, v34;
	v34 =	vmovc v37  }
.Ltmp4:
0x15e: {  	s1 =	sshll.u32 s31, $0x4;
	v54 =	vor.u32 v32, v48;
	v48 =	vmul.f32 $1.250000000e-01, v44;
	[tilespmem:v50+s16+$0x0] =	vst.idx.msk $0xffff, v43;
	v49 =	vor.u32 v45, v49;
	(pc) =	sbr.rel @p2 .LBB2_6-.Ltmp4, $4  }
0x15f: {  	v37 =	vmovc v39;
	v43 =	vor.u32 s1, v29;
	v45 =	vor.u32 v4, v34;
	v50 =	vld.idx.msk [tilespmem:v55+s13+$0x0], $0xffff;
	v44 =	vor.u32 v32, v49  }
0x160: {  	s29 =	sadd.s32 $0x4, s29;
	s3 =	sshrl.u32 s30, $0x5;
	v39 =	vmovc v41;
	v55 =	vmul.f32 $1.250000000e-01, v56;
	v45 =	vor.u32 v35, v45;
	[tilespmem:v51+s16+$0x0] =	vst.idx.msk $0xffff, v48;
	v48 =	vor.u32 s23, v24  }
0x161: {  	s9 =	sshll.u32 s3, $0x7;
	v41 =	vmovc v46;
	s1 =	sand.u32 $0x70, s29;
	v56 =	vor.u32 v7, v37;
	v49 =	vor.u32 v32, v45;
	v45 =	vmul.f32 $1.250000000e-01, v57;
	v52 =	vld.idx.msk [tilespmem:v58+s13+$0x0], $0xffff  }
0x162: {  	s30 =	sadd.s32 $0x1, s30;
	s9 =	sor.u32 s1, s9;
	v51 =	vor.u32 s24, v21;
	[tilespmem:v53+s16+$0x0] =	vst.idx.msk $0xffff, v55;
	v55 =	vor.u32 v10, v39;
	v53 =	vor.u32 v36, v56  }
0x163: {  	v46 =	vmov s9  }
0x164: {  	v46 =	vshll.u32 v46, $0x6  }
0x165: {  	v56 =	vor.u32 v31, v46  }
0x166: {  	v56 =	vor.u32 v43, v56  }
0x167: {  	v56 =	vor.u32 v32, v56;
	_ =	sdelay $0x3  }
0x168: {  	s3 =	sshll.u32 s3, $0xD;
	s9 =	sshll.u32 s31, $0xB  }
0x169: {  	s3 =	sor.u32 s9, s3;
	v56 =	vld.idx.msk [tilespmem:v56+s13+$0x0], $0xffff  }
0x16a: {  	s29 =	sor.u32 s1, s3;
	v57 =	vor.u32 v13, v46  }
0x16b: {  	v58 =	vor.u32 s29, v33;
	v57 =	vor.u32 v43, v57  }
0x16c: {  	v57 =	vor.u32 v32, v57;
	_ =	sdelay $0x1  }
0x16d: {  	v56 =	vmul.f32 $1.250000000e-01, v56;
	_ =	sdelay $0x1  }
0x16e: {  	[tilespmem:v58+s16+$0x0] =	vst.idx.msk $0xffff, v56  }
0x16f: {  	v56 =	vld.idx.msk [tilespmem:v57+s13+$0x0], $0xffff  }
0x170: {  	v63 =	vor.u32 v12, v46  }
0x171: {  	v60 =	vor.u32 s29, v14;
	v57 =	vor.u32 v43, v63  }
0x172: {  	v57 =	vor.u32 v32, v57;
	_ =	sdelay $0x1  }
0x173: {  	v56 =	vmul.f32 $1.250000000e-01, v56  }
0x174: {  	v54 =	vld.idx.msk [tilespmem:v54+s13+$0x0], $0xffff  }
0x175: {  	v61 =	vor.u32 v11, v41;
	[tilespmem:v60+s16+$0x0] =	vst.idx.msk $0xffff, v56  }
0x176: {  	v58 =	vor.u32 s28, v15;
	v56 =	vor.u32 v40, v61;
	v57 =	vld.idx.msk [tilespmem:v57+s13+$0x0], $0xffff  }
0x177: {  	v59 =	vor.u32 v11, v46;
	v56 =	vor.u32 v32, v56  }
0x178: {  	v59 =	vor.u32 v43, v59;
	v60 =	vor.u32 s29, v15  }
0x179: {  	v59 =	vor.u32 v32, v59;
	v54 =	vmul.f32 $1.250000000e-01, v54;
	_ =	sdelay $0x1  }
0x17a: {  	[tilespmem:v58+s16+$0x0] =	vst.idx.msk $0xffff, v54;
	v57 =	vmul.f32 $1.250000000e-01, v57  }
0x17b: {  	v54 =	vld.idx.msk [tilespmem:v56+s13+$0x0], $0xffff  }
0x17c: {  	v62 =	vor.u32 v30, v41;
	[tilespmem:v60+s16+$0x0] =	vst.idx.msk $0xffff, v57  }
0x17d: {  	v58 =	vor.u32 s28, v16;
	v56 =	vor.u32 v40, v62;
	v57 =	vld.idx.msk [tilespmem:v59+s13+$0x0], $0xffff  }
0x17e: {  	v56 =	vor.u32 v32, v56;
	v59 =	vor.u32 v30, v46  }
0x17f: {  	v60 =	vor.u32 s29, v16;
	v59 =	vor.u32 v43, v59  }
0x180: {  	v59 =	vor.u32 v32, v59;
	v54 =	vmul.f32 $1.250000000e-01, v54;
	_ =	sdelay $0x1  }
0x181: {  	[tilespmem:v58+s16+$0x0] =	vst.idx.msk $0xffff, v54;
	v57 =	vmul.f32 $1.250000000e-01, v57  }
0x182: {  	v54 =	vld.idx.msk [tilespmem:v56+s13+$0x0], $0xffff  }
0x183: {  	v63 =	vor.u32 v0, v41;
	[tilespmem:v60+s16+$0x0] =	vst.idx.msk $0xffff, v57  }
0x184: {  	v58 =	vor.u32 s28, v17;
	v56 =	vor.u32 v40, v63;
	v57 =	vld.idx.msk [tilespmem:v59+s13+$0x0], $0xffff  }
0x185: {  	v56 =	vor.u32 v32, v56;
	v59 =	vor.u32 v0, v46  }
0x186: {  	v60 =	vor.u32 s29, v17;
	v59 =	vor.u32 v43, v59  }
0x187: {  	v59 =	vor.u32 v32, v59;
	v54 =	vmul.f32 $1.250000000e-01, v54  }
0x188: {  	v55 =	vor.u32 v38, v55;
	v61 =	vor.u32 s26, v18  }
0x189: {  	v55 =	vor.u32 v32, v55;
	[tilespmem:v58+s16+$0x0] =	vst.idx.msk $0xffff, v54;
	v57 =	vmul.f32 $1.250000000e-01, v57  }
0x18a: {  	v54 =	vld.idx.msk [tilespmem:v56+s13+$0x0], $0xffff  }
0x18b: {  	v52 =	vmul.f32 $1.250000000e-01, v52;
	[tilespmem:v60+s16+$0x0] =	vst.idx.msk $0xffff, v57;
	v60 =	vor.u32 v10, v41  }
0x18c: {  	v58 =	vor.u32 s28, v18;
	v57 =	vld.idx.msk [tilespmem:v59+s13+$0x0], $0xffff;
	v56 =	vor.u32 v40, v60  }
0x18d: {  	[tilespmem:v61+s16+$0x0] =	vst.idx.msk $0xffff, v52;
	v62 =	vor.u32 v10, v46;
	v52 =	vor.u32 v32, v56  }
0x18e: {  	v55 =	vld.idx.msk [tilespmem:v55+s13+$0x0], $0xffff;
	v59 =	vor.u32 v43, v62;
	v56 =	vor.u32 s29, v18  }
0x18f: {  	v60 =	vor.u32 v9, v39;
	v59 =	vor.u32 v32, v59;
	v54 =	vmul.f32 $1.250000000e-01, v54  }
0x190: {  	v61 =	vor.u32 s26, v19;
	v60 =	vor.u32 v38, v60  }
0x191: {  	v60 =	vor.u32 v32, v60;
	[tilespmem:v58+s16+$0x0] =	vst.idx.msk $0xffff, v54;
	v57 =	vmul.f32 $1.250000000e-01, v57  }
0x192: {  	v52 =	vld.idx.msk [tilespmem:v52+s13+$0x0], $0xffff  }
0x193: {  	v63 =	vor.u32 v9, v41;
	v54 =	vmul.f32 $1.250000000e-01, v55;
	[tilespmem:v56+s16+$0x0] =	vst.idx.msk $0xffff, v57  }
0x194: {  	v55 =	vor.u32 v40, v63;
	v57 =	vor.u32 s28, v19;
	v56 =	vld.idx.msk [tilespmem:v59+s13+$0x0], $0xffff  }
0x195: {  	v62 =	vor.u32 v9, v46;
	[tilespmem:v61+s16+$0x0] =	vst.idx.msk $0xffff, v54;
	v54 =	vor.u32 v32, v55  }
0x196: {  	v58 =	vor.u32 v43, v62;
	v55 =	vor.u32 s29, v19;
	v59 =	vld.idx.msk [tilespmem:v60+s13+$0x0], $0xffff  }
0x197: {  	v58 =	vor.u32 v32, v58;
	v60 =	vor.u32 v8, v39;
	v52 =	vmul.f32 $1.250000000e-01, v52  }
0x198: {  	v61 =	vor.u32 s26, v20;
	v60 =	vor.u32 v38, v60  }
0x199: {  	v56 =	vmul.f32 $1.250000000e-01, v56;
	[tilespmem:v57+s16+$0x0] =	vst.idx.msk $0xffff, v52;
	v52 =	vor.u32 v32, v60  }
0x19a: {  	v54 =	vld.idx.msk [tilespmem:v54+s13+$0x0], $0xffff  }
0x19b: {  	v53 =	vor.u32 v32, v53;
	v63 =	vmul.f32 $1.250000000e-01, v59;
	v60 =	vor.u32 v8, v41;
	[tilespmem:v55+s16+$0x0] =	vst.idx.msk $0xffff, v56  }
0x19c: {  	v56 =	vor.u32 v40, v60;
	v57 =	vld.idx.msk [tilespmem:v58+s13+$0x0], $0xffff;
	v58 =	vor.u32 s28, v20  }
0x19d: {  	v50 =	vmul.f32 $1.250000000e-01, v50;
	v62 =	vor.u32 v8, v46;
	[tilespmem:v61+s16+$0x0] =	vst.idx.msk $0xffff, v63;
	v55 =	vor.u32 v32, v56  }
0x19e: {  	v59 =	vor.u32 v43, v62;
	v56 =	vor.u32 s29, v20;
	v52 =	vld.idx.msk [tilespmem:v52+s13+$0x0], $0xffff  }
0x19f: {  	[tilespmem:v51+s16+$0x0] =	vst.idx.msk $0xffff, v50;
	v59 =	vor.u32 v32, v59;
	v60 =	vor.u32 v7, v39;
	v54 =	vmul.f32 $1.250000000e-01, v54  }
0x1a0: {  	v50 =	vor.u32 s26, v21;
	v53 =	vld.idx.msk [tilespmem:v53+s13+$0x0], $0xffff;
	v51 =	vor.u32 v38, v60  }
0x1a1: {  	v60 =	vor.u32 v6, v37;
	v51 =	vor.u32 v32, v51;
	v57 =	vmul.f32 $1.250000000e-01, v57;
	[tilespmem:v58+s16+$0x0] =	vst.idx.msk $0xffff, v54  }
0x1a2: {  	v63 =	vor.u32 v36, v60;
	v55 =	vld.idx.msk [tilespmem:v55+s13+$0x0], $0xffff  }
0x1a3: {  	v60 =	vor.u32 v7, v41;
	v54 =	vor.u32 s24, v22;
	[tilespmem:v56+s16+$0x0] =	vst.idx.msk $0xffff, v57;
	v52 =	vmul.f32 $1.250000000e-01, v52  }
0x1a4: {  	v56 =	vor.u32 v32, v63;
	v57 =	vor.u32 v40, v60;
	v58 =	vld.idx.msk [tilespmem:v59+s13+$0x0], $0xffff;
	v59 =	vor.u32 s28, v21  }
0x1a5: {  	v60 =	vor.u32 v7, v46;
	[tilespmem:v50+s16+$0x0] =	vst.idx.msk $0xffff, v52;
	v50 =	vor.u32 v32, v57  }
0x1a6: {  	v53 =	vmul.f32 $1.250000000e-01, v53;
	v61 =	vor.u32 v43, v60;
	v52 =	vor.u32 s29, v21;
	v51 =	vld.idx.msk [tilespmem:v51+s13+$0x0], $0xffff  }
0x1a7: {  	v60 =	vor.u32 v6, v39;
	v57 =	vor.u32 v32, v61;
	v55 =	vmul.f32 $1.250000000e-01, v55  }
0x1a8: {  	v47 =	vmul.f32 $1.250000000e-01, v47;
	v62 =	vor.u32 v38, v60;
	[tilespmem:v54+s16+$0x0] =	vst.idx.msk $0xffff, v53;
	v53 =	vor.u32 s26, v22  }
0x1a9: {  	v54 =	vor.u32 v32, v62;
	v56 =	vld.idx.msk [tilespmem:v56+s13+$0x0], $0xffff;
	v58 =	vmul.f32 $1.250000000e-01, v58;
	[tilespmem:v59+s16+$0x0] =	vst.idx.msk $0xffff, v55  }
0x1aa: {  	[tilespmem:v48+s16+$0x0] =	vst.idx.msk $0xffff, v47;
	v47 =	vor.u32 s24, v23;
	v61 =	vor.u32 v6, v46;
	v50 =	vld.idx.msk [tilespmem:v50+s13+$0x0], $0xffff  }
0x1ab: {  	v60 =	vor.u32 v6, v41;
	v62 =	vor.u32 v43, v61;
	[tilespmem:v52+s16+$0x0] =	vst.idx.msk $0xffff, v58;
	v63 =	vmul.f32 $1.250000000e-01, v51  }
0x1ac: {  	v59 =	vor.u32 v5, v37;
	v51 =	vor.u32 v40, v60;
	v52 =	vld.idx.msk [tilespmem:v57+s13+$0x0], $0xffff;
	v57 =	vor.u32 s28, v22  }
0x1ad: {  	v49 =	vld.idx.msk [tilespmem:v49+s13+$0x0], $0xffff;
	v48 =	vor.u32 v32, v51;
	[tilespmem:v53+s16+$0x0] =	vst.idx.msk $0xffff, v63;
	v63 =	vor.u32 v36, v59  }
0x1ae: {  	v51 =	vor.u32 s29, v22;
	v56 =	vmul.f32 $1.250000000e-01, v56;
	v54 =	vld.idx.msk [tilespmem:v54+s13+$0x0], $0xffff;
	v58 =	vor.u32 v32, v63  }
0x1af: {  	v60 =	vor.u32 v5, v39;
	v53 =	vor.u32 v32, v62;
	v50 =	vmul.f32 $1.250000000e-01, v50  }
0x1b0: {  	v61 =	vor.u32 v38, v60;
	[tilespmem:v47+s16+$0x0] =	vst.idx.msk $0xffff, v56;
	v47 =	vor.u32 s26, v23  }
0x1b1: {  	v56 =	vor.u32 v32, v61;
	v52 =	vmul.f32 $1.250000000e-01, v52;
	[tilespmem:v57+s16+$0x0] =	vst.idx.msk $0xffff, v50  }
0x1b2: {  	v49 =	vmul.f32 $1.250000000e-01, v49;
	v48 =	vld.idx.msk [tilespmem:v48+s13+$0x0], $0xffff  }
0x1b3: {  	v63 =	vor.u32 v5, v41;
	v50 =	vor.u32 s23, v25;
	[tilespmem:v51+s16+$0x0] =	vst.idx.msk $0xffff, v52;
	v62 =	vmul.f32 $1.250000000e-01, v54;
	v57 =	vld.idx.msk [tilespmem:v58+s13+$0x0], $0xffff  }
0x1b4: {  	v55 =	vor.u32 v3, v34;
	v58 =	vor.u32 s28, v23;
	v54 =	vor.u32 v40, v63;
	v53 =	vld.idx.msk [tilespmem:v53+s13+$0x0], $0xffff  }
0x1b5: {  	v60 =	vor.u32 v5, v46;
	v59 =	vor.u32 s24, v24;
	[tilespmem:v47+s16+$0x0] =	vst.idx.msk $0xffff, v62;
	v47 =	vor.u32 v32, v54  }
0x1b6: {  	v61 =	vor.u32 v43, v60;
	v51 =	vor.u32 v4, v37;
	v52 =	vor.u32 s29, v23;
	v56 =	vld.idx.msk [tilespmem:v56+s13+$0x0], $0xffff  }
0x1b7: {  	v51 =	vor.u32 v36, v51;
	v54 =	vor.u32 v32, v61;
	v48 =	vmul.f32 $1.250000000e-01, v48  }
0x1b8: {  	v55 =	vor.u32 v35, v55;
	v51 =	vor.u32 v32, v51;
	[tilespmem:v50+s16+$0x0] =	vst.idx.msk $0xffff, v49;
	v49 =	vor.u32 s26, v24  }
0x1b9: {  	v55 =	vor.u32 v32, v55;
	v60 =	vor.u32 v4, v39;
	v53 =	vmul.f32 $1.250000000e-01, v53;
	[tilespmem:v58+s16+$0x0] =	vst.idx.msk $0xffff, v48  }
0x1ba: {  	v62 =	vor.u32 v38, v60;
	v60 =	vor.u32 v4, v41;
	v57 =	vmul.f32 $1.250000000e-01, v57;
	v47 =	vld.idx.msk [tilespmem:v47+s13+$0x0], $0xffff  }
0x1bb: {  	v61 =	vor.u32 v4, v46;
	v50 =	vor.u32 v32, v62;
	[tilespmem:v52+s16+$0x0] =	vst.idx.msk $0xffff, v53;
	v63 =	vmul.f32 $1.250000000e-01, v56  }
0x1bc: {  	[tilespmem:v59+s16+$0x0] =	vst.idx.msk $0xffff, v57;
	v56 =	vor.u32 s28, v24;
	v53 =	vor.u32 v40, v60;
	v54 =	vld.idx.msk [tilespmem:v54+s13+$0x0], $0xffff  }
0x1bd: {  	v62 =	vor.u32 v43, v61;
	v51 =	vld.idx.msk [tilespmem:v51+s13+$0x0], $0xffff;
	[tilespmem:v49+s16+$0x0] =	vst.idx.msk $0xffff, v63;
	v49 =	vor.u32 v32, v53  }
0x1be: {  	v61 =	vor.u32 s24, v25;
	v52 =	vor.u32 s29, v24;
	v60 =	vor.u32 v3, v37  }
0x1bf: {  	v58 =	vor.u32 v36, v60;
	v53 =	vor.u32 v32, v62;
	v47 =	vmul.f32 $1.250000000e-01, v47  }
0x1c0: {  	v55 =	vld.idx.msk [tilespmem:v55+s13+$0x0], $0xffff;
	v63 =	vor.u32 v2, v34;
	v58 =	vor.u32 v32, v58;
	v62 =	vor.u32 v3, v39  }
0x1c1: {  	v48 =	vor.u32 s23, v26;
	v50 =	vld.idx.msk [tilespmem:v50+s13+$0x0], $0xffff;
	v57 =	vor.u32 v35, v63;
	v54 =	vmul.f32 $1.250000000e-01, v54;
	[tilespmem:v56+s16+$0x0] =	vst.idx.msk $0xffff, v47  }
0x1c2: {  	v63 =	vor.u32 v3, v41;
	v51 =	vmul.f32 $1.250000000e-01, v51;
	v47 =	vor.u32 v38, v62;
	v49 =	vld.idx.msk [tilespmem:v49+s13+$0x0], $0xffff  }
0x1c3: {  	v57 =	vor.u32 v32, v57;
	v56 =	vor.u32 s26, v25;
	v47 =	vor.u32 v32, v47;
	[tilespmem:v52+s16+$0x0] =	vst.idx.msk $0xffff, v54  }
0x1c4: {  	[tilespmem:v61+s16+$0x0] =	vst.idx.msk $0xffff, v51;
	v51 =	vor.u32 s28, v25;
	v52 =	vor.u32 v40, v63;
	v53 =	vld.idx.msk [tilespmem:v53+s13+$0x0], $0xffff  }
0x1c5: {  	v55 =	vmul.f32 $1.250000000e-01, v55;
	v60 =	vor.u32 v3, v46;
	v52 =	vor.u32 v32, v52  }
0x1c6: {  	v61 =	vor.u32 s29, v25;
	v50 =	vmul.f32 $1.250000000e-01, v50;
	v58 =	vld.idx.msk [tilespmem:v58+s13+$0x0], $0xffff;
	v54 =	vor.u32 v43, v60  }
0x1c7: {  	[tilespmem:v48+s16+$0x0] =	vst.idx.msk $0xffff, v55;
	v62 =	vor.u32 v2, v37;
	v54 =	vor.u32 v32, v54;
	v49 =	vmul.f32 $1.250000000e-01, v49  }
0x1c8: {  	v48 =	vor.u32 v36, v62;
	v55 =	vld.idx.msk [tilespmem:v57+s13+$0x0], $0xffff;
	[tilespmem:v56+s16+$0x0] =	vst.idx.msk $0xffff, v50;
	v56 =	vor.u32 v1, v34  }
0x1c9: {  	v63 =	vor.u32 s24, v26;
	v34 =	vor.u32 v35, v56;
	v35 =	vld.idx.msk [tilespmem:v47+s13+$0x0], $0xffff;
	v53 =	vmul.f32 $1.250000000e-01, v53;
	[tilespmem:v51+s16+$0x0] =	vst.idx.msk $0xffff, v49  }
0x1ca: {  	v48 =	vor.u32 v32, v48;
	v60 =	vor.u32 v2, v41;
	v57 =	vor.u32 v2, v39;
	v51 =	vld.idx.msk [tilespmem:v52+s13+$0x0], $0xffff  }
0x1cb: {  	v47 =	vor.u32 v38, v57;
	v58 =	vmul.f32 $1.250000000e-01, v58;
	v52 =	vor.u32 s26, v26;
	[tilespmem:v61+s16+$0x0] =	vst.idx.msk $0xffff, v53  }
0x1cc: {  	v47 =	vor.u32 v32, v47;
	v49 =	vor.u32 s28, v26;
	v61 =	vor.u32 v40, v60;
	v54 =	vld.idx.msk [tilespmem:v54+s13+$0x0], $0xffff  }
0x1cd: {  	v62 =	vor.u32 v2, v46;
	v50 =	vor.u32 v32, v61  }
0x1ce: {  	[tilespmem:v63+s16+$0x0] =	vst.idx.msk $0xffff, v58;
	v63 =	vor.u32 s29, v26;
	v53 =	vor.u32 v43, v62;
	v35 =	vmul.f32 $1.250000000e-01, v35  }
0x1cf: {  	v57 =	vor.u32 v1, v37;
	v53 =	vor.u32 v32, v53;
	v51 =	vmul.f32 $1.250000000e-01, v51  }
0x1d0: {  	v37 =	vor.u32 s23, v27;
	v34 =	vor.u32 v32, v34;
	v48 =	vld.idx.msk [tilespmem:v48+s13+$0x0], $0xffff;
	[tilespmem:v52+s16+$0x0] =	vst.idx.msk $0xffff, v35  }
0x1d1: {  	v55 =	vmul.f32 $1.250000000e-01, v55;
	v58 =	vor.u32 v36, v57;
	v47 =	vld.idx.msk [tilespmem:v47+s13+$0x0], $0xffff;
	v59 =	vmul.f32 $1.250000000e-01, v54;
	[tilespmem:v49+s16+$0x0] =	vst.idx.msk $0xffff, v51  }
0x1d2: {  	v36 =	vor.u32 v32, v58;
	v60 =	vor.u32 v1, v39;
	v49 =	vor.u32 s24, v27;
	v62 =	vld.idx.msk [tilespmem:v50+s13+$0x0], $0xffff  }
0x1d3: {  	v61 =	vor.u32 v38, v60;
	v35 =	vor.u32 s26, v27;
	[tilespmem:v63+s16+$0x0] =	vst.idx.msk $0xffff, v59;
	v63 =	vor.u32 v1, v41  }
0x1d4: {  	v56 =	vor.u32 s28, v27;
	v38 =	vor.u32 v32, v61;
	v54 =	vld.idx.msk [tilespmem:v53+s13+$0x0], $0xffff;
	v57 =	vor.u32 v40, v63  }
0x1d5: {  	v58 =	vor.u32 v1, v46;
	[tilespmem:v37+s16+$0x0] =	vst.idx.msk $0xffff, v55;
	v48 =	vmul.f32 $1.250000000e-01, v48;
	v40 =	vor.u32 v32, v57  }
0x1d6: {  	[tilespmem:v42+s16+$0x0] =	vst.idx.msk $0xffff, v45;
	v34 =	vld.idx.msk [tilespmem:v34+s13+$0x0], $0xffff;
	v59 =	vor.u32 s29, v27;
	v41 =	vor.u32 v43, v58;
	v61 =	vmul.f32 $1.250000000e-01, v47  }
0x1d7: {  	v60 =	vld.idx.msk [tilespmem:v44+s13+$0x0], $0xffff;
	v41 =	vor.u32 v32, v41;
	[tilespmem:v49+s16+$0x0] =	vst.idx.msk $0xffff, v48;
	v39 =	vmul.f32 $1.250000000e-01, v62  }
0x1d8: {  	v45 =	vor.u32 s23, v28;
	v36 =	vld.idx.msk [tilespmem:v36+s13+$0x0], $0xffff;
	[tilespmem:v35+s16+$0x0] =	vst.idx.msk $0xffff, v61  }
0x1d9: {  	v62 =	vor.u32 s21, v28;
	v38 =	vld.idx.msk [tilespmem:v38+s13+$0x0], $0xffff;
	v63 =	vmul.f32 $1.250000000e-01, v54;
	[tilespmem:v56+s16+$0x0] =	vst.idx.msk $0xffff, v39  }
0x1da: {  	v46 =	vor.u32 s24, v28;
	v40 =	vld.idx.msk [tilespmem:v40+s13+$0x0], $0xffff  }
0x1db: {  	v34 =	vmul.f32 $1.250000000e-01, v34;
	v48 =	vor.u32 s26, v28;
	[tilespmem:v59+s16+$0x0] =	vst.idx.msk $0xffff, v63  }
0x1dc: {  	v47 =	vmul.f32 $1.250000000e-01, v60;
	v49 =	vor.u32 s28, v28;
	v41 =	vld.idx.msk [tilespmem:v41+s13+$0x0], $0xffff  }
0x1dd: {  	[tilespmem:v45+s16+$0x0] =	vst.idx.msk $0xffff, v34;
	v50 =	vmul.f32 $1.250000000e-01, v36  }
0x1de: {  	v51 =	vor.u32 s29, v28;
	[tilespmem:v62+s16+$0x0] =	vst.idx.msk $0xffff, v47;
	v52 =	vmul.f32 $1.250000000e-01, v38  }
0x1df: {  	[tilespmem:v46+s16+$0x0] =	vst.idx.msk $0xffff, v50;
	v53 =	vmul.f32 $1.250000000e-01, v40  }
0x1e0: {  	[tilespmem:v48+s16+$0x0] =	vst.idx.msk $0xffff, v52  }
0x1e1: {  	v54 =	vmul.f32 $1.250000000e-01, v41;
	[tilespmem:v49+s16+$0x0] =	vst.idx.msk $0xffff, v53  }
0x1e2: {  	s9 =	sshll.u32 s20, $0x11;
	s21 =	rddreg [dreg:$0x4]  }
0x1e3: {  	s23 =	rddreg [dreg:$0x2];
	s21 =	sor.u32 s21, s9;
	[tilespmem:v51+s16+$0x0] =	vst.idx.msk $0xffff, v54  }
0x1e4: {  	s1 =	sadd.s32 s23, s21;
	s24 =	rddreg [dreg:$0x7]  }
0x1e5: {  	[hbm4b:s1+s4] =	stream.linear.scatter [tilespmem:s16], [sflag:$0x5], $0x400, $0x38;
	[tilespmem:$0x10200] =	vst v63  }
0x1e6: {  	s26 =	simm.s32 $0x8600;
	s9 =	rddreg [dreg:$0x8];
	s1 =	sadd.s32 s21, s24  }
0x1e7: {  	[hbm4b:s1+s4] =	stream.linear.scatter [tilespmem:s26], [sflag:$0x5], $0x400, $0x38;
	[tilespmem:$0x10200] =	vst v63  }
0x1e8: {  	s23 =	simm.s32 $0x8A00;
	s24 =	rddreg [dreg:$0x9];
	s1 =	sadd.s32 s21, s9  }
0x1e9: {  	[hbm4b:s1+s4] =	stream.linear.scatter [tilespmem:s23], [sflag:$0x5], $0x400, $0x38;
	[tilespmem:$0x10200] =	vst v63  }
0x1ea: {  	s26 =	simm.s32 $0x8E00;
	s9 =	rddreg [dreg:$0xa];
	s1 =	sadd.s32 s21, s24  }
0x1eb: {  	[hbm4b:s1+s4] =	stream.linear.scatter [tilespmem:s26], [sflag:$0x5], $0x400, $0x38;
	[tilespmem:$0x10200] =	vst v63  }
0x1ec: {  	s23 =	simm.s32 $0x9200;
	s24 =	rddreg [dreg:$0xb];
	s1 =	sadd.s32 s21, s9  }
0x1ed: {  	[hbm4b:s1+s4] =	stream.linear.scatter [tilespmem:s23], [sflag:$0x5], $0x400, $0x38;
	[tilespmem:$0x10200] =	vst v63  }
0x1ee: {  	s26 =	simm.s32 $0x9600;
	s9 =	rddreg [dreg:$0xc];
	s1 =	sadd.s32 s21, s24  }
0x1ef: {  	[hbm4b:s1+s4] =	stream.linear.scatter [tilespmem:s26], [sflag:$0x5], $0x400, $0x38;
	[tilespmem:$0x10200] =	vst v63  }
0x1f0: {  	s23 =	simm.s32 $0x9A00;
	s24 =	rddreg [dreg:$0xd];
	s1 =	sadd.s32 s21, s9  }
0x1f1: {  	[hbm4b:s1+s4] =	stream.linear.scatter [tilespmem:s23], [sflag:$0x5], $0x400, $0x38;
	[tilespmem:$0x10200] =	vst v63  }
0x1f2: {  	s26 =	simm.s32 $0x9E00;
	s9 =	rddreg [dreg:$0xe];
	s1 =	sadd.s32 s21, s24  }
0x1f3: {  	[hbm4b:s1+s4] =	stream.linear.scatter [tilespmem:s26], [sflag:$0x5], $0x400, $0x38;
	[tilespmem:$0x10200] =	vst v63  }
0x1f4: {  	s23 =	simm.s32 $0xA200;
	s24 =	rddreg [dreg:$0xf];
	s1 =	sadd.s32 s21, s9  }
0x1f5: {  	[hbm4b:s1+s4] =	stream.linear.scatter [tilespmem:s23], [sflag:$0x5], $0x400, $0x38;
	[tilespmem:$0x10200] =	vst v63  }
0x1f6: {  	s26 =	simm.s32 $0xA600;
	s9 =	rddreg [dreg:$0x10];
	s1 =	sadd.s32 s21, s24  }
0x1f7: {  	[hbm4b:s1+s4] =	stream.linear.scatter [tilespmem:s26], [sflag:$0x5], $0x400, $0x38;
	[tilespmem:$0x10200] =	vst v63  }
0x1f8: {  	s23 =	simm.s32 $0xAA00;
	s24 =	rddreg [dreg:$0x11];
	s1 =	sadd.s32 s21, s9  }
0x1f9: {  	[hbm4b:s1+s4] =	stream.linear.scatter [tilespmem:s23], [sflag:$0x5], $0x400, $0x38;
	[tilespmem:$0x10200] =	vst v63  }
0x1fa: {  	s26 =	simm.s32 $0xAE00;
	s9 =	rddreg [dreg:$0x12];
	s1 =	sadd.s32 s21, s24  }
0x1fb: {  	[hbm4b:s1+s4] =	stream.linear.scatter [tilespmem:s26], [sflag:$0x5], $0x400, $0x38;
	[tilespmem:$0x10200] =	vst v63  }
0x1fc: {  	s23 =	simm.s32 $0xB200;
	s24 =	rddreg [dreg:$0x13];
	s1 =	sadd.s32 s21, s9  }
0x1fd: {  	[hbm4b:s1+s4] =	stream.linear.scatter [tilespmem:s23], [sflag:$0x5], $0x400, $0x38;
	[tilespmem:$0x10200] =	vst v63  }
0x1fe: {  	s26 =	simm.s32 $0xB600;
	s9 =	rddreg [dreg:$0x14];
	s1 =	sadd.s32 s21, s24  }
0x1ff: {  	[hbm4b:s1+s4] =	stream.linear.scatter [tilespmem:s26], [sflag:$0x5], $0x400, $0x38;
	[tilespmem:$0x10200] =	vst v63  }
0x200: {  	s23 =	simm.s32 $0xBA00;
	s24 =	rddreg [dreg:$0x15];
	s1 =	sadd.s32 s21, s9  }
0x201: {  	[hbm4b:s1+s4] =	stream.linear.scatter [tilespmem:s23], [sflag:$0x5], $0x400, $0x38;
	[tilespmem:$0x10200] =	vst v63  }
0x202: {  	p2 =	sne.s32 s20, $0x31;
	s26 =	simm.s32 $0xBE00;
	s1 =	sadd.s32 s21, s24  }
0x203: {  	[hbm4b:s1+s4] =	stream.linear.scatter [tilespmem:s26], [sflag:$0x5], $0x400, $0x38;
	[tilespmem:$0x10200] =	vst v63  }
0x204: {  	s1 =	simm.s32 @p2 $0x1  }
0x205: {  	_ =	swait.ge @p2 [sflag:s1], $0x100  }
0x206: {  	s3 =	simm.s32 @p2 $0x0;
	[sflag:s1] =	ssyncset.done @p2 $0x0  }
0x207: {  	s9 =	simm.s32 @p2 $0x200;
	[sflag:s1] =	ssyncadd.s32 @p2 $0xFFFFFF00;
	s1 =	simm.s32 @p2 $0x100  }
0x208: {  	[tilespmem:s9], [sflag:$0x3] =	stream.indirect.gather @p2 [hbm4b:s7+s1], $0x40, s3, s1, $0xb8;
	[tilespmem:$0x10200] =	vst v63  }
0x209: {  	s23 =	simm.s32 @p2 $0x4;
	s9 =	sadd.s32 @p2 $0x3, s22  }
0x20a: {  	s22 =	sshll.u32 @p2 s9, $0x3;
	_ =	swait.ge @p2 [sflag:s23], $0x4000  }
0x20b: {  	s9 =	sshll.u32 @p2 s9, $0x5;
	s22 =	sand.u32 @p2 $0x7E0, s22;
	[sflag:s23] =	ssyncset.done @p2 $0x0  }
0x20c: {  	s9 =	sand.u32 @p2 $0x60, s9;
	s22 =	sor.u32 @p2 s5, s22;
	s24 =	rddreg [dreg:$0x0]  }
0x20d: {  	s22 =	sshll.u32 @p2 s22, $0x7;
	s9 =	sadd.s32 @p2 s24, s9  }
0x20e: {  	[sflag:s23] =	ssyncadd.s32 @p2 $0xFFFFC000;
	s9 =	sadd.s32 @p2 s22, s9  }
0x20f: {  	[tilespmem:s1], [sflag:$0x2] =	stream.linear.gather @p2 [hbm4b:s9+s3], $0x100, $0x38;
	[tilespmem:$0x10200] =	vst v63  }
0x210: {  	s9 =	simm.s32 $0x0  }
0x211: {  	s22 =	simm.s32 $0x0;
	s23 =	sand.u32 $0x70, s9  }
0x212: {  	s3 =	sor.u32 s23, s22  }
0x213: {  	s1 =	sand.u32 $0x3, s9;
	v55 =	vmov s3  }
0x214: {  	s24 =	sshll.u32 s1, $0x4;
	v44 =	vshll.u32 v55, $0x6  }
0x215: {  	s22 =	simm.s32 @!p2 $0x4;
	v43 =	vor.u32 s24, v29;
	v34 =	vor.u32 v31, v44  }
0x216: {  	_ =	swait.ge @!p2 [sflag:s22], $0x4000;
	v34 =	vor.u32 v43, v34  }
0x217: {  	[sflag:s22] =	ssyncset.done @!p2 $0x0;
	v34 =	vor.u32 v32, v34  }
0x218: {  	s3 =	simm.s32 @!p1 $0x6;
	[sflag:s22] =	ssyncadd.s32 @!p2 $0xFFFFC000  }
0x219: {  	_ =	swait.ge @!p1 [sflag:s3], $0x4000  }
0x21a: {  	[sflag:s3] =	ssyncset.done @!p1 $0x0  }
0x21b: {  	s26 =	simm.s32 $0x0;
	s1 =	sshll.u32 s1, $0xB;
	[sflag:s3] =	ssyncadd.s32 @!p1 $0xFFFFC000  }
0x21c: {  	s1 =	sor.u32 s1, s26;
	v34 =	vld.idx.msk [tilespmem:v34+s14+$0x0], $0xffff  }
0x21d: {  	s22 =	sor.u32 s23, s1;
	v56 =	vor.u32 v13, v44  }
0x21e: {  	v57 =	vor.u32 s22, v33;
	v35 =	vor.u32 v43, v56  }
0x21f: {  	v35 =	vor.u32 v32, v35;
	_ =	sdelay $0x1  }
0x220: {  	v34 =	vmul.f32 $1.250000000e-01, v34;
	_ =	sdelay $0x1  }
0x221: {  	[tilespmem:v57+s17+$0x0] =	vst.idx.msk $0xffff, v34  }
0x222: {  	v34 =	vld.idx.msk [tilespmem:v35+s14+$0x0], $0xffff  }
0x223: {  	v58 =	vor.u32 v12, v44  }
0x224: {  	v59 =	vor.u32 s22, v14;
	v35 =	vor.u32 v43, v58  }
0x225: {  	s3 =	simm.s32 $0x4;
	v35 =	vor.u32 v32, v35  }
0x226: {  	s9 =	simm.s32 $0x0;
	s1 =	sand.u32 $0x70, s3  }
0x227: {  	s23 =	simm.s32 $0x1;
	s3 =	sor.u32 s1, s9;
	v34 =	vmul.f32 $1.250000000e-01, v34  }
0x228: {  	s9 =	sand.u32 $0x3, s23;
	v60 =	vmov s3  }
0x229: {  	s24 =	sshll.u32 s9, $0x4;
	[tilespmem:v59+s17+$0x0] =	vst.idx.msk $0xffff, v34;
	v34 =	vshll.u32 v60, $0x6  }
0x22a: {  	v36 =	vld.idx.msk [tilespmem:v35+s14+$0x0], $0xffff;
	v35 =	vor.u32 s24, v29;
	v42 =	vor.u32 v31, v34  }
0x22b: {  	v61 =	vor.u32 v11, v44;
	v39 =	vor.u32 v35, v42  }
0x22c: {  	v62 =	vor.u32 s22, v15;
	v63 =	vor.u32 v43, v61;
	v39 =	vor.u32 v32, v39  }
0x22d: {  	v38 =	vor.u32 v32, v63;
	_ =	sdelay $0x1  }
0x22e: {  	v36 =	vmul.f32 $1.250000000e-01, v36  }
0x22f: {  	s26 =	simm.s32 $0x0;
	s9 =	sshll.u32 s9, $0xB  }
0x230: {  	s3 =	sor.u32 s9, s26;
	[tilespmem:v62+s17+$0x0] =	vst.idx.msk $0xffff, v36;
	v46 =	vld.idx.msk [tilespmem:v39+s14+$0x0], $0xffff  }
0x231: {  	s23 =	sor.u32 s1, s3;
	v48 =	vor.u32 v13, v34;
	v36 =	vld.idx.msk [tilespmem:v38+s14+$0x0], $0xffff  }
0x232: {  	v45 =	vor.u32 v30, v44;
	v49 =	vor.u32 s23, v33;
	v40 =	vor.u32 v35, v48  }
0x233: {  	v47 =	vor.u32 s22, v16;
	v37 =	vor.u32 v43, v45;
	v40 =	vor.u32 v32, v40  }
0x234: {  	v37 =	vor.u32 v32, v37  }
0x235: {  	v38 =	vmul.f32 $1.250000000e-01, v46  }
0x236: {  	v36 =	vmul.f32 $1.250000000e-01, v36  }
0x237: {  	[tilespmem:v49+s17+$0x0] =	vst.idx.msk $0xffff, v38  }
0x238: {  	[tilespmem:v47+s17+$0x0] =	vst.idx.msk $0xffff, v36;
	v38 =	vld.idx.msk [tilespmem:v40+s14+$0x0], $0xffff  }
0x239: {  	v52 =	vor.u32 v12, v34;
	v36 =	vld.idx.msk [tilespmem:v37+s14+$0x0], $0xffff  }
0x23a: {  	v50 =	vor.u32 v0, v44;
	v53 =	vor.u32 s23, v14;
	v40 =	vor.u32 v35, v52  }
0x23b: {  	v51 =	vor.u32 s22, v17;
	v37 =	vor.u32 v43, v50;
	v40 =	vor.u32 v32, v40  }
0x23c: {  	v37 =	vor.u32 v32, v37  }
0x23d: {  	v38 =	vmul.f32 $1.250000000e-01, v38  }
0x23e: {  	s3 =	simm.s32 $0x2;
	v36 =	vmul.f32 $1.250000000e-01, v36  }
0x23f: {  	s9 =	simm.s32 $0x8;
	s1 =	sand.u32 $0x3, s3;
	[tilespmem:v53+s17+$0x0] =	vst.idx.msk $0xffff, v38  }
0x240: {  	v54 =	vor.u32 v10, v44;
	v55 =	vor.u32 s22, v18;
	s26 =	simm.s32 $0x0;
	s3 =	sand.u32 $0x70, s9;
	s24 =	sshll.u32 s1, $0x4;
	[tilespmem:v51+s17+$0x0] =	vst.idx.msk $0xffff, v36;
	v38 =	vld.idx.msk [tilespmem:v40+s14+$0x0], $0xffff  }
0x241: {  	v59 =	vor.u32 s23, v15;
	v57 =	vor.u32 v11, v34;
	v36 =	vor.u32 s24, v29;
	s24 =	sor.u32 s3, s26;
	v39 =	vld.idx.msk [tilespmem:v37+s14+$0x0], $0xffff  }
0x242: {  	v42 =	vor.u32 v35, v57;
	v37 =	vor.u32 v43, v54;
	v56 =	vmov s24  }
0x243: {  	v42 =	vor.u32 v32, v42;
	v58 =	vor.u32 v32, v37;
	v37 =	vshll.u32 v56, $0x6  }
0x244: {  	v60 =	vor.u32 v31, v37  }
0x245: {  	v46 =	vor.u32 v36, v60;
	v38 =	vmul.f32 $1.250000000e-01, v38  }
0x246: {  	v46 =	vor.u32 v32, v46;
	v39 =	vmul.f32 $1.250000000e-01, v39  }
0x247: {  	[tilespmem:v59+s17+$0x0] =	vst.idx.msk $0xffff, v38  }
0x248: {  	[tilespmem:v55+s17+$0x0] =	vst.idx.msk $0xffff, v39;
	v62 =	vld.idx.msk [tilespmem:v42+s14+$0x0], $0xffff  }
0x249: {  	v52 =	vor.u32 v30, v34;
	v39 =	vld.idx.msk [tilespmem:v58+s14+$0x0], $0xffff  }
0x24a: {  	v61 =	vor.u32 v9, v44;
	s1 =	sshll.u32 s1, $0xB;
	s26 =	simm.s32 $0x0;
	v54 =	vor.u32 s23, v16;
	v42 =	vor.u32 v35, v52  }
0x24b: {  	v63 =	vor.u32 s22, v19;
	s1 =	sor.u32 s1, s26;
	v38 =	vor.u32 v43, v61;
	v42 =	vor.u32 v32, v42;
	v53 =	vld.idx.msk [tilespmem:v46+s14+$0x0], $0xffff  }
0x24c: {  	s24 =	sor.u32 s3, s1;
	v38 =	vor.u32 v32, v38;
	v55 =	vor.u32 v13, v37  }
0x24d: {  	v56 =	vor.u32 s24, v33;
	v47 =	vor.u32 v36, v55;
	v40 =	vmul.f32 $1.250000000e-01, v62  }
0x24e: {  	v47 =	vor.u32 v32, v47;
	v39 =	vmul.f32 $1.250000000e-01, v39  }
0x24f: {  	[tilespmem:v54+s17+$0x0] =	vst.idx.msk $0xffff, v40  }
0x250: {  	v57 =	vmul.f32 $1.250000000e-01, v53;
	[tilespmem:v63+s17+$0x0] =	vst.idx.msk $0xffff, v39;
	v59 =	vld.idx.msk [tilespmem:v42+s14+$0x0], $0xffff  }
0x251: {  	v61 =	vor.u32 v0, v34;
	v38 =	vld.idx.msk [tilespmem:v38+s14+$0x0], $0xffff  }
0x252: {  	v58 =	vor.u32 v8, v44;
	v63 =	vor.u32 s23, v17;
	v39 =	vor.u32 v35, v61;
	[tilespmem:v56+s17+$0x0] =	vst.idx.msk $0xffff, v57  }
0x253: {  	v60 =	vor.u32 s22, v20;
	v40 =	vor.u32 v43, v58;
	v39 =	vor.u32 v32, v39;
	v62 =	vld.idx.msk [tilespmem:v47+s14+$0x0], $0xffff  }
0x254: {  	v52 =	vor.u32 v12, v37;
	v40 =	vor.u32 v32, v40  }
0x255: {  	v53 =	vor.u32 s24, v14;
	v47 =	vor.u32 v36, v52;
	v41 =	vmul.f32 $1.250000000e-01, v59  }
0x256: {  	v47 =	vor.u32 v32, v47;
	v38 =	vmul.f32 $1.250000000e-01, v38  }
0x257: {  	[tilespmem:v63+s17+$0x0] =	vst.idx.msk $0xffff, v41  }
0x258: {  	v54 =	vmul.f32 $1.250000000e-01, v62;
	[tilespmem:v60+s17+$0x0] =	vst.idx.msk $0xffff, v38;
	v41 =	vld.idx.msk [tilespmem:v39+s14+$0x0], $0xffff  }
0x259: {  	v56 =	vor.u32 v10, v34;
	v40 =	vld.idx.msk [tilespmem:v40+s14+$0x0], $0xffff  }
0x25a: {  	v55 =	vor.u32 v7, v44;
	v61 =	vor.u32 v35, v56;
	v60 =	vor.u32 s23, v18;
	[tilespmem:v53+s17+$0x0] =	vst.idx.msk $0xffff, v54  }
0x25b: {  	s3 =	simm.s32 $0xC;
	v57 =	vor.u32 s22, v21;
	v63 =	vor.u32 v32, v61;
	v39 =	vor.u32 v43, v55;
	v47 =	vld.idx.msk [tilespmem:v47+s14+$0x0], $0xffff  }
0x25c: {  	s26 =	simm.s32 $0x0;
	s3 =	sand.u32 $0x70, s3;
	v62 =	vor.u32 v11, v37;
	v59 =	vor.u32 v32, v39  }
0x25d: {  	s9 =	simm.s32 $0x3;
	s26 =	sor.u32 s3, s26;
	v45 =	vor.u32 v36, v62;
	v54 =	vor.u32 s24, v15;
	v41 =	vmul.f32 $1.250000000e-01, v41  }
0x25e: {  	s1 =	sand.u32 $0x3, s9;
	v58 =	vmov s26;
	v45 =	vor.u32 v32, v45;
	v40 =	vmul.f32 $1.250000000e-01, v40  }
0x25f: {  	s9 =	sshll.u32 s1, $0x4;
	v39 =	vshll.u32 v58, $0x6;
	v58 =	vor.u32 v9, v34;
	[tilespmem:v60+s17+$0x0] =	vst.idx.msk $0xffff, v41  }
0x260: {  	v38 =	vor.u32 s9, v29;
	v55 =	vor.u32 v31, v39;
	v47 =	vmul.f32 $1.250000000e-01, v47;
	[tilespmem:v57+s17+$0x0] =	vst.idx.msk $0xffff, v40;
	v41 =	vld.idx.msk [tilespmem:v63+s14+$0x0], $0xffff  }
0x261: {  	v46 =	vor.u32 v35, v58;
	v56 =	vor.u32 v38, v55;
	v42 =	vld.idx.msk [tilespmem:v59+s14+$0x0], $0xffff  }
0x262: {  	v61 =	vor.u32 s23, v19;
	v40 =	vor.u32 v32, v56;
	v57 =	vor.u32 v6, v44;
	[tilespmem:v54+s17+$0x0] =	vst.idx.msk $0xffff, v47  }
0x263: {  	v46 =	vor.u32 v32, v46;
	v59 =	vor.u32 s22, v22;
	v48 =	vor.u32 v43, v57;
	v45 =	vld.idx.msk [tilespmem:v45+s14+$0x0], $0xffff  }
0x264: {  	v60 =	vor.u32 v30, v37;
	v48 =	vor.u32 v32, v48  }
0x265: {  	v62 =	vor.u32 s24, v16;
	v49 =	vor.u32 v36, v60;
	v41 =	vmul.f32 $1.250000000e-01, v41  }
0x266: {  	s1 =	sshll.u32 s1, $0xB;
	s26 =	simm.s32 $0x0;
	v49 =	vor.u32 v32, v49;
	v42 =	vmul.f32 $1.250000000e-01, v42  }
0x267: {  	s1 =	sor.u32 s1, s26;
	v58 =	vor.u32 v8, v34;
	v40 =	vld.idx.msk [tilespmem:v40+s14+$0x0], $0xffff;
	[tilespmem:v61+s17+$0x0] =	vst.idx.msk $0xffff, v41  }
0x268: {  	s26 =	sor.u32 s3, s1;
	v63 =	vor.u32 v13, v39;
	v45 =	vmul.f32 $1.250000000e-01, v45;
	[tilespmem:v59+s17+$0x0] =	vst.idx.msk $0xffff, v42;
	v46 =	vld.idx.msk [tilespmem:v46+s14+$0x0], $0xffff  }
0x269: {  	v50 =	vor.u32 v35, v58;
	v54 =	vor.u32 s26, v33;
	v55 =	vor.u32 v38, v63;
	v48 =	vld.idx.msk [tilespmem:v48+s14+$0x0], $0xffff  }
0x26a: {  	v56 =	vor.u32 v5, v44;
	v60 =	vor.u32 s23, v20;
	v47 =	vor.u32 v32, v55;
	[tilespmem:v62+s17+$0x0] =	vst.idx.msk $0xffff, v45  }
0x26b: {  	v50 =	vor.u32 v32, v50;
	v57 =	vor.u32 s22, v23;
	v41 =	vor.u32 v43, v56;
	v49 =	vld.idx.msk [tilespmem:v49+s14+$0x0], $0xffff  }
0x26c: {  	v41 =	vor.u32 v32, v41;
	v40 =	vmul.f32 $1.250000000e-01, v40  }
0x26d: {  	v59 =	vor.u32 v0, v37;
	v55 =	vmul.f32 $1.250000000e-01, v46  }
0x26e: {  	v61 =	vor.u32 s24, v17;
	[tilespmem:v54+s17+$0x0] =	vst.idx.msk $0xffff, v40;
	v40 =	vor.u32 v36, v59;
	v48 =	vmul.f32 $1.250000000e-01, v48  }
0x26f: {  	v47 =	vld.idx.msk [tilespmem:v47+s14+$0x0], $0xffff;
	v63 =	vor.u32 v32, v40;
	[tilespmem:v60+s17+$0x0] =	vst.idx.msk $0xffff, v55  }
0x270: {  	v62 =	vor.u32 v12, v39;
	[tilespmem:v57+s17+$0x0] =	vst.idx.msk $0xffff, v48;
	v57 =	vmul.f32 $1.250000000e-01, v49;
	v49 =	vld.idx.msk [tilespmem:v50+s14+$0x0], $0xffff  }
0x271: {  	v45 =	vor.u32 s26, v14;
	v56 =	vor.u32 v38, v62;
	v41 =	vld.idx.msk [tilespmem:v41+s14+$0x0], $0xffff  }
0x272: {  	s3 =	simm.s32 $0x4;
	v62 =	vor.u32 s23, v21;
	v46 =	vor.u32 v32, v56;
	v60 =	vor.u32 v7, v34  }
0x273: {  	s1 =	sand.u32 $0x3, s3;
	v58 =	vor.u32 v4, v44;
	v59 =	vor.u32 s22, v24;
	v50 =	vor.u32 v35, v60;
	[tilespmem:v61+s17+$0x0] =	vst.idx.msk $0xffff, v57  }
0x274: {  	s3 =	simm.s32 $0x10;
	s9 =	sshll.u32 s1, $0x4;
	v42 =	vor.u32 v43, v58;
	v47 =	vmul.f32 $1.250000000e-01, v47;
	v57 =	vor.u32 v32, v50;
	v52 =	vld.idx.msk [tilespmem:v63+s14+$0x0], $0xffff  }
0x275: {  	s3 =	sand.u32 $0x70, s3;
	v42 =	vor.u32 v32, v42;
	v40 =	vor.u32 s9, v29;
	s9 =	simm.s32 $0x0;
	v49 =	vmul.f32 $1.250000000e-01, v49  }
0x276: {  	v58 =	vor.u32 v11, v39;
	s9 =	sor.u32 s3, s9;
	v61 =	vor.u32 v10, v37;
	[tilespmem:v45+s17+$0x0] =	vst.idx.msk $0xffff, v47;
	v41 =	vmul.f32 $1.250000000e-01, v41  }
0x277: {  	v63 =	vmov s9;
	v60 =	vor.u32 v36, v61;
	v61 =	vor.u32 s24, v18;
	v46 =	vld.idx.msk [tilespmem:v46+s14+$0x0], $0xffff;
	[tilespmem:v62+s17+$0x0] =	vst.idx.msk $0xffff, v49  }
0x278: {  	v47 =	vor.u32 v32, v60;
	v60 =	vor.u32 s26, v15;
	[tilespmem:v59+s17+$0x0] =	vst.idx.msk $0xffff, v41;
	v41 =	vshll.u32 v63, $0x6  }
0x279: {  	v59 =	vor.u32 v38, v58;
	v52 =	vmul.f32 $1.250000000e-01, v52;
	v63 =	vor.u32 v3, v44;
	v45 =	vld.idx.msk [tilespmem:v57+s14+$0x0], $0xffff  }
0x27a: {  	v57 =	vor.u32 s22, v25;
	v42 =	vld.idx.msk [tilespmem:v42+s14+$0x0], $0xffff;
	v54 =	vor.u32 v31, v41;
	v48 =	vor.u32 v32, v59  }
0x27b: {  	v58 =	vor.u32 v9, v37;
	v53 =	vor.u32 v43, v63;
	v62 =	vor.u32 v40, v54  }
0x27c: {  	v46 =	vmul.f32 $1.250000000e-01, v46;
	[tilespmem:v61+s17+$0x0] =	vst.idx.msk $0xffff, v52;
	v61 =	vor.u32 v6, v34;
	v49 =	vor.u32 v32, v62  }
0x27d: {  	v63 =	vor.u32 s23, v22;
	v62 =	vor.u32 v32, v53;
	v47 =	vld.idx.msk [tilespmem:v47+s14+$0x0], $0xffff;
	v50 =	vor.u32 v35, v61  }
0x27e: {  	v59 =	vor.u32 v30, v39;
	[tilespmem:v60+s17+$0x0] =	vst.idx.msk $0xffff, v46;
	v50 =	vor.u32 v32, v50  }
0x27f: {  	s1 =	sshll.u32 s1, $0xB;
	s9 =	simm.s32 $0x0;
	v51 =	vor.u32 v38, v59;
	v60 =	vor.u32 s24, v19;
	v42 =	vmul.f32 $1.250000000e-01, v42;
	v48 =	vld.idx.msk [tilespmem:v48+s14+$0x0], $0xffff  }
0x280: {  	s1 =	sor.u32 s1, s9;
	v61 =	vor.u32 v13, v41;
	v46 =	vor.u32 v36, v58;
	v45 =	vmul.f32 $1.250000000e-01, v45  }
0x281: {  	s28 =	sor.u32 s3, s1;
	v54 =	vor.u32 s22, v26;
	v46 =	vor.u32 v32, v46;
	v49 =	vld.idx.msk [tilespmem:v49+s14+$0x0], $0xffff;
	[tilespmem:v57+s17+$0x0] =	vst.idx.msk $0xffff, v42;
	v42 =	vor.u32 s26, v16  }
0x282: {  	v51 =	vor.u32 v32, v51;
	v53 =	vor.u32 s28, v33;
	[tilespmem:v63+s17+$0x0] =	vst.idx.msk $0xffff, v45;
	v47 =	vmul.f32 $1.250000000e-01, v47;
	v52 =	vld.idx.msk [tilespmem:v62+s14+$0x0], $0xffff  }
0x283: {  	v63 =	vor.u32 v2, v44;
	v62 =	vor.u32 v40, v61;
	v50 =	vld.idx.msk [tilespmem:v50+s14+$0x0], $0xffff;
	v61 =	vor.u32 v5, v34  }
0x284: {  	v45 =	vor.u32 v32, v62;
	[tilespmem:v60+s17+$0x0] =	vst.idx.msk $0xffff, v47;
	v60 =	vor.u32 v43, v63;
	v48 =	vmul.f32 $1.250000000e-01, v48  }
0x285: {  	v58 =	vor.u32 s28, v14;
	v55 =	vor.u32 v35, v61;
	v47 =	vor.u32 v32, v60  }
0x286: {  	v62 =	vor.u32 v8, v37;
	v46 =	vld.idx.msk [tilespmem:v46+s14+$0x0], $0xffff;
	v49 =	vmul.f32 $1.250000000e-01, v49;
	[tilespmem:v42+s17+$0x0] =	vst.idx.msk $0xffff, v48;
	v48 =	vor.u32 s23, v23  }
0x287: {  	v63 =	vor.u32 v0, v39;
	v55 =	vor.u32 v32, v55;
	v51 =	vld.idx.msk [tilespmem:v51+s14+$0x0], $0xffff;
	v52 =	vmul.f32 $1.250000000e-01, v52  }
0x288: {  	v60 =	vor.u32 s24, v20;
	v61 =	vor.u32 v38, v63;
	v42 =	vor.u32 v36, v62;
	[tilespmem:v53+s17+$0x0] =	vst.idx.msk $0xffff, v49  }
0x289: {  	v50 =	vmul.f32 $1.250000000e-01, v50;
	v53 =	vor.u32 v32, v42;
	v45 =	vld.idx.msk [tilespmem:v45+s14+$0x0], $0xffff;
	[tilespmem:v54+s17+$0x0] =	vst.idx.msk $0xffff, v52;
	v52 =	vor.u32 s26, v17  }
0x28a: {  	s9 =	simm.s32 $0x5;
	v44 =	vor.u32 v1, v44;
	v63 =	vor.u32 v32, v61;
	v62 =	vor.u32 v12, v41;
	v56 =	vld.idx.msk [tilespmem:v47+s14+$0x0], $0xffff  }
0x28b: {  	s31 =	sand.u32 $0x3, s9;
	v44 =	vor.u32 v43, v44;
	v46 =	vmul.f32 $1.250000000e-01, v46;
	v54 =	vor.u32 v40, v62;
	[tilespmem:v48+s17+$0x0] =	vst.idx.msk $0xffff, v50  }
0x28c: {  	s1 =	sshll.u32 s31, $0x4;
	v42 =	vor.u32 s22, v27;
	v54 =	vor.u32 v32, v54;
	v47 =	vld.idx.msk [tilespmem:v55+s14+$0x0], $0xffff;
	v59 =	vmul.f32 $1.250000000e-01, v51  }
0x28d: {  	v44 =	vor.u32 v32, v44;
	v43 =	vor.u32 s1, v29;
	[tilespmem:v60+s17+$0x0] =	vst.idx.msk $0xffff, v46;
	v60 =	vor.u32 v4, v34  }
0x28e: {  	s29 =	simm.s32 $0x14;
	v48 =	vor.u32 s23, v24;
	v62 =	vor.u32 v35, v60;
	v50 =	vld.idx.msk [tilespmem:v53+s14+$0x0], $0xffff;
	v61 =	vmul.f32 $1.250000000e-01, v45;
	[tilespmem:v52+s17+$0x0] =	vst.idx.msk $0xffff, v59  }
0x28f: {  	s9 =	simm.s32 $0x0;
	s1 =	sand.u32 $0x70, s29;
	v49 =	vor.u32 v32, v62;
	v52 =	vld.idx.msk [tilespmem:v63+s14+$0x0], $0xffff;
	v63 =	vor.u32 v7, v37;
	v45 =	vmul.f32 $1.250000000e-01, v56  }
0x290: {  	s30 =	simm.s32 $0x6;
	s3 =	simm.s32 $0x0;
	s9 =	sor.u32 s1, s9;
	v55 =	vor.u32 v10, v39;
	v51 =	vor.u32 s24, v21;
	[tilespmem:v58+s17+$0x0] =	vst.idx.msk $0xffff, v61;
	v53 =	vor.u32 v36, v63  }
.LBB2_8:
0x291: {  	p1 =	sne.s32 s30, $0x3F;
	v46 =	vmov s9;
	v54 =	vld.idx.msk [tilespmem:v54+s14+$0x0], $0xffff;
	v53 =	vor.u32 v32, v53;
	v47 =	vmul.f32 $1.250000000e-01, v47;
	[tilespmem:v42+s17+$0x0] =	vst.idx.msk $0xffff, v45;
	v45 =	vmovc v35  }
0x292: {  	v42 =	vor.u32 s26, v18;
	v55 =	vor.u32 v38, v55;
	v56 =	vor.u32 s22, v28;
	v35 =	vmovc v36;
	v36 =	vmovc v38;
	s22 =	smov.u32 s23;
	s23 =	smov.u32 s24;
	s24 =	smov.u32 s26;
	v44 =	vld.idx.msk [tilespmem:v44+s14+$0x0], $0xffff  }
0x293: {  	v57 =	vor.u32 v11, v41;
	s26 =	smov.u32 s28;
	v55 =	vor.u32 v32, v55;
	v50 =	vmul.f32 $1.250000000e-01, v50;
	[tilespmem:v48+s17+$0x0] =	vst.idx.msk $0xffff, v47  }
0x294: {  	v38 =	vmovc v40;
	v46 =	vshll.u32 v46, $0x6;
	v47 =	vor.u32 s26, v15;
	v48 =	vor.u32 v40, v57;
	v40 =	vmovc v43;
	v49 =	vld.idx.msk [tilespmem:v49+s14+$0x0], $0xffff  }
0x295: {  	v43 =	vor.u32 v31, v46;
	v48 =	vor.u32 v32, v48;
	v52 =	vmul.f32 $1.250000000e-01, v52;
	[tilespmem:v51+s17+$0x0] =	vst.idx.msk $0xffff, v50  }
0x296: {  	v43 =	vor.u32 v40, v43;
	v51 =	vor.u32 s22, v25;
	v50 =	vld.idx.msk [tilespmem:v53+s14+$0x0], $0xffff;
	v53 =	vor.u32 v3, v34  }
0x297: {  	v43 =	vor.u32 v32, v43;
	v54 =	vmul.f32 $1.250000000e-01, v54;
	[tilespmem:v42+s17+$0x0] =	vst.idx.msk $0xffff, v52;
	v42 =	vor.u32 v45, v53  }
0x298: {  	v53 =	vor.u32 v6, v37;
	v44 =	vmul.f32 $1.250000000e-01, v44;
	v52 =	vld.idx.msk [tilespmem:v55+s14+$0x0], $0xffff;
	v42 =	vor.u32 v32, v42  }
0x299: {  	v53 =	vor.u32 v35, v53;
	[tilespmem:v47+s17+$0x0] =	vst.idx.msk $0xffff, v54;
	v47 =	vor.u32 v9, v39;
	v54 =	vor.u32 s23, v22  }
0x29a: {  	v53 =	vor.u32 v32, v53;
	v49 =	vmul.f32 $1.250000000e-01, v49;
	v48 =	vld.idx.msk [tilespmem:v48+s14+$0x0], $0xffff;
	[tilespmem:v56+s17+$0x0] =	vst.idx.msk $0xffff, v44  }
0x29b: {  	v55 =	vor.u32 s24, v19;
	v44 =	vor.u32 v30, v41;
	v47 =	vor.u32 v36, v47  }
0x29c: {  	s3 =	sshll.u32 s3, $0xD;
	s9 =	sshll.u32 s31, $0xB;
	v47 =	vor.u32 v32, v47;
	v50 =	vmul.f32 $1.250000000e-01, v50;
	v43 =	vld.idx.msk [tilespmem:v43+s14+$0x0], $0xffff;
	[tilespmem:v51+s17+$0x0] =	vst.idx.msk $0xffff, v49  }
0x29d: {  	s3 =	sor.u32 s9, s3;
	v44 =	vor.u32 v38, v44;
	v49 =	vor.u32 s26, v16;
	v51 =	vor.u32 s22, v26;
	v42 =	vld.idx.msk [tilespmem:v42+s14+$0x0], $0xffff  }
0x29e: {  	s28 =	sor.u32 s1, s3;
	v56 =	vor.u32 v13, v46;
	v44 =	vor.u32 v32, v44;
	v52 =	vmul.f32 $1.250000000e-01, v52;
	[tilespmem:v54+s17+$0x0] =	vst.idx.msk $0xffff, v50  }
0x29f: {  	v50 =	vor.u32 s28, v33;
	v54 =	vor.u32 v40, v56;
	v56 =	vor.u32 v2, v34;
	v53 =	vld.idx.msk [tilespmem:v53+s14+$0x0], $0xffff  }
0x2a0: {  	v54 =	vor.u32 v32, v54;
	v48 =	vmul.f32 $1.250000000e-01, v48;
	[tilespmem:v55+s17+$0x0] =	vst.idx.msk $0xffff, v52;
	v52 =	vor.u32 v45, v56  }
0x2a1: {  	v55 =	vor.u32 v5, v37;
	v47 =	vld.idx.msk [tilespmem:v47+s14+$0x0], $0xffff;
	v52 =	vor.u32 v32, v52  }
0x2a2: {  	v43 =	vmul.f32 $1.250000000e-01, v43;
	[tilespmem:v49+s17+$0x0] =	vst.idx.msk $0xffff, v48;
	v48 =	vor.u32 s23, v23;
	v49 =	vor.u32 v35, v55  }
0x2a3: {  	v55 =	vor.u32 v8, v39;
	v42 =	vmul.f32 $1.250000000e-01, v42;
	v44 =	vld.idx.msk [tilespmem:v44+s14+$0x0], $0xffff;
	v49 =	vor.u32 v32, v49  }
0x2a4: {  	v55 =	vor.u32 v36, v55;
	[tilespmem:v50+s17+$0x0] =	vst.idx.msk $0xffff, v43;
	v43 =	vor.u32 v0, v41;
	v50 =	vor.u32 s24, v20  }
0x2a5: {  	v55 =	vor.u32 v32, v55;
	v53 =	vmul.f32 $1.250000000e-01, v53;
	v56 =	vld.idx.msk [tilespmem:v54+s14+$0x0], $0xffff;
	[tilespmem:v51+s17+$0x0] =	vst.idx.msk $0xffff, v42  }
0x2a6: {  	v51 =	vor.u32 s26, v17;
	v43 =	vor.u32 v38, v43;
	v42 =	vor.u32 s22, v27;
	v57 =	vld.idx.msk [tilespmem:v52+s14+$0x0], $0xffff  }
0x2a7: {  	v52 =	vor.u32 v12, v46;
	v58 =	vor.u32 v32, v43;
	v43 =	vmul.f32 $1.250000000e-01, v47;
	[tilespmem:v48+s17+$0x0] =	vst.idx.msk $0xffff, v53  }
0x2a8: {  	s31 =	sand.u32 $0x3, s30;
	v53 =	vor.u32 s28, v14;
	v48 =	vor.u32 v40, v52;
	v47 =	vld.idx.msk [tilespmem:v49+s14+$0x0], $0xffff;
	v49 =	vor.u32 v1, v34;
	v34 =	vmovc v37  }
.Ltmp5:
0x2a9: {  	s1 =	sshll.u32 s31, $0x4;
	v54 =	vor.u32 v32, v48;
	v48 =	vmul.f32 $1.250000000e-01, v44;
	[tilespmem:v50+s17+$0x0] =	vst.idx.msk $0xffff, v43;
	v49 =	vor.u32 v45, v49;
	(pc) =	sbr.rel @p1 .LBB2_8-.Ltmp5, $4  }
0x2aa: {  	v37 =	vmovc v39;
	v43 =	vor.u32 s1, v29;
	v45 =	vor.u32 v4, v34;
	v50 =	vld.idx.msk [tilespmem:v55+s14+$0x0], $0xffff;
	v44 =	vor.u32 v32, v49  }
0x2ab: {  	s29 =	sadd.s32 $0x4, s29;
	s3 =	sshrl.u32 s30, $0x5;
	v39 =	vmovc v41;
	v55 =	vmul.f32 $1.250000000e-01, v56;
	v45 =	vor.u32 v35, v45;
	[tilespmem:v51+s17+$0x0] =	vst.idx.msk $0xffff, v48;
	v48 =	vor.u32 s23, v24  }
0x2ac: {  	s9 =	sshll.u32 s3, $0x7;
	v41 =	vmovc v46;
	s1 =	sand.u32 $0x70, s29;
	v56 =	vor.u32 v7, v37;
	v49 =	vor.u32 v32, v45;
	v45 =	vmul.f32 $1.250000000e-01, v57;
	v52 =	vld.idx.msk [tilespmem:v58+s14+$0x0], $0xffff  }
0x2ad: {  	s30 =	sadd.s32 $0x1, s30;
	s9 =	sor.u32 s1, s9;
	v51 =	vor.u32 s24, v21;
	[tilespmem:v53+s17+$0x0] =	vst.idx.msk $0xffff, v55;
	v55 =	vor.u32 v10, v39;
	v53 =	vor.u32 v36, v56  }
0x2ae: {  	v46 =	vmov s9  }
0x2af: {  	v46 =	vshll.u32 v46, $0x6  }
0x2b0: {  	v56 =	vor.u32 v31, v46  }
0x2b1: {  	v56 =	vor.u32 v43, v56  }
0x2b2: {  	v56 =	vor.u32 v32, v56;
	_ =	sdelay $0x3  }
0x2b3: {  	s3 =	sshll.u32 s3, $0xD;
	s30 =	sshll.u32 s31, $0xB  }
0x2b4: {  	s3 =	sor.u32 s30, s3;
	v56 =	vld.idx.msk [tilespmem:v56+s14+$0x0], $0xffff  }
0x2b5: {  	s29 =	sor.u32 s1, s3;
	v57 =	vor.u32 v13, v46  }
0x2b6: {  	v58 =	vor.u32 s29, v33;
	v57 =	vor.u32 v43, v57  }
0x2b7: {  	v57 =	vor.u32 v32, v57;
	_ =	sdelay $0x1  }
0x2b8: {  	v56 =	vmul.f32 $1.250000000e-01, v56;
	_ =	sdelay $0x1  }
0x2b9: {  	[tilespmem:v58+s17+$0x0] =	vst.idx.msk $0xffff, v56  }
0x2ba: {  	v56 =	vld.idx.msk [tilespmem:v57+s14+$0x0], $0xffff  }
0x2bb: {  	v63 =	vor.u32 v12, v46  }
0x2bc: {  	v60 =	vor.u32 s29, v14;
	v57 =	vor.u32 v43, v63  }
0x2bd: {  	v57 =	vor.u32 v32, v57;
	_ =	sdelay $0x1  }
0x2be: {  	v56 =	vmul.f32 $1.250000000e-01, v56;
	_ =	sdelay $0x1  }
0x2bf: {  	v54 =	vld.idx.msk [tilespmem:v54+s14+$0x0], $0xffff;
	[tilespmem:v60+s17+$0x0] =	vst.idx.msk $0xffff, v56  }
0x2c0: {  	v61 =	vor.u32 v11, v41;
	v57 =	vld.idx.msk [tilespmem:v57+s14+$0x0], $0xffff  }
0x2c1: {  	v59 =	vor.u32 v11, v46;
	v58 =	vor.u32 s28, v15;
	v56 =	vor.u32 v40, v61  }
0x2c2: {  	v59 =	vor.u32 v43, v59;
	v60 =	vor.u32 s29, v15;
	v56 =	vor.u32 v32, v56  }
0x2c3: {  	v59 =	vor.u32 v32, v59  }
0x2c4: {  	v54 =	vmul.f32 $1.250000000e-01, v54  }
0x2c5: {  	v57 =	vmul.f32 $1.250000000e-01, v57  }
0x2c6: {  	[tilespmem:v58+s17+$0x0] =	vst.idx.msk $0xffff, v54  }
0x2c7: {  	v54 =	vld.idx.msk [tilespmem:v56+s14+$0x0], $0xffff;
	[tilespmem:v60+s17+$0x0] =	vst.idx.msk $0xffff, v57  }
0x2c8: {  	v62 =	vor.u32 v30, v41;
	v57 =	vld.idx.msk [tilespmem:v59+s14+$0x0], $0xffff  }
0x2c9: {  	v58 =	vor.u32 s28, v16;
	v56 =	vor.u32 v40, v62;
	v59 =	vor.u32 v30, v46  }
0x2ca: {  	v56 =	vor.u32 v32, v56;
	v60 =	vor.u32 s29, v16;
	v59 =	vor.u32 v43, v59  }
0x2cb: {  	v59 =	vor.u32 v32, v59  }
0x2cc: {  	v54 =	vmul.f32 $1.250000000e-01, v54  }
0x2cd: {  	v57 =	vmul.f32 $1.250000000e-01, v57  }
0x2ce: {  	[tilespmem:v58+s17+$0x0] =	vst.idx.msk $0xffff, v54  }
0x2cf: {  	v54 =	vld.idx.msk [tilespmem:v56+s14+$0x0], $0xffff;
	[tilespmem:v60+s17+$0x0] =	vst.idx.msk $0xffff, v57  }
0x2d0: {  	v63 =	vor.u32 v0, v41;
	v57 =	vld.idx.msk [tilespmem:v59+s14+$0x0], $0xffff  }
0x2d1: {  	v58 =	vor.u32 s28, v17;
	v56 =	vor.u32 v40, v63;
	v59 =	vor.u32 v0, v46  }
0x2d2: {  	v56 =	vor.u32 v32, v56;
	v60 =	vor.u32 s29, v17;
	v59 =	vor.u32 v43, v59  }
0x2d3: {  	v59 =	vor.u32 v32, v59  }
0x2d4: {  	v54 =	vmul.f32 $1.250000000e-01, v54  }
0x2d5: {  	v55 =	vor.u32 v38, v55;
	v61 =	vor.u32 s26, v18;
	v57 =	vmul.f32 $1.250000000e-01, v57  }
0x2d6: {  	v55 =	vor.u32 v32, v55;
	[tilespmem:v58+s17+$0x0] =	vst.idx.msk $0xffff, v54  }
0x2d7: {  	v54 =	vld.idx.msk [tilespmem:v56+s14+$0x0], $0xffff;
	[tilespmem:v60+s17+$0x0] =	vst.idx.msk $0xffff, v57  }
0x2d8: {  	v52 =	vmul.f32 $1.250000000e-01, v52;
	v60 =	vor.u32 v10, v41;
	v57 =	vld.idx.msk [tilespmem:v59+s14+$0x0], $0xffff  }
0x2d9: {  	v62 =	vor.u32 v10, v46;
	v58 =	vor.u32 s28, v18;
	v56 =	vor.u32 v40, v60  }
0x2da: {  	[tilespmem:v61+s17+$0x0] =	vst.idx.msk $0xffff, v52;
	v59 =	vor.u32 v43, v62;
	v52 =	vor.u32 v32, v56;
	v56 =	vor.u32 s29, v18  }
0x2db: {  	v55 =	vld.idx.msk [tilespmem:v55+s14+$0x0], $0xffff;
	v59 =	vor.u32 v32, v59  }
0x2dc: {  	v60 =	vor.u32 v9, v39;
	v54 =	vmul.f32 $1.250000000e-01, v54  }
0x2dd: {  	v61 =	vor.u32 s26, v19;
	v60 =	vor.u32 v38, v60;
	v57 =	vmul.f32 $1.250000000e-01, v57  }
0x2de: {  	v60 =	vor.u32 v32, v60;
	[tilespmem:v58+s17+$0x0] =	vst.idx.msk $0xffff, v54  }
0x2df: {  	v52 =	vld.idx.msk [tilespmem:v52+s14+$0x0], $0xffff;
	[tilespmem:v56+s17+$0x0] =	vst.idx.msk $0xffff, v57  }
0x2e0: {  	v63 =	vor.u32 v9, v41;
	v54 =	vmul.f32 $1.250000000e-01, v55;
	v56 =	vld.idx.msk [tilespmem:v59+s14+$0x0], $0xffff  }
0x2e1: {  	v62 =	vor.u32 v9, v46;
	v55 =	vor.u32 v40, v63;
	v57 =	vor.u32 s28, v19  }
0x2e2: {  	v58 =	vor.u32 v43, v62;
	[tilespmem:v61+s17+$0x0] =	vst.idx.msk $0xffff, v54;
	v54 =	vor.u32 v32, v55;
	v55 =	vor.u32 s29, v19  }
0x2e3: {  	v58 =	vor.u32 v32, v58;
	v59 =	vld.idx.msk [tilespmem:v60+s14+$0x0], $0xffff  }
0x2e4: {  	v60 =	vor.u32 v8, v39;
	v52 =	vmul.f32 $1.250000000e-01, v52  }
0x2e5: {  	v61 =	vor.u32 s26, v20;
	v60 =	vor.u32 v38, v60;
	v56 =	vmul.f32 $1.250000000e-01, v56  }
0x2e6: {  	[tilespmem:v57+s17+$0x0] =	vst.idx.msk $0xffff, v52;
	v52 =	vor.u32 v32, v60  }
0x2e7: {  	v54 =	vld.idx.msk [tilespmem:v54+s14+$0x0], $0xffff;
	[tilespmem:v55+s17+$0x0] =	vst.idx.msk $0xffff, v56  }
0x2e8: {  	v53 =	vor.u32 v32, v53;
	v63 =	vmul.f32 $1.250000000e-01, v59;
	v60 =	vor.u32 v8, v41;
	v57 =	vld.idx.msk [tilespmem:v58+s14+$0x0], $0xffff  }
0x2e9: {  	v62 =	vor.u32 v8, v46;
	v56 =	vor.u32 v40, v60;
	v58 =	vor.u32 s28, v20  }
0x2ea: {  	v59 =	vor.u32 v43, v62;
	[tilespmem:v61+s17+$0x0] =	vst.idx.msk $0xffff, v63;
	v55 =	vor.u32 v32, v56;
	v56 =	vor.u32 s29, v20  }
0x2eb: {  	v50 =	vmul.f32 $1.250000000e-01, v50;
	v59 =	vor.u32 v32, v59;
	v52 =	vld.idx.msk [tilespmem:v52+s14+$0x0], $0xffff  }
0x2ec: {  	v47 =	vmul.f32 $1.250000000e-01, v47;
	v60 =	vor.u32 v7, v39;
	v54 =	vmul.f32 $1.250000000e-01, v54  }
0x2ed: {  	[tilespmem:v51+s17+$0x0] =	vst.idx.msk $0xffff, v50;
	v50 =	vor.u32 s26, v21;
	v51 =	vor.u32 v38, v60;
	v57 =	vmul.f32 $1.250000000e-01, v57  }
0x2ee: {  	v53 =	vld.idx.msk [tilespmem:v53+s14+$0x0], $0xffff;
	v60 =	vor.u32 v6, v37;
	v51 =	vor.u32 v32, v51;
	[tilespmem:v58+s17+$0x0] =	vst.idx.msk $0xffff, v54  }
0x2ef: {  	v63 =	vor.u32 v36, v60;
	v60 =	vor.u32 v7, v41;
	v55 =	vld.idx.msk [tilespmem:v55+s14+$0x0], $0xffff;
	[tilespmem:v56+s17+$0x0] =	vst.idx.msk $0xffff, v57  }
0x2f0: {  	v54 =	vor.u32 s24, v22;
	v56 =	vor.u32 v32, v63;
	v52 =	vmul.f32 $1.250000000e-01, v52;
	v58 =	vld.idx.msk [tilespmem:v59+s14+$0x0], $0xffff  }
0x2f1: {  	v57 =	vor.u32 v40, v60;
	v60 =	vor.u32 v7, v46;
	v59 =	vor.u32 s28, v21  }
0x2f2: {  	v61 =	vor.u32 v43, v60;
	[tilespmem:v50+s17+$0x0] =	vst.idx.msk $0xffff, v52;
	v50 =	vor.u32 v32, v57;
	v52 =	vor.u32 s29, v21  }
0x2f3: {  	v53 =	vmul.f32 $1.250000000e-01, v53;
	v57 =	vor.u32 v32, v61;
	v51 =	vld.idx.msk [tilespmem:v51+s14+$0x0], $0xffff  }
0x2f4: {  	[tilespmem:v48+s17+$0x0] =	vst.idx.msk $0xffff, v47;
	v60 =	vor.u32 v6, v39;
	v55 =	vmul.f32 $1.250000000e-01, v55  }
0x2f5: {  	v62 =	vor.u32 v38, v60;
	[tilespmem:v54+s17+$0x0] =	vst.idx.msk $0xffff, v53;
	v53 =	vor.u32 s26, v22;
	v58 =	vmul.f32 $1.250000000e-01, v58  }
0x2f6: {  	v54 =	vor.u32 v32, v62;
	v56 =	vld.idx.msk [tilespmem:v56+s14+$0x0], $0xffff;
	[tilespmem:v59+s17+$0x0] =	vst.idx.msk $0xffff, v55  }
0x2f7: {  	v47 =	vor.u32 s24, v23;
	v61 =	vor.u32 v6, v46;
	v50 =	vld.idx.msk [tilespmem:v50+s14+$0x0], $0xffff;
	[tilespmem:v52+s17+$0x0] =	vst.idx.msk $0xffff, v58  }
0x2f8: {  	v60 =	vor.u32 v6, v41;
	v62 =	vor.u32 v43, v61;
	v63 =	vmul.f32 $1.250000000e-01, v51;
	v52 =	vld.idx.msk [tilespmem:v57+s14+$0x0], $0xffff  }
0x2f9: {  	v49 =	vld.idx.msk [tilespmem:v49+s14+$0x0], $0xffff;
	v55 =	vor.u32 v3, v34;
	v51 =	vor.u32 v40, v60;
	v57 =	vor.u32 s28, v22  }
0x2fa: {  	v59 =	vor.u32 v5, v37;
	v48 =	vor.u32 v32, v51;
	v51 =	vor.u32 s29, v22;
	[tilespmem:v53+s17+$0x0] =	vst.idx.msk $0xffff, v63  }
0x2fb: {  	v63 =	vor.u32 v36, v59;
	v56 =	vmul.f32 $1.250000000e-01, v56;
	v53 =	vor.u32 v32, v62;
	v54 =	vld.idx.msk [tilespmem:v54+s14+$0x0], $0xffff  }
0x2fc: {  	v60 =	vor.u32 v5, v39;
	v58 =	vor.u32 v32, v63;
	v50 =	vmul.f32 $1.250000000e-01, v50  }
0x2fd: {  	v61 =	vor.u32 v38, v60;
	[tilespmem:v47+s17+$0x0] =	vst.idx.msk $0xffff, v56;
	v47 =	vor.u32 s26, v23;
	v52 =	vmul.f32 $1.250000000e-01, v52  }
0x2fe: {  	v49 =	vmul.f32 $1.250000000e-01, v49;
	v55 =	vor.u32 v35, v55;
	v56 =	vor.u32 v32, v61;
	[tilespmem:v57+s17+$0x0] =	vst.idx.msk $0xffff, v50  }
0x2ff: {  	v55 =	vor.u32 v32, v55;
	v60 =	vor.u32 v5, v46;
	v48 =	vld.idx.msk [tilespmem:v48+s14+$0x0], $0xffff;
	[tilespmem:v51+s17+$0x0] =	vst.idx.msk $0xffff, v52  }
0x300: {  	v63 =	vor.u32 v5, v41;
	v50 =	vor.u32 s23, v25;
	v62 =	vmul.f32 $1.250000000e-01, v54;
	v53 =	vld.idx.msk [tilespmem:v53+s14+$0x0], $0xffff  }
0x301: {  	v61 =	vor.u32 v43, v60;
	v57 =	vld.idx.msk [tilespmem:v58+s14+$0x0], $0xffff;
	v58 =	vor.u32 s28, v23;
	v54 =	vor.u32 v40, v63  }
0x302: {  	v51 =	vor.u32 v4, v37;
	v52 =	vor.u32 s29, v23;
	[tilespmem:v47+s17+$0x0] =	vst.idx.msk $0xffff, v62;
	v47 =	vor.u32 v32, v54  }
0x303: {  	v59 =	vor.u32 s24, v24;
	v51 =	vor.u32 v36, v51;
	v54 =	vor.u32 v32, v61;
	v56 =	vld.idx.msk [tilespmem:v56+s14+$0x0], $0xffff  }
0x304: {  	v60 =	vor.u32 v4, v39;
	v51 =	vor.u32 v32, v51;
	v48 =	vmul.f32 $1.250000000e-01, v48  }
0x305: {  	v62 =	vor.u32 v38, v60;
	[tilespmem:v50+s17+$0x0] =	vst.idx.msk $0xffff, v49;
	v49 =	vor.u32 s26, v24;
	v53 =	vmul.f32 $1.250000000e-01, v53  }
0x306: {  	v60 =	vor.u32 v4, v41;
	v55 =	vld.idx.msk [tilespmem:v55+s14+$0x0], $0xffff;
	v57 =	vmul.f32 $1.250000000e-01, v57;
	[tilespmem:v58+s17+$0x0] =	vst.idx.msk $0xffff, v48  }
0x307: {  	v61 =	vor.u32 v4, v46;
	v50 =	vor.u32 v32, v62;
	v47 =	vld.idx.msk [tilespmem:v47+s14+$0x0], $0xffff;
	[tilespmem:v52+s17+$0x0] =	vst.idx.msk $0xffff, v53  }
0x308: {  	v62 =	vor.u32 v43, v61;
	[tilespmem:v59+s17+$0x0] =	vst.idx.msk $0xffff, v57;
	v63 =	vmul.f32 $1.250000000e-01, v56;
	v54 =	vld.idx.msk [tilespmem:v54+s14+$0x0], $0xffff  }
0x309: {  	v61 =	vor.u32 s24, v25;
	v51 =	vld.idx.msk [tilespmem:v51+s14+$0x0], $0xffff;
	v56 =	vor.u32 s28, v24;
	v53 =	vor.u32 v40, v60  }
0x30a: {  	v52 =	vor.u32 s29, v24;
	v60 =	vor.u32 v3, v37;
	[tilespmem:v49+s17+$0x0] =	vst.idx.msk $0xffff, v63;
	v49 =	vor.u32 v32, v53  }
0x30b: {  	v48 =	vor.u32 s23, v26;
	v58 =	vor.u32 v36, v60;
	v53 =	vor.u32 v32, v62  }
0x30c: {  	v60 =	vor.u32 v3, v46;
	v63 =	vor.u32 v2, v34;
	v47 =	vmul.f32 $1.250000000e-01, v47  }
0x30d: {  	v58 =	vor.u32 v32, v58;
	v62 =	vor.u32 v3, v39;
	v54 =	vmul.f32 $1.250000000e-01, v54  }
0x30e: {  	v50 =	vld.idx.msk [tilespmem:v50+s14+$0x0], $0xffff;
	v57 =	vor.u32 v35, v63;
	v63 =	vor.u32 v3, v41;
	[tilespmem:v56+s17+$0x0] =	vst.idx.msk $0xffff, v47  }
0x30f: {  	v55 =	vmul.f32 $1.250000000e-01, v55;
	v57 =	vor.u32 v32, v57;
	v51 =	vmul.f32 $1.250000000e-01, v51;
	v49 =	vld.idx.msk [tilespmem:v49+s14+$0x0], $0xffff;
	[tilespmem:v52+s17+$0x0] =	vst.idx.msk $0xffff, v54  }
0x310: {  	v56 =	vor.u32 s26, v25;
	v47 =	vor.u32 v38, v62;
	v62 =	vor.u32 v2, v37;
	v53 =	vld.idx.msk [tilespmem:v53+s14+$0x0], $0xffff  }
0x311: {  	v47 =	vor.u32 v32, v47;
	[tilespmem:v61+s17+$0x0] =	vst.idx.msk $0xffff, v51;
	v51 =	vor.u32 s28, v25;
	v52 =	vor.u32 v40, v63  }
0x312: {  	v61 =	vor.u32 s29, v25;
	v58 =	vld.idx.msk [tilespmem:v58+s14+$0x0], $0xffff;
	v54 =	vor.u32 v43, v60;
	v52 =	vor.u32 v32, v52  }
0x313: {  	[tilespmem:v48+s17+$0x0] =	vst.idx.msk $0xffff, v55;
	v48 =	vor.u32 v36, v62;
	v50 =	vmul.f32 $1.250000000e-01, v50;
	v54 =	vor.u32 v32, v54  }
0x314: {  	v63 =	vor.u32 s24, v26;
	v48 =	vor.u32 v32, v48;
	v49 =	vmul.f32 $1.250000000e-01, v49  }
0x315: {  	v55 =	vld.idx.msk [tilespmem:v57+s14+$0x0], $0xffff;
	[tilespmem:v56+s17+$0x0] =	vst.idx.msk $0xffff, v50;
	v56 =	vor.u32 v1, v34;
	v53 =	vmul.f32 $1.250000000e-01, v53  }
0x316: {  	v57 =	vor.u32 v2, v39;
	v34 =	vor.u32 v35, v56;
	v35 =	vld.idx.msk [tilespmem:v47+s14+$0x0], $0xffff;
	[tilespmem:v51+s17+$0x0] =	vst.idx.msk $0xffff, v49  }
0x317: {  	v47 =	vor.u32 v38, v57;
	v60 =	vmul.f32 $1.250000000e-01, v58;
	v51 =	vld.idx.msk [tilespmem:v52+s14+$0x0], $0xffff;
	[tilespmem:v61+s17+$0x0] =	vst.idx.msk $0xffff, v53  }
0x318: {  	v47 =	vor.u32 v32, v47;
	v52 =	vor.u32 s26, v26;
	v61 =	vor.u32 v2, v41;
	v54 =	vld.idx.msk [tilespmem:v54+s14+$0x0], $0xffff  }
0x319: {  	v49 =	vor.u32 s28, v26;
	[tilespmem:v63+s17+$0x0] =	vst.idx.msk $0xffff, v60;
	v63 =	vor.u32 v2, v46;
	v62 =	vor.u32 v40, v61  }
0x31a: {  	v56 =	vor.u32 s29, v26;
	v53 =	vor.u32 v43, v63;
	v50 =	vor.u32 v32, v62  }
0x31b: {  	v59 =	vor.u32 s28, v27;
	v35 =	vmul.f32 $1.250000000e-01, v35;
	v53 =	vor.u32 v32, v53  }
0x31c: {  	v57 =	vor.u32 v1, v41;
	v34 =	vor.u32 v32, v34;
	v51 =	vmul.f32 $1.250000000e-01, v51  }
0x31d: {  	v60 =	vor.u32 v1, v37;
	v37 =	vor.u32 s23, v27;
	v48 =	vld.idx.msk [tilespmem:v48+s14+$0x0], $0xffff;
	[tilespmem:v52+s17+$0x0] =	vst.idx.msk $0xffff, v35;
	v62 =	vmul.f32 $1.250000000e-01, v54  }
0x31e: {  	v63 =	vor.u32 v1, v39;
	v61 =	vor.u32 v36, v60;
	v47 =	vld.idx.msk [tilespmem:v47+s14+$0x0], $0xffff;
	[tilespmem:v49+s17+$0x0] =	vst.idx.msk $0xffff, v51  }
0x31f: {  	v55 =	vmul.f32 $1.250000000e-01, v55;
	v60 =	vor.u32 v40, v57;
	v49 =	vor.u32 s24, v27;
	v54 =	vld.idx.msk [tilespmem:v50+s14+$0x0], $0xffff;
	[tilespmem:v56+s17+$0x0] =	vst.idx.msk $0xffff, v62  }
0x320: {  	v36 =	vor.u32 v32, v61;
	v52 =	vor.u32 v38, v63;
	v56 =	vor.u32 s26, v27;
	v58 =	vld.idx.msk [tilespmem:v53+s14+$0x0], $0xffff  }
0x321: {  	v61 =	vor.u32 v1, v46;
	v40 =	vor.u32 v32, v60;
	v38 =	vor.u32 v32, v52  }
0x322: {  	v41 =	vor.u32 v43, v61;
	[tilespmem:v37+s17+$0x0] =	vst.idx.msk $0xffff, v55;
	v48 =	vmul.f32 $1.250000000e-01, v48;
	v62 =	vor.u32 s29, v27  }
0x323: {  	[tilespmem:v42+s17+$0x0] =	vst.idx.msk $0xffff, v45;
	v41 =	vor.u32 v32, v41;
	v34 =	vld.idx.msk [tilespmem:v34+s14+$0x0], $0xffff;
	v52 =	vmul.f32 $1.250000000e-01, v47  }
0x324: {  	v63 =	vld.idx.msk [tilespmem:v44+s14+$0x0], $0xffff;
	[tilespmem:v49+s17+$0x0] =	vst.idx.msk $0xffff, v48;
	v39 =	vmul.f32 $1.250000000e-01, v54  }
0x325: {  	v55 =	vor.u32 s23, v28;
	v36 =	vld.idx.msk [tilespmem:v36+s14+$0x0], $0xffff;
	[tilespmem:v56+s17+$0x0] =	vst.idx.msk $0xffff, v52;
	v54 =	vmul.f32 $1.250000000e-01, v58  }
0x326: {  	v53 =	vor.u32 s22, v28;
	v38 =	vld.idx.msk [tilespmem:v38+s14+$0x0], $0xffff;
	[tilespmem:v59+s17+$0x0] =	vst.idx.msk $0xffff, v39  }
0x327: {  	v56 =	vor.u32 s24, v28;
	v40 =	vld.idx.msk [tilespmem:v40+s14+$0x0], $0xffff;
	[tilespmem:v62+s17+$0x0] =	vst.idx.msk $0xffff, v54  }
0x328: {  	v57 =	vor.u32 s26, v28;
	v34 =	vmul.f32 $1.250000000e-01, v34;
	v41 =	vld.idx.msk [tilespmem:v41+s14+$0x0], $0xffff  }
0x329: {  	v58 =	vmul.f32 $1.250000000e-01, v63;
	v59 =	vor.u32 s28, v28  }
0x32a: {  	v60 =	vor.u32 s29, v28;
	[tilespmem:v55+s17+$0x0] =	vst.idx.msk $0xffff, v34;
	v36 =	vmul.f32 $1.250000000e-01, v36  }
0x32b: {  	[tilespmem:v53+s17+$0x0] =	vst.idx.msk $0xffff, v58;
	v61 =	vmul.f32 $1.250000000e-01, v38  }
0x32c: {  	[tilespmem:v56+s17+$0x0] =	vst.idx.msk $0xffff, v36;
	v62 =	vmul.f32 $1.250000000e-01, v40  }
0x32d: {  	[tilespmem:v57+s17+$0x0] =	vst.idx.msk $0xffff, v61;
	v63 =	vmul.f32 $1.250000000e-01, v41  }
0x32e: {  	[tilespmem:v59+s17+$0x0] =	vst.idx.msk $0xffff, v62  }
0x32f: {  	[tilespmem:v60+s17+$0x0] =	vst.idx.msk $0xffff, v63  }
0x330: {  	s31 =	rddreg [dreg:$0x17]  }
0x331: {  	s3 =	rddreg [dreg:$0x18];
	s1 =	sadd.s32 s21, s31  }
0x332: {  	[hbm4b:s1+s4] =	stream.linear.scatter [tilespmem:s17], [sflag:$0x6], $0x400, $0x38;
	[tilespmem:$0x10200] =	vst v63  }
0x333: {  	s9 =	simm.s32 $0xC600;
	s22 =	rddreg [dreg:$0x19];
	s1 =	sadd.s32 s21, s3  }
0x334: {  	[hbm4b:s1+s4] =	stream.linear.scatter [tilespmem:s9], [sflag:$0x6], $0x400, $0x38;
	[tilespmem:$0x10200] =	vst v63  }
0x335: {  	s23 =	simm.s32 $0xCA00;
	s24 =	rddreg [dreg:$0x1a];
	s1 =	sadd.s32 s21, s22  }
0x336: {  	[hbm4b:s1+s4] =	stream.linear.scatter [tilespmem:s23], [sflag:$0x6], $0x400, $0x38;
	[tilespmem:$0x10200] =	vst v63  }
0x337: {  	s26 =	simm.s32 $0xCE00;
	s28 =	rddreg [dreg:$0x1b];
	s1 =	sadd.s32 s21, s24  }
0x338: {  	[hbm4b:s1+s4] =	stream.linear.scatter [tilespmem:s26], [sflag:$0x6], $0x400, $0x38;
	[tilespmem:$0x10200] =	vst v63  }
0x339: {  	s29 =	simm.s32 $0xD200;
	s30 =	rddreg [dreg:$0x1c];
	s1 =	sadd.s32 s21, s28  }
0x33a: {  	[hbm4b:s1+s4] =	stream.linear.scatter [tilespmem:s29], [sflag:$0x6], $0x400, $0x38;
	[tilespmem:$0x10200] =	vst v63  }
0x33b: {  	s31 =	simm.s32 $0xD600;
	s3 =	rddreg [dreg:$0x1d];
	s1 =	sadd.s32 s21, s30  }
0x33c: {  	[hbm4b:s1+s4] =	stream.linear.scatter [tilespmem:s31], [sflag:$0x6], $0x400, $0x38;
	[tilespmem:$0x10200] =	vst v63  }
0x33d: {  	s9 =	simm.s32 $0xDA00;
	s22 =	rddreg [dreg:$0x1e];
	s1 =	sadd.s32 s21, s3  }
0x33e: {  	[hbm4b:s1+s4] =	stream.linear.scatter [tilespmem:s9], [sflag:$0x6], $0x400, $0x38;
	[tilespmem:$0x10200] =	vst v63  }
0x33f: {  	s23 =	simm.s32 $0xDE00;
	s1 =	sadd.s32 s21, s22  }
0x340: {  	[hbm4b:s1+s4] =	stream.linear.scatter [tilespmem:s23], [sflag:$0x6], $0x400, $0x38;
	[tilespmem:$0x10200] =	vst v63  }
0x341: {  	s24 =	sadd.s32 s21, s25;
	s26 =	simm.s32 $0xE200  }
0x342: {  	[hbm4b:s24+s4] =	stream.linear.scatter [tilespmem:s26], [sflag:$0x6], $0x400, $0x38;
	[tilespmem:$0x10200] =	vst v63  }
0x343: {  	s28 =	sadd.s32 s21, s8;
	s29 =	simm.s32 $0xE600  }
0x344: {  	[hbm4b:s28+s4] =	stream.linear.scatter [tilespmem:s29], [sflag:$0x6], $0x400, $0x38;
	[tilespmem:$0x10200] =	vst v63  }
0x345: {  	s30 =	sadd.s32 s21, s2;
	s31 =	simm.s32 $0xEA00  }
0x346: {  	[hbm4b:s30+s4] =	stream.linear.scatter [tilespmem:s31], [sflag:$0x6], $0x400, $0x38;
	[tilespmem:$0x10200] =	vst v63  }
0x347: {  	s3 =	sadd.s32 s21, s0;
	s9 =	simm.s32 $0xEE00  }
0x348: {  	[hbm4b:s3+s4] =	stream.linear.scatter [tilespmem:s9], [sflag:$0x6], $0x400, $0x38;
	[tilespmem:$0x10200] =	vst v63  }
0x349: {  	s22 =	sadd.s32 s21, s6;
	s23 =	simm.s32 $0xF200  }
0x34a: {  	[hbm4b:s22+s4] =	stream.linear.scatter [tilespmem:s23], [sflag:$0x6], $0x400, $0x38;
	[tilespmem:$0x10200] =	vst v63  }
0x34b: {  	s24 =	sadd.s32 s21, s10;
	s26 =	simm.s32 $0xF600  }
0x34c: {  	[hbm4b:s24+s4] =	stream.linear.scatter [tilespmem:s26], [sflag:$0x6], $0x400, $0x38;
	[tilespmem:$0x10200] =	vst v63  }
.Ltmp6:
0x34d: {  	_ = 	snop;
	(pc) =	sbr.rel @p0 .LBB2_11-.Ltmp6, $4  }
0x34e: {  	s28 =	sadd.s32 s21, s11;
	s29 =	simm.s32 $0xFA00  }
0x34f: {  	[hbm4b:s28+s4] =	stream.linear.scatter [tilespmem:s29], [sflag:$0x6], $0x400, $0x38;
	[tilespmem:$0x10200] =	vst v63  }
0x350: {  	s30 =	sadd.s32 s21, s12;
	s31 =	simm.s32 $0xFE00  }
0x351: {  	[hbm4b:s30+s4] =	stream.linear.scatter [tilespmem:s31], [sflag:$0x6], $0x400, $0x38;
	[tilespmem:$0x10200] =	vst v63  }
.Ltmp7:
0x352: {  	(pc) =	sbr.rel .LBB2_2-.Ltmp7, $4  }
0x353: {  	_ =	swait.ge [sflag:s19], $0x100  }
0x354: {  	[sflag:s19] =	ssyncset.done $0x0  }
0x355: {  	s1 =	simm.s32 $0x100;
	s20 =	sadd.s32 $0x1, s20;
	[sflag:s19] =	ssyncadd.s32 $0xFFFFFF00  }
0x356: {  	[tilespmem:s14], [sflag:$0x4] =	stream.indirect.gather [hbm4b:s7+s1], $0x40, s1, s1, $0xb8;
	[tilespmem:$0x10200] =	vst v63  }
.LBB2_12:
0x357: {  	_ =	sfence.sel $0x180000  }
0x358: {  	[bflag:$0x0] =	sbarrier.arrive $0xFFFF  }
0x359: {  	_ =	strace $0x90000047  }
0x35a: {  	s0 =	stileid.u32;
	[bflag:$0x2] =	sbarrier.arrive $0xFFFF  }
0x35b: {  	p0 =	sne.s32 s0, $0x0;
	s0 =	rddreg [dreg:$0x3]  }
0x35c: {  	s0 =	sadd.s32 @!p0 $0x100000, s0  }
0x35d: {  	[sflag:s0] =	ssyncadd.tile.s32 @!p0 $0x1;
	_ =	shalt  }
.Lfunc_end2:
_tile_overlayer_lowered:
.L_overlay_start_2:
0x35e: {  	(tag) =	ssettag $0x2  }
0x35f: {  	s0 =	rddreg [dreg:$0x0];
	s2 =	stileid.u32  }
0x360: {  	s1 =	rddreg [dreg:$0x1];
	p0 =	sne.s32 s2, $0x0  }
0x361: {  	s3 =	rddreg [dreg:$0x2];
	[bflag:$0x3] =	sbarrier.arrive $0xFFFF;
	s2 =	simm.s32 @!p0 $0x1C07  }
0x362: {  	[timem:s3], [sflag:s2] =	dma.local @!p0 [hbm:s0], s1  }
0x363: {  	s0 =	simm.s32 @!p0 $0x7  }
0x364: {  	_ =	swait.ge @!p0 [sflag:s0], s1  }
0x365: {  	s1 =	ssub.s32 @!p0 $0x0, s1;
	[sflag:s0] =	ssyncset.done @!p0 $0x0  }
0x366: {  	[sflag:s0] =	ssyncadd.s32 @!p0 s1  }
0x367: {  	[bflag:$0x3] =	sbarrier.arrive $0xFFFF  }
0x368: {  	_ =	shalt  }

</sc_bundles>
